<compile_context>
chip_gen: v7x
topology: tpu7x:2x2x1
jax: 0.10.2.dev20260603
libtpu: 0.0.44.dev20260713+nightly
codegen_flags: <defaults>
</compile_context>

<pallas_src>
import functools

import jax
import jax.numpy as jnp
from jax import lax
from jax.experimental import pallas as pl
from jax.experimental.pallas import tpu as pltpu
from jax.experimental.pallas import tpu_sc as plsc

VOCAB = 100000
EMBED = 128
MAX_LEN = 512
BATCH = 1024
SEQ = 200
SCALE = float(EMBED) ** 0.5

NC, NS = 2, 16
NW = NC * NS
TOKENS = BATCH * SEQ
TOK_PER_W = TOKENS // NW
SEQ_PER_W = TOK_PER_W // SEQ
CHUNK = 40
NCHUNK = SEQ // CHUNK
LANES = 16
NBUF = 3


def _pe_slice():
    x = jnp.arange(MAX_LEN, dtype=jnp.float32).reshape((-1, 1)) / jnp.power(
        10000.0, jnp.arange(0, EMBED, 2, dtype=jnp.float32) / EMBED)
    pe = jnp.zeros((MAX_LEN, EMBED), dtype=jnp.float32)
    pe = pe.at[:, 0::2].set(jnp.sin(x))
    pe = pe.at[:, 1::2].set(jnp.sin(x))
    return pe[:SEQ]


def _emb_body(x_hbm, table_hbm, pe_hbm, out_hbm,
              pe_v, idx_v, rows0, rows1, rows2,
              sg0, sg1, sg2, so0, so1, so2):
    wid = lax.axis_index("s") * NC + lax.axis_index("c")
    base = wid * TOK_PER_W
    rows = (rows0, rows1, rows2)
    sg = (sg0, sg1, sg2)
    so = (so0, so1, so2)

    pltpu.sync_copy(x_hbm.at[pl.ds(base, TOK_PER_W)], idx_v)
    pe_cp = pltpu.make_async_copy(pe_hbm, pe_v, so2)
    pe_cp.start()

    def gather_copies(j, b):
        off = pl.multiple_of(j * SEQ, 8)
        return [pltpu.make_async_copy(
            table_hbm.at[idx_v.at[pl.ds(off + c * CHUNK, CHUNK)]],
            rows[b].at[pl.ds(c * CHUNK, CHUNK)], sg[b])
            for c in range(NCHUNK)]

    def fire(j, b):
        for cp in gather_copies(j, b):
            cp.start()

    def wait_gather(j, b):
        for cp in gather_copies(j, b):
            cp.wait()

    def out_copy(j, b):
        off = pl.multiple_of(base + j * SEQ, 8)
        return pltpu.make_async_copy(rows[b], out_hbm.at[pl.ds(off, SEQ)],
                                     so[b])

    def compute(b, lo=0, hi=SEQ):
        r = rows[b]

        def tok_body(t2, tc):
            for u in range(2):
                t = t2 * 2 + u
                for d in range(EMBED // LANES):
                    s = pl.ds(d * LANES, LANES)
                    r[t, s] = r[t, s] * SCALE + pe_v[t, s]
            return tc
        lax.fori_loop(lo // 2, hi // 2, tok_body, 0, unroll=False)

    def step(j, d, first, fire_next=True):
        bf = (d + 1) % NBUF
        if first is None:
            out_copy(j - 2, bf).wait()
        elif not first:
            @pl.when(j >= 2)
            def _():
                out_copy(j - 2, bf).wait()
        if fire_next:
            fire(j + 1, bf)
        wait_gather(j, d)
        compute(d)
        out_copy(j, d).start()

    fire(0, 0)
    pe_cp.wait()

    def body(k, carry):
        j0 = k * NBUF
        step(j0 + 0, 0, first=False)
        step(j0 + 1, 1, first=False)
        step(j0 + 2, 2, first=None)
        return carry

    lax.fori_loop(0, 10, body, 0, unroll=False)
    step(30, 0, first=None)
    out_copy(29, 2).wait()
    wait_gather(31, 1)
    compute(1, 0, 104)
    part_off = pl.multiple_of(base + 31 * SEQ, 8)
    head = pltpu.make_async_copy(
        rows[1].at[pl.ds(0, 104)], out_hbm.at[pl.ds(part_off, 104)], so[1])
    head.start()
    compute(1, 104, SEQ)
    tail = pltpu.make_async_copy(
        rows[1].at[pl.ds(104, 96)], out_hbm.at[pl.ds(part_off + 104, 96)],
        so[1])
    tail.start()
    out_copy(30, 0).wait()
    head.wait()
    tail.wait()


@jax.jit
def _emb(Xf, table, pe):
    mesh = plsc.VectorSubcoreMesh(core_axis_name="c", subcore_axis_name="s")
    f = functools.partial(
        pl.kernel,
        out_type=jax.ShapeDtypeStruct((TOKENS, EMBED), jnp.float32),
        mesh=mesh,
        scratch_types=[
            pltpu.VMEM((SEQ, EMBED), jnp.float32),
            pltpu.VMEM((TOK_PER_W,), jnp.int32),
            pltpu.VMEM((SEQ, EMBED), jnp.float32),
            pltpu.VMEM((SEQ, EMBED), jnp.float32),
            pltpu.VMEM((SEQ, EMBED), jnp.float32),
            pltpu.SemaphoreType.DMA,
            pltpu.SemaphoreType.DMA,
            pltpu.SemaphoreType.DMA,
            pltpu.SemaphoreType.DMA,
            pltpu.SemaphoreType.DMA,
            pltpu.SemaphoreType.DMA,
        ],
    )(_emb_body)
    return f(Xf, table, pe)


def kernel(X, table):
    pe = _pe_slice()
    out = _emb(X.reshape(TOKENS), table, pe)
    return out.reshape(BATCH, SEQ, EMBED)

# --- scband reference (transcript-rebuilt; emitter-appended) ---
"""Pipeline reference for scband-transformer-embedding-73512660238805 (READ-ONLY COPY).

The authoritative reference and input builder live on the scoring server;
editing this copy changes nothing except your own understanding.
"""

import jax, jax.numpy as jnp
import numpy as np

VOCAB = 100000
EMBED = 128
MAX_LEN = 512
BATCH = 1024
SEQ = 200


def make_positional_encoding():
    positions = jnp.zeros((1, MAX_LEN, EMBED), dtype=jnp.float32)
    x = jnp.arange(MAX_LEN, dtype=jnp.float32).reshape((-1, 1)) / jnp.power(
        10000.0, jnp.arange(0, EMBED, 2, dtype=jnp.float32) / EMBED)
    positions = positions.at[:, :, 0::2].set(jnp.sin(x))
    positions = positions.at[:, :, 1::2].set(jnp.sin(x))
    return positions


def setup_inputs(seed: int = 0) -> dict:
    key = jax.random.key(seed)
    k1, k2 = jax.random.split(key)
    X = jax.random.randint(k1, (BATCH, SEQ), 0, VOCAB, dtype=jnp.int32)
    table = jax.random.normal(k2, (VOCAB, EMBED), dtype=jnp.float32)
    table = table.at[1].set(0.0)  # padding_idx=1 row zeroed like nn.Embedding
    return {"X": X, "table": table}


def reference(X, table):
    # token_embedding = embedding(X) * embed_dim ** 0.5
    token_embedding = jnp.take(table, X, axis=0) * (EMBED ** 0.5)
    # positional encoding truncated to seq len (note: original uses sin for
    # both even and odd channels; kept faithful)
    pe = make_positional_encoding()
    out = token_embedding + pe[:, :X.shape[1]]
    # dropout is identity in eval mode
    return out

if __name__ == "__main__":
    import jax
    _d = setup_inputs()
    print(jax.jit(kernel)(*tuple(_d.values())))

</pallas_src>

<mosaic_0001>
#map = affine_map<(d0, d1) -> (0)>
#map1 = affine_map<(d0, d1) -> (0, 0)>
module attributes {stable_mosaic.version = 14 : i64} {
  func.func @_emb_body(%arg0: i32, %arg1: i32, %arg2: memref<204800xi32, #tpu.memory_space<hbm>>, %arg3: memref<100000x128xf32, #tpu.memory_space<hbm>>, %arg4: memref<200x128xf32, #tpu.memory_space<hbm>>, %arg5: memref<204800x128xf32, #tpu.memory_space<hbm>>, %arg6: memref<200x128xf32, #tpu.memory_space<vmem>>, %arg7: memref<6400xi32, #tpu.memory_space<vmem>>, %arg8: memref<200x128xf32, #tpu.memory_space<vmem>>, %arg9: memref<200x128xf32, #tpu.memory_space<vmem>>, %arg10: memref<200x128xf32, #tpu.memory_space<vmem>>, %arg11: memref<!tpu.dma_semaphore, #tpu.memory_space<semaphore_mem>>, %arg12: memref<!tpu.dma_semaphore, #tpu.memory_space<semaphore_mem>>, %arg13: memref<!tpu.dma_semaphore, #tpu.memory_space<semaphore_mem>>, %arg14: memref<!tpu.dma_semaphore, #tpu.memory_space<semaphore_mem>>, %arg15: memref<!tpu.dma_semaphore, #tpu.memory_space<semaphore_mem>>, %arg16: memref<!tpu.dma_semaphore, #tpu.memory_space<semaphore_mem>>) attributes {dimension_semantics = [#tpu.dimension_semantics<core_parallel>, #tpu.dimension_semantics<subcore_parallel>], iteration_bounds = array<i64: 2, 16>, scalar_prefetch = 0 : i64, scratch_operands = 11 : i64, tpu.core_type = #tpu.core_type<sc_vector_subcore>, window_params = [{transform_indices = #map}, {transform_indices = #map1}, {transform_indices = #map1}, {transform_indices = #map1}]} {
    %mul3A = arith.constant 2 : i32
    %mul3A_0 = arith.muli %arg1, %mul3A : i32
    %add3A = arith.addi %mul3A_0, %arg0 : i32
    %mul3A_1 = arith.constant 6400 : i32
    %mul3A_2 = arith.muli %add3A, %mul3A_1 : i32
    "tpu.region"() ({
      %run_scoped3A = tpu.sem_alloc : memref<!tpu.dma_semaphore, #tpu.memory_space<semaphore_mem>>
      %dma_start3A_284 = tpu.memref_slice %arg2[%mul3A_2] : memref<204800xi32, #tpu.memory_space<hbm>> -> memref<6400xi32, #tpu.memory_space<hbm>>
      %dma_start3A_285 = tpu.memref_slice %arg2[%mul3A_2] : memref<204800xi32, #tpu.memory_space<hbm>> -> memref<6400xi32, #tpu.memory_space<hbm>>
      tpu.enqueue_dma source(%dma_start3A_285 : memref<6400xi32, #tpu.memory_space<hbm>>) target(%arg7 : memref<6400xi32, #tpu.memory_space<vmem>>) target_semaphore(%run_scoped3A : memref<!tpu.dma_semaphore, #tpu.memory_space<semaphore_mem>>)
      %dma_wait3A_286 = tpu.memref_slice %arg2[%mul3A_2] : memref<204800xi32, #tpu.memory_space<hbm>> -> memref<6400xi32, #tpu.memory_space<hbm>>
      %dma_wait3A_287 = tpu.memref_slice %arg2[%mul3A_2] : memref<204800xi32, #tpu.memory_space<hbm>> -> memref<6400xi32, #tpu.memory_space<hbm>>
      tpu.wait_dma2 semaphore(%run_scoped3A : memref<!tpu.dma_semaphore, #tpu.memory_space<semaphore_mem>>) src(%dma_wait3A_287 : memref<6400xi32, #tpu.memory_space<hbm>>) dst(%arg7 : memref<6400xi32, #tpu.memory_space<vmem>>)
      tpu.yield
    }) : () -> ()
    tpu.enqueue_dma source(%arg4 : memref<200x128xf32, #tpu.memory_space<hbm>>) target(%arg6 : memref<200x128xf32, #tpu.memory_space<vmem>>) target_semaphore(%arg16 : memref<!tpu.dma_semaphore, #tpu.memory_space<semaphore_mem>>)
    %multiple_of3A = arith.constant 0 : i32
    %multiple_of3A_3 = tpu.assume_multiple %multiple_of3A, 8 : i32
    %add3A_4 = arith.constant 0 : i32
    %add3A_5 = arith.addi %multiple_of3A_3, %add3A_4 : i32
    %add3A_6 = arith.constant 40 : i32
    %add3A_7 = arith.addi %multiple_of3A_3, %add3A_6 : i32
    %add3A_8 = arith.constant 80 : i32
    %add3A_9 = arith.addi %multiple_of3A_3, %add3A_8 : i32
    %add3A_10 = arith.constant 120 : i32
    %add3A_11 = arith.addi %multiple_of3A_3, %add3A_10 : i32
    %add3A_12 = arith.constant 160 : i32
    %add3A_13 = arith.addi %multiple_of3A_3, %add3A_12 : i32
    %dma_start3A = arith.constant 0 : i32
    %dma_start3A_14 = arith.constant 0 : i32
    %dma_start3A_15 = tpu.memref_slice %arg8[%dma_start3A, %dma_start3A_14] : memref<200x128xf32, #tpu.memory_space<vmem>> -> memref<40x128xf32, #tpu.memory_space<vmem>>
    %dma_start3A_16 = tpu.memref_slice %arg7[%add3A_5] : memref<6400xi32, #tpu.memory_space<vmem>> -> memref<40xi32, #tpu.memory_space<vmem>>
    %dma_start3A_17 = arith.constant 0 : i32
    %dma_start3A_18 = arith.constant 0 : i32
    %dma_start3A_19 = tpu.memref_slice %arg3[%dma_start3A_17, %dma_start3A_18] : memref<100000x128xf32, #tpu.memory_space<hbm>> -> memref<100000x128xf32, #tpu.memory_space<hbm>>
    tpu.enqueue_indirect_dma source(%dma_start3A_19 : memref<100000x128xf32, #tpu.memory_space<hbm>>) target(%dma_start3A_15 : memref<40x128xf32, #tpu.memory_space<vmem>>) offsets(%dma_start3A_16 : memref<40xi32, #tpu.memory_space<vmem>>) semaphore(%arg11 : memref<!tpu.dma_semaphore, #tpu.memory_space<semaphore_mem>>)
    %dma_start3A_20 = arith.constant 40 : i32
    %dma_start3A_21 = arith.constant 0 : i32
    %dma_start3A_22 = tpu.memref_slice %arg8[%dma_start3A_20, %dma_start3A_21] : memref<200x128xf32, #tpu.memory_space<vmem>> -> memref<40x128xf32, #tpu.memory_space<vmem>>
    %dma_start3A_23 = tpu.memref_slice %arg7[%add3A_7] : memref<6400xi32, #tpu.memory_space<vmem>> -> memref<40xi32, #tpu.memory_space<vmem>>
    %dma_start3A_24 = arith.constant 0 : i32
    %dma_start3A_25 = arith.constant 0 : i32
    %dma_start3A_26 = tpu.memref_slice %arg3[%dma_start3A_24, %dma_start3A_25] : memref<100000x128xf32, #tpu.memory_space<hbm>> -> memref<100000x128xf32, #tpu.memory_space<hbm>>
    tpu.enqueue_indirect_dma source(%dma_start3A_26 : memref<100000x128xf32, #tpu.memory_space<hbm>>) target(%dma_start3A_22 : memref<40x128xf32, #tpu.memory_space<vmem>>) offsets(%dma_start3A_23 : memref<40xi32, #tpu.memory_space<vmem>>) semaphore(%arg11 : memref<!tpu.dma_semaphore, #tpu.memory_space<semaphore_mem>>)
    %dma_start3A_27 = arith.constant 80 : i32
    %dma_start3A_28 = arith.constant 0 : i32
    %dma_start3A_29 = tpu.memref_slice %arg8[%dma_start3A_27, %dma_start3A_28] : memref<200x128xf32, #tpu.memory_space<vmem>> -> memref<40x128xf32, #tpu.memory_space<vmem>>
    %dma_start3A_30 = tpu.memref_slice %arg7[%add3A_9] : memref<6400xi32, #tpu.memory_space<vmem>> -> memref<40xi32, #tpu.memory_space<vmem>>
    %dma_start3A_31 = arith.constant 0 : i32
    %dma_start3A_32 = arith.constant 0 : i32
    %dma_start3A_33 = tpu.memref_slice %arg3[%dma_start3A_31, %dma_start3A_32] : memref<100000x128xf32, #tpu.memory_space<hbm>> -> memref<100000x128xf32, #tpu.memory_space<hbm>>
    tpu.enqueue_indirect_dma source(%dma_start3A_33 : memref<100000x128xf32, #tpu.memory_space<hbm>>) target(%dma_start3A_29 : memref<40x128xf32, #tpu.memory_space<vmem>>) offsets(%dma_start3A_30 : memref<40xi32, #tpu.memory_space<vmem>>) semaphore(%arg11 : memref<!tpu.dma_semaphore, #tpu.memory_space<semaphore_mem>>)
    %dma_start3A_34 = arith.constant 120 : i32
    %dma_start3A_35 = arith.constant 0 : i32
    %dma_start3A_36 = tpu.memref_slice %arg8[%dma_start3A_34, %dma_start3A_35] : memref<200x128xf32, #tpu.memory_space<vmem>> -> memref<40x128xf32, #tpu.memory_space<vmem>>
    %dma_start3A_37 = tpu.memref_slice %arg7[%add3A_11] : memref<6400xi32, #tpu.memory_space<vmem>> -> memref<40xi32, #tpu.memory_space<vmem>>
    %dma_start3A_38 = arith.constant 0 : i32
    %dma_start3A_39 = arith.constant 0 : i32
    %dma_start3A_40 = tpu.memref_slice %arg3[%dma_start3A_38, %dma_start3A_39] : memref<100000x128xf32, #tpu.memory_space<hbm>> -> memref<100000x128xf32, #tpu.memory_space<hbm>>
    tpu.enqueue_indirect_dma source(%dma_start3A_40 : memref<100000x128xf32, #tpu.memory_space<hbm>>) target(%dma_start3A_36 : memref<40x128xf32, #tpu.memory_space<vmem>>) offsets(%dma_start3A_37 : memref<40xi32, #tpu.memory_space<vmem>>) semaphore(%arg11 : memref<!tpu.dma_semaphore, #tpu.memory_space<semaphore_mem>>)
    %dma_start3A_41 = arith.constant 160 : i32
    %dma_start3A_42 = arith.constant 0 : i32
    %dma_start3A_43 = tpu.memref_slice %arg8[%dma_start3A_41, %dma_start3A_42] : memref<200x128xf32, #tpu.memory_space<vmem>> -> memref<40x128xf32, #tpu.memory_space<vmem>>
    %dma_start3A_44 = tpu.memref_slice %arg7[%add3A_13] : memref<6400xi32, #tpu.memory_space<vmem>> -> memref<40xi32, #tpu.memory_space<vmem>>
    %dma_start3A_45 = arith.constant 0 : i32
    %dma_start3A_46 = arith.constant 0 : i32
    %dma_start3A_47 = tpu.memref_slice %arg3[%dma_start3A_45, %dma_start3A_46] : memref<100000x128xf32, #tpu.memory_space<hbm>> -> memref<100000x128xf32, #tpu.memory_space<hbm>>
    tpu.enqueue_indirect_dma source(%dma_start3A_47 : memref<100000x128xf32, #tpu.memory_space<hbm>>) target(%dma_start3A_43 : memref<40x128xf32, #tpu.memory_space<vmem>>) offsets(%dma_start3A_44 : memref<40xi32, #tpu.memory_space<vmem>>) semaphore(%arg11 : memref<!tpu.dma_semaphore, #tpu.memory_space<semaphore_mem>>)
    tpu.wait_dma2 semaphore(%arg16 : memref<!tpu.dma_semaphore, #tpu.memory_space<semaphore_mem>>) src(%arg4 : memref<200x128xf32, #tpu.memory_space<hbm>>) dst(%arg6 : memref<200x128xf32, #tpu.memory_space<vmem>>)
    %scan3A = arith.constant 0 : i32
    %scan3A_48 = arith.constant 0 : i32
    %scan3A_49 = arith.constant 10 : i32
    %scan3A_50 = arith.addi %scan3A_48, %scan3A_49 : i32
    %scan3A_51 = arith.constant 1 : i32
    scf.for %scan3A_284 = %scan3A_48 to %scan3A_50 step %scan3A_51  : i32 {
      %mul3A_285 = arith.constant 3 : i32
      %mul3A_286 = arith.muli %scan3A_284, %mul3A_285 : i32
      %add3A_287 = arith.constant 0 : i32
      %add3A_288 = arith.addi %mul3A_286, %add3A_287 : i32
      %ge3A = arith.constant 2 : i32
      %ge3A_289 = arith.cmpi sge, %add3A_288, %ge3A : i32
      %convert_element_type3A = arith.extui %ge3A_289 : i1 to i32
      %cond3A = arith.constant 0 : i32
      %cond3A_290 = arith.cmpi ne, %convert_element_type3A, %cond3A : i32
      scf.if %cond3A_290 {
        %sub3A_645 = arith.constant 2 : i32
        %sub3A_646 = arith.subi %add3A_288, %sub3A_645 : i32
        %mul3A_647 = arith.constant 200 : i32
        %mul3A_648 = arith.muli %sub3A_646, %mul3A_647 : i32
        %add3A_649 = arith.addi %mul3A_2, %mul3A_648 : i32
        %multiple_of3A_650 = tpu.assume_multiple %add3A_649, 8 : i32
        %dma_wait3A_651 = arith.constant 0 : i32
        %dma_wait3A_652 = tpu.memref_slice %arg5[%multiple_of3A_650, %dma_wait3A_651] : memref<204800x128xf32, #tpu.memory_space<hbm>> -> memref<200x128xf32, #tpu.memory_space<hbm>>
        %dma_wait3A_653 = arith.constant 0 : i32
        %dma_wait3A_654 = tpu.memref_slice %arg5[%multiple_of3A_650, %dma_wait3A_653] : memref<204800x128xf32, #tpu.memory_space<hbm>> -> memref<200x128xf32, #tpu.memory_space<hbm>>
        tpu.wait_dma2 semaphore(%arg15 : memref<!tpu.dma_semaphore, #tpu.memory_space<semaphore_mem>>) src(%arg9 : memref<200x128xf32, #tpu.memory_space<vmem>>) dst(%dma_wait3A_654 : memref<200x128xf32, #tpu.memory_space<hbm>>)
      } else {
      }
      %add3A_291 = arith.constant 1 : i32
      %add3A_292 = arith.addi %add3A_288, %add3A_291 : i32
      %mul3A_293 = arith.constant 200 : i32
      %mul3A_294 = arith.muli %add3A_292, %mul3A_293 : i32
      %multiple_of3A_295 = tpu.assume_multiple %mul3A_294, 8 : i32
      %add3A_296 = arith.constant 0 : i32
      %add3A_297 = arith.addi %multiple_of3A_295, %add3A_296 : i32
      %add3A_298 = arith.constant 40 : i32
      %add3A_299 = arith.addi %multiple_of3A_295, %add3A_298 : i32
      %add3A_300 = arith.constant 80 : i32
      %add3A_301 = arith.addi %multiple_of3A_295, %add3A_300 : i32
      %add3A_302 = arith.constant 120 : i32
      %add3A_303 = arith.addi %multiple_of3A_295, %add3A_302 : i32
      %add3A_304 = arith.constant 160 : i32
      %add3A_305 = arith.addi %multiple_of3A_295, %add3A_304 : i32
      %dma_start3A_306 = arith.constant 0 : i32
      %dma_start3A_307 = arith.constant 0 : i32
      %dma_start3A_308 = tpu.memref_slice %arg9[%dma_start3A_306, %dma_start3A_307] : memref<200x128xf32, #tpu.memory_space<vmem>> -> memref<40x128xf32, #tpu.memory_space<vmem>>
      %dma_start3A_309 = tpu.memref_slice %arg7[%add3A_297] : memref<6400xi32, #tpu.memory_space<vmem>> -> memref<40xi32, #tpu.memory_space<vmem>>
      %dma_start3A_310 = arith.constant 0 : i32
      %dma_start3A_311 = arith.constant 0 : i32
      %dma_start3A_312 = tpu.memref_slice %arg3[%dma_start3A_310, %dma_start3A_311] : memref<100000x128xf32, #tpu.memory_space<hbm>> -> memref<100000x128xf32, #tpu.memory_space<hbm>>
      tpu.enqueue_indirect_dma source(%dma_start3A_312 : memref<100000x128xf32, #tpu.memory_space<hbm>>) target(%dma_start3A_308 : memref<40x128xf32, #tpu.memory_space<vmem>>) offsets(%dma_start3A_309 : memref<40xi32, #tpu.memory_space<vmem>>) semaphore(%arg12 : memref<!tpu.dma_semaphore, #tpu.memory_space<semaphore_mem>>)
      %dma_start3A_313 = arith.constant 40 : i32
      %dma_start3A_314 = arith.constant 0 : i32
      %dma_start3A_315 = tpu.memref_slice %arg9[%dma_start3A_313, %dma_start3A_314] : memref<200x128xf32, #tpu.memory_space<vmem>> -> memref<40x128xf32, #tpu.memory_space<vmem>>
      %dma_start3A_316 = tpu.memref_slice %arg7[%add3A_299] : memref<6400xi32, #tpu.memory_space<vmem>> -> memref<40xi32, #tpu.memory_space<vmem>>
      %dma_start3A_317 = arith.constant 0 : i32
      %dma_start3A_318 = arith.constant 0 : i32
      %dma_start3A_319 = tpu.memref_slice %arg3[%dma_start3A_317, %dma_start3A_318] : memref<100000x128xf32, #tpu.memory_space<hbm>> -> memref<100000x128xf32, #tpu.memory_space<hbm>>
      tpu.enqueue_indirect_dma source(%dma_start3A_319 : memref<100000x128xf32, #tpu.memory_space<hbm>>) target(%dma_start3A_315 : memref<40x128xf32, #tpu.memory_space<vmem>>) offsets(%dma_start3A_316 : memref<40xi32, #tpu.memory_space<vmem>>) semaphore(%arg12 : memref<!tpu.dma_semaphore, #tpu.memory_space<semaphore_mem>>)
      %dma_start3A_320 = arith.constant 80 : i32
      %dma_start3A_321 = arith.constant 0 : i32
      %dma_start3A_322 = tpu.memref_slice %arg9[%dma_start3A_320, %dma_start3A_321] : memref<200x128xf32, #tpu.memory_space<vmem>> -> memref<40x128xf32, #tpu.memory_space<vmem>>
      %dma_start3A_323 = tpu.memref_slice %arg7[%add3A_301] : memref<6400xi32, #tpu.memory_space<vmem>> -> memref<40xi32, #tpu.memory_space<vmem>>
      %dma_start3A_324 = arith.constant 0 : i32
      %dma_start3A_325 = arith.constant 0 : i32
      %dma_start3A_326 = tpu.memref_slice %arg3[%dma_start3A_324, %dma_start3A_325] : memref<100000x128xf32, #tpu.memory_space<hbm>> -> memref<100000x128xf32, #tpu.memory_space<hbm>>
      tpu.enqueue_indirect_dma source(%dma_start3A_326 : memref<100000x128xf32, #tpu.memory_space<hbm>>) target(%dma_start3A_322 : memref<40x128xf32, #tpu.memory_space<vmem>>) offsets(%dma_start3A_323 : memref<40xi32, #tpu.memory_space<vmem>>) semaphore(%arg12 : memref<!tpu.dma_semaphore, #tpu.memory_space<semaphore_mem>>)
      %dma_start3A_327 = arith.constant 120 : i32
      %dma_start3A_328 = arith.constant 0 : i32
      %dma_start3A_329 = tpu.memref_slice %arg9[%dma_start3A_327, %dma_start3A_328] : memref<200x128xf32, #tpu.memory_space<vmem>> -> memref<40x128xf32, #tpu.memory_space<vmem>>
      %dma_start3A_330 = tpu.memref_slice %arg7[%add3A_303] : memref<6400xi32, #tpu.memory_space<vmem>> -> memref<40xi32, #tpu.memory_space<vmem>>
      %dma_start3A_331 = arith.constant 0 : i32
      %dma_start3A_332 = arith.constant 0 : i32
      %dma_start3A_333 = tpu.memref_slice %arg3[%dma_start3A_331, %dma_start3A_332] : memref<100000x128xf32, #tpu.memory_space<hbm>> -> memref<100000x128xf32, #tpu.memory_space<hbm>>
      tpu.enqueue_indirect_dma source(%dma_start3A_333 : memref<100000x128xf32, #tpu.memory_space<hbm>>) target(%dma_start3A_329 : memref<40x128xf32, #tpu.memory_space<vmem>>) offsets(%dma_start3A_330 : memref<40xi32, #tpu.memory_space<vmem>>) semaphore(%arg12 : memref<!tpu.dma_semaphore, #tpu.memory_space<semaphore_mem>>)
      %dma_start3A_334 = arith.constant 160 : i32
      %dma_start3A_335 = arith.constant 0 : i32
      %dma_start3A_336 = tpu.memref_slice %arg9[%dma_start3A_334, %dma_start3A_335] : memref<200x128xf32, #tpu.memory_space<vmem>> -> memref<40x128xf32, #tpu.memory_space<vmem>>
      %dma_start3A_337 = tpu.memref_slice %arg7[%add3A_305] : memref<6400xi32, #tpu.memory_space<vmem>> -> memref<40xi32, #tpu.memory_space<vmem>>
      %dma_start3A_338 = arith.constant 0 : i32
      %dma_start3A_339 = arith.constant 0 : i32
      %dma_start3A_340 = tpu.memref_slice %arg3[%dma_start3A_338, %dma_start3A_339] : memref<100000x128xf32, #tpu.memory_space<hbm>> -> memref<100000x128xf32, #tpu.memory_space<hbm>>
      tpu.enqueue_indirect_dma source(%dma_start3A_340 : memref<100000x128xf32, #tpu.memory_space<hbm>>) target(%dma_start3A_336 : memref<40x128xf32, #tpu.memory_space<vmem>>) offsets(%dma_start3A_337 : memref<40xi32, #tpu.memory_space<vmem>>) semaphore(%arg12 : memref<!tpu.dma_semaphore, #tpu.memory_space<semaphore_mem>>)
      %mul3A_341 = arith.constant 200 : i32
      %mul3A_342 = arith.muli %add3A_288, %mul3A_341 : i32
      %multiple_of3A_343 = tpu.assume_multiple %mul3A_342, 8 : i32
      %add3A_344 = arith.constant 0 : i32
      %add3A_345 = arith.addi %multiple_of3A_343, %add3A_344 : i32
      %add3A_346 = arith.constant 40 : i32
      %add3A_347 = arith.addi %multiple_of3A_343, %add3A_346 : i32
      %add3A_348 = arith.constant 80 : i32
      %add3A_349 = arith.addi %multiple_of3A_343, %add3A_348 : i32
      %add3A_350 = arith.constant 120 : i32
      %add3A_351 = arith.addi %multiple_of3A_343, %add3A_350 : i32
      %add3A_352 = arith.constant 160 : i32
      %add3A_353 = arith.addi %multiple_of3A_343, %add3A_352 : i32
      %dma_wait3A_354 = arith.constant 0 : i32
      %dma_wait3A_355 = arith.constant 0 : i32
      %dma_wait3A_356 = tpu.memref_slice %arg8[%dma_wait3A_354, %dma_wait3A_355] : memref<200x128xf32, #tpu.memory_space<vmem>> -> memref<40x128xf32, #tpu.memory_space<vmem>>
      %dma_wait3A_357 = tpu.memref_slice %arg7[%add3A_345] : memref<6400xi32, #tpu.memory_space<vmem>> -> memref<40xi32, #tpu.memory_space<vmem>>
      %dma_wait3A_358 = arith.constant 0 : i32
      %dma_wait3A_359 = arith.constant 0 : i32
      %dma_wait3A_360 = tpu.memref_slice %arg3[%dma_wait3A_358, %dma_wait3A_359] : memref<100000x128xf32, #tpu.memory_space<hbm>> -> memref<100000x128xf32, #tpu.memory_space<hbm>>
      tpu.wait_indirect_dma semaphore(%arg11 : memref<!tpu.dma_semaphore, #tpu.memory_space<semaphore_mem>>) src(%dma_wait3A_360 : memref<100000x128xf32, #tpu.memory_space<hbm>>) dst(%dma_wait3A_356 : memref<40x128xf32, #tpu.memory_space<vmem>>)
      %dma_wait3A_361 = arith.constant 40 : i32
      %dma_wait3A_362 = arith.constant 0 : i32
      %dma_wait3A_363 = tpu.memref_slice %arg8[%dma_wait3A_361, %dma_wait3A_362] : memref<200x128xf32, #tpu.memory_space<vmem>> -> memref<40x128xf32, #tpu.memory_space<vmem>>
      %dma_wait3A_364 = tpu.memref_slice %arg7[%add3A_347] : memref<6400xi32, #tpu.memory_space<vmem>> -> memref<40xi32, #tpu.memory_space<vmem>>
      %dma_wait3A_365 = arith.constant 0 : i32
      %dma_wait3A_366 = arith.constant 0 : i32
      %dma_wait3A_367 = tpu.memref_slice %arg3[%dma_wait3A_365, %dma_wait3A_366] : memref<100000x128xf32, #tpu.memory_space<hbm>> -> memref<100000x128xf32, #tpu.memory_space<hbm>>
      tpu.wait_indirect_dma semaphore(%arg11 : memref<!tpu.dma_semaphore, #tpu.memory_space<semaphore_mem>>) src(%dma_wait3A_367 : memref<100000x128xf32, #tpu.memory_space<hbm>>) dst(%dma_wait3A_363 : memref<40x128xf32, #tpu.memory_space<vmem>>)
      %dma_wait3A_368 = arith.constant 80 : i32
      %dma_wait3A_369 = arith.constant 0 : i32
      %dma_wait3A_370 = tpu.memref_slice %arg8[%dma_wait3A_368, %dma_wait3A_369] : memref<200x128xf32, #tpu.memory_space<vmem>> -> memref<40x128xf32, #tpu.memory_space<vmem>>
      %dma_wait3A_371 = tpu.memref_slice %arg7[%add3A_349] : memref<6400xi32, #tpu.memory_space<vmem>> -> memref<40xi32, #tpu.memory_space<vmem>>
      %dma_wait3A_372 = arith.constant 0 : i32
      %dma_wait3A_373 = arith.constant 0 : i32
      %dma_wait3A_374 = tpu.memref_slice %arg3[%dma_wait3A_372, %dma_wait3A_373] : memref<100000x128xf32, #tpu.memory_space<hbm>> -> memref<100000x128xf32, #tpu.memory_space<hbm>>
      tpu.wait_indirect_dma semaphore(%arg11 : memref<!tpu.dma_semaphore, #tpu.memory_space<semaphore_mem>>) src(%dma_wait3A_374 : memref<100000x128xf32, #tpu.memory_space<hbm>>) dst(%dma_wait3A_370 : memref<40x128xf32, #tpu.memory_space<vmem>>)
      %dma_wait3A_375 = arith.constant 120 : i32
      %dma_wait3A_376 = arith.constant 0 : i32
      %dma_wait3A_377 = tpu.memref_slice %arg8[%dma_wait3A_375, %dma_wait3A_376] : memref<200x128xf32, #tpu.memory_space<vmem>> -> memref<40x128xf32, #tpu.memory_space<vmem>>
      %dma_wait3A_378 = tpu.memref_slice %arg7[%add3A_351] : memref<6400xi32, #tpu.memory_space<vmem>> -> memref<40xi32, #tpu.memory_space<vmem>>
      %dma_wait3A_379 = arith.constant 0 : i32
      %dma_wait3A_380 = arith.constant 0 : i32
      %dma_wait3A_381 = tpu.memref_slice %arg3[%dma_wait3A_379, %dma_wait3A_380] : memref<100000x128xf32, #tpu.memory_space<hbm>> -> memref<100000x128xf32, #tpu.memory_space<hbm>>
      tpu.wait_indirect_dma semaphore(%arg11 : memref<!tpu.dma_semaphore, #tpu.memory_space<semaphore_mem>>) src(%dma_wait3A_381 : memref<100000x128xf32, #tpu.memory_space<hbm>>) dst(%dma_wait3A_377 : memref<40x128xf32, #tpu.memory_space<vmem>>)
      %dma_wait3A_382 = arith.constant 160 : i32
      %dma_wait3A_383 = arith.constant 0 : i32
      %dma_wait3A_384 = tpu.memref_slice %arg8[%dma_wait3A_382, %dma_wait3A_383] : memref<200x128xf32, #tpu.memory_space<vmem>> -> memref<40x128xf32, #tpu.memory_space<vmem>>
      %dma_wait3A_385 = tpu.memref_slice %arg7[%add3A_353] : memref<6400xi32, #tpu.memory_space<vmem>> -> memref<40xi32, #tpu.memory_space<vmem>>
      %dma_wait3A_386 = arith.constant 0 : i32
      %dma_wait3A_387 = arith.constant 0 : i32
      %dma_wait3A_388 = tpu.memref_slice %arg3[%dma_wait3A_386, %dma_wait3A_387] : memref<100000x128xf32, #tpu.memory_space<hbm>> -> memref<100000x128xf32, #tpu.memory_space<hbm>>
      tpu.wait_indirect_dma semaphore(%arg11 : memref<!tpu.dma_semaphore, #tpu.memory_space<semaphore_mem>>) src(%dma_wait3A_388 : memref<100000x128xf32, #tpu.memory_space<hbm>>) dst(%dma_wait3A_384 : memref<40x128xf32, #tpu.memory_space<vmem>>)
      %scan3A_389 = arith.constant 0 : i32
      %scan3A_390 = arith.constant 0 : i32
      %scan3A_391 = arith.constant 100 : i32
      %scan3A_392 = arith.addi %scan3A_390, %scan3A_391 : i32
      %scan3A_393 = arith.constant 1 : i32
      scf.for %scan3A_645 = %scan3A_390 to %scan3A_392 step %scan3A_393  : i32 {
        %mul3A_646 = arith.constant 2 : i32
        %mul3A_647 = arith.muli %scan3A_645, %mul3A_646 : i32
        %add3A_648 = arith.constant 0 : i32
        %add3A_649 = arith.addi %mul3A_647, %add3A_648 : i32
        %get3A = arith.index_cast %add3A_649 : i32 to index
        %get3A_650 = arith.constant 0 : index
        %get3A_651 = tpu.vector_load %arg8[%get3A, %get3A_650] {strides = array<i32>} : memref<200x128xf32, #tpu.memory_space<vmem>>, vector<1x16xf32>,
        %get3A_652 = vector.shape_cast %get3A_651 : vector<1x16xf32> to vector<16xf32>
        %mul3A_653 = arith.constant 11.3137083 : f32
        %mul3A_654 = vector.broadcast %mul3A_653 : f32 to vector<16xf32>
        %mul3A_655 = arith.mulf %get3A_652, %mul3A_654 : vector<16xf32>
        %get3A_656 = arith.index_cast %add3A_649 : i32 to index
        %get3A_657 = arith.constant 0 : index
        %get3A_658 = tpu.vector_load %arg6[%get3A_656, %get3A_657] {strides = array<i32>} : memref<200x128xf32, #tpu.memory_space<vmem>>, vector<1x16xf32>,
        %get3A_659 = vector.shape_cast %get3A_658 : vector<1x16xf32> to vector<16xf32>
        %add3A_660 = arith.addf %mul3A_655, %get3A_659 : vector<16xf32>
        %swap3A = arith.index_cast %add3A_649 : i32 to index
        %swap3A_661 = arith.constant 0 : index
        %swap3A_662 = tpu.vector_load %arg8[%swap3A, %swap3A_661] {strides = array<i32>} : memref<200x128xf32, #tpu.memory_space<vmem>>, vector<1x16xf32>,
        %swap3A_663 = vector.shape_cast %swap3A_662 : vector<1x16xf32> to vector<16xf32>
        %swap3A_664 = vector.shape_cast %add3A_660 : vector<16xf32> to vector<1x16xf32>
        tpu.vector_store %arg8[%swap3A, %swap3A_661], %swap3A_664 {strides = array<i32>} : memref<200x128xf32, #tpu.memory_space<vmem>>, vector<1x16xf32>,
        %get3A_665 = arith.index_cast %add3A_649 : i32 to index
        %get3A_666 = arith.constant 16 : index
        %get3A_667 = tpu.vector_load %arg8[%get3A_665, %get3A_666] {strides = array<i32>} : memref<200x128xf32, #tpu.memory_space<vmem>>, vector<1x16xf32>,
        %get3A_668 = vector.shape_cast %get3A_667 : vector<1x16xf32> to vector<16xf32>
        %mul3A_669 = arith.constant 11.3137083 : f32
        %mul3A_670 = vector.broadcast %mul3A_669 : f32 to vector<16xf32>
        %mul3A_671 = arith.mulf %get3A_668, %mul3A_670 : vector<16xf32>
        %get3A_672 = arith.index_cast %add3A_649 : i32 to index
        %get3A_673 = arith.constant 16 : index
        %get3A_674 = tpu.vector_load %arg6[%get3A_672, %get3A_673] {strides = array<i32>} : memref<200x128xf32, #tpu.memory_space<vmem>>, vector<1x16xf32>,
        %get3A_675 = vector.shape_cast %get3A_674 : vector<1x16xf32> to vector<16xf32>
        %add3A_676 = arith.addf %mul3A_671, %get3A_675 : vector<16xf32>
        %swap3A_677 = arith.index_cast %add3A_649 : i32 to index
        %swap3A_678 = arith.constant 16 : index
        %swap3A_679 = tpu.vector_load %arg8[%swap3A_677, %swap3A_678] {strides = array<i32>} : memref<200x128xf32, #tpu.memory_space<vmem>>, vector<1x16xf32>,
        %swap3A_680 = vector.shape_cast %swap3A_679 : vector<1x16xf32> to vector<16xf32>
        %swap3A_681 = vector.shape_cast %add3A_676 : vector<16xf32> to vector<1x16xf32>
        tpu.vector_store %arg8[%swap3A_677, %swap3A_678], %swap3A_681 {strides = array<i32>} : memref<200x128xf32, #tpu.memory_space<vmem>>, vector<1x16xf32>,
        %get3A_682 = arith.index_cast %add3A_649 : i32 to index
        %get3A_683 = arith.constant 32 : index
        %get3A_684 = tpu.vector_load %arg8[%get3A_682, %get3A_683] {strides = array<i32>} : memref<200x128xf32, #tpu.memory_space<vmem>>, vector<1x16xf32>,
        %get3A_685 = vector.shape_cast %get3A_684 : vector<1x16xf32> to vector<16xf32>
        %mul3A_686 = arith.constant 11.3137083 : f32
        %mul3A_687 = vector.broadcast %mul3A_686 : f32 to vector<16xf32>
        %mul3A_688 = arith.mulf %get3A_685, %mul3A_687 : vector<16xf32>
        %get3A_689 = arith.index_cast %add3A_649 : i32 to index
        %get3A_690 = arith.constant 32 : index
        %get3A_691 = tpu.vector_load %arg6[%get3A_689, %get3A_690] {strides = array<i32>} : memref<200x128xf32, #tpu.memory_space<vmem>>, vector<1x16xf32>,
        %get3A_692 = vector.shape_cast %get3A_691 : vector<1x16xf32> to vector<16xf32>
        %add3A_693 = arith.addf %mul3A_688, %get3A_692 : vector<16xf32>
        %swap3A_694 = arith.index_cast %add3A_649 : i32 to index
        %swap3A_695 = arith.constant 32 : index
        %swap3A_696 = tpu.vector_load %arg8[%swap3A_694, %swap3A_695] {strides = array<i32>} : memref<200x128xf32, #tpu.memory_space<vmem>>, vector<1x16xf32>,
        %swap3A_697 = vector.shape_cast %swap3A_696 : vector<1x16xf32> to vector<16xf32>
        %swap3A_698 = vector.shape_cast %add3A_693 : vector<16xf32> to vector<1x16xf32>
        tpu.vector_store %arg8[%swap3A_694, %swap3A_695], %swap3A_698 {strides = array<i32>} : memref<200x128xf32, #tpu.memory_space<vmem>>, vector<1x16xf32>,
        %get3A_699 = arith.index_cast %add3A_649 : i32 to index
        %get3A_700 = arith.constant 48 : index
        %get3A_701 = tpu.vector_load %arg8[%get3A_699, %get3A_700] {strides = array<i32>} : memref<200x128xf32, #tpu.memory_space<vmem>>, vector<1x16xf32>,
        %get3A_702 = vector.shape_cast %get3A_701 : vector<1x16xf32> to vector<16xf32>
        %mul3A_703 = arith.constant 11.3137083 : f32
        %mul3A_704 = vector.broadcast %mul3A_703 : f32 to vector<16xf32>
        %mul3A_705 = arith.mulf %get3A_702, %mul3A_704 : vector<16xf32>
        %get3A_706 = arith.index_cast %add3A_649 : i32 to index
        %get3A_707 = arith.constant 48 : index
        %get3A_708 = tpu.vector_load %arg6[%get3A_706, %get3A_707] {strides = array<i32>} : memref<200x128xf32, #tpu.memory_space<vmem>>, vector<1x16xf32>,
        %get3A_709 = vector.shape_cast %get3A_708 : vector<1x16xf32> to vector<16xf32>
        %add3A_710 = arith.addf %mul3A_705, %get3A_709 : vector<16xf32>
        %swap3A_711 = arith.index_cast %add3A_649 : i32 to index
        %swap3A_712 = arith.constant 48 : index
        %swap3A_713 = tpu.vector_load %arg8[%swap3A_711, %swap3A_712] {strides = array<i32>} : memref<200x128xf32, #tpu.memory_space<vmem>>, vector<1x16xf32>,
        %swap3A_714 = vector.shape_cast %swap3A_713 : vector<1x16xf32> to vector<16xf32>
        %swap3A_715 = vector.shape_cast %add3A_710 : vector<16xf32> to vector<1x16xf32>
        tpu.vector_store %arg8[%swap3A_711, %swap3A_712], %swap3A_715 {strides = array<i32>} : memref<200x128xf32, #tpu.memory_space<vmem>>, vector<1x16xf32>,
        %get3A_716 = arith.index_cast %add3A_649 : i32 to index
        %get3A_717 = arith.constant 64 : index
        %get3A_718 = tpu.vector_load %arg8[%get3A_716, %get3A_717] {strides = array<i32>} : memref<200x128xf32, #tpu.memory_space<vmem>>, vector<1x16xf32>,
        %get3A_719 = vector.shape_cast %get3A_718 : vector<1x16xf32> to vector<16xf32>
        %mul3A_720 = arith.constant 11.3137083 : f32
        %mul3A_721 = vector.broadcast %mul3A_720 : f32 to vector<16xf32>
        %mul3A_722 = arith.mulf %get3A_719, %mul3A_721 : vector<16xf32>
        %get3A_723 = arith.index_cast %add3A_649 : i32 to index
        %get3A_724 = arith.constant 64 : index
        %get3A_725 = tpu.vector_load %arg6[%get3A_723, %get3A_724] {strides = array<i32>} : memref<200x128xf32, #tpu.memory_space<vmem>>, vector<1x16xf32>,
        %get3A_726 = vector.shape_cast %get3A_725 : vector<1x16xf32> to vector<16xf32>
        %add3A_727 = arith.addf %mul3A_722, %get3A_726 : vector<16xf32>
        %swap3A_728 = arith.index_cast %add3A_649 : i32 to index
        %swap3A_729 = arith.constant 64 : index
        %swap3A_730 = tpu.vector_load %arg8[%swap3A_728, %swap3A_729] {strides = array<i32>} : memref<200x128xf32, #tpu.memory_space<vmem>>, vector<1x16xf32>,
        %swap3A_731 = vector.shape_cast %swap3A_730 : vector<1x16xf32> to vector<16xf32>
        %swap3A_732 = vector.shape_cast %add3A_727 : vector<16xf32> to vector<1x16xf32>
        tpu.vector_store %arg8[%swap3A_728, %swap3A_729], %swap3A_732 {strides = array<i32>} : memref<200x128xf32, #tpu.memory_space<vmem>>, vector<1x16xf32>,
        %get3A_733 = arith.index_cast %add3A_649 : i32 to index
        %get3A_734 = arith.constant 80 : index
        %get3A_735 = tpu.vector_load %arg8[%get3A_733, %get3A_734] {strides = array<i32>} : memref<200x128xf32, #tpu.memory_space<vmem>>, vector<1x16xf32>,
        %get3A_736 = vector.shape_cast %get3A_735 : vector<1x16xf32> to vector<16xf32>
        %mul3A_737 = arith.constant 11.3137083 : f32
        %mul3A_738 = vector.broadcast %mul3A_737 : f32 to vector<16xf32>
        %mul3A_739 = arith.mulf %get3A_736, %mul3A_738 : vector<16xf32>
        %get3A_740 = arith.index_cast %add3A_649 : i32 to index
        %get3A_741 = arith.constant 80 : index
        %get3A_742 = tpu.vector_load %arg6[%get3A_740, %get3A_741] {strides = array<i32>} : memref<200x128xf32, #tpu.memory_space<vmem>>, vector<1x16xf32>,
        %get3A_743 = vector.shape_cast %get3A_742 : vector<1x16xf32> to vector<16xf32>
        %add3A_744 = arith.addf %mul3A_739, %get3A_743 : vector<16xf32>
        %swap3A_745 = arith.index_cast %add3A_649 : i32 to index
        %swap3A_746 = arith.constant 80 : index
        %swap3A_747 = tpu.vector_load %arg8[%swap3A_745, %swap3A_746] {strides = array<i32>} : memref<200x128xf32, #tpu.memory_space<vmem>>, vector<1x16xf32>,
        %swap3A_748 = vector.shape_cast %swap3A_747 : vector<1x16xf32> to vector<16xf32>
        %swap3A_749 = vector.shape_cast %add3A_744 : vector<16xf32> to vector<1x16xf32>
        tpu.vector_store %arg8[%swap3A_745, %swap3A_746], %swap3A_749 {strides = array<i32>} : memref<200x128xf32, #tpu.memory_space<vmem>>, vector<1x16xf32>,
        %get3A_750 = arith.index_cast %add3A_649 : i32 to index
        %get3A_751 = arith.constant 96 : index
        %get3A_752 = tpu.vector_load %arg8[%get3A_750, %get3A_751] {strides = array<i32>} : memref<200x128xf32, #tpu.memory_space<vmem>>, vector<1x16xf32>,
        %get3A_753 = vector.shape_cast %get3A_752 : vector<1x16xf32> to vector<16xf32>
        %mul3A_754 = arith.constant 11.3137083 : f32
        %mul3A_755 = vector.broadcast %mul3A_754 : f32 to vector<16xf32>
        %mul3A_756 = arith.mulf %get3A_753, %mul3A_755 : vector<16xf32>
        %get3A_757 = arith.index_cast %add3A_649 : i32 to index
        %get3A_758 = arith.constant 96 : index
        %get3A_759 = tpu.vector_load %arg6[%get3A_757, %get3A_758] {strides = array<i32>} : memref<200x128xf32, #tpu.memory_space<vmem>>, vector<1x16xf32>,
        %get3A_760 = vector.shape_cast %get3A_759 : vector<1x16xf32> to vector<16xf32>
        %add3A_761 = arith.addf %mul3A_756, %get3A_760 : vector<16xf32>
        %swap3A_762 = arith.index_cast %add3A_649 : i32 to index
        %swap3A_763 = arith.constant 96 : index
        %swap3A_764 = tpu.vector_load %arg8[%swap3A_762, %swap3A_763] {strides = array<i32>} : memref<200x128xf32, #tpu.memory_space<vmem>>, vector<1x16xf32>,
        %swap3A_765 = vector.shape_cast %swap3A_764 : vector<1x16xf32> to vector<16xf32>
        %swap3A_766 = vector.shape_cast %add3A_761 : vector<16xf32> to vector<1x16xf32>
        tpu.vector_store %arg8[%swap3A_762, %swap3A_763], %swap3A_766 {strides = array<i32>} : memref<200x128xf32, #tpu.memory_space<vmem>>, vector<1x16xf32>,
        %get3A_767 = arith.index_cast %add3A_649 : i32 to index
        %get3A_768 = arith.constant 112 : index
        %get3A_769 = tpu.vector_load %arg8[%get3A_767, %get3A_768] {strides = array<i32>} : memref<200x128xf32, #tpu.memory_space<vmem>>, vector<1x16xf32>,
        %get3A_770 = vector.shape_cast %get3A_769 : vector<1x16xf32> to vector<16xf32>
        %mul3A_771 = arith.constant 11.3137083 : f32
        %mul3A_772 = vector.broadcast %mul3A_771 : f32 to vector<16xf32>
        %mul3A_773 = arith.mulf %get3A_770, %mul3A_772 : vector<16xf32>
        %get3A_774 = arith.index_cast %add3A_649 : i32 to index
        %get3A_775 = arith.constant 112 : index
        %get3A_776 = tpu.vector_load %arg6[%get3A_774, %get3A_775] {strides = array<i32>} : memref<200x128xf32, #tpu.memory_space<vmem>>, vector<1x16xf32>,
        %get3A_777 = vector.shape_cast %get3A_776 : vector<1x16xf32> to vector<16xf32>
        %add3A_778 = arith.addf %mul3A_773, %get3A_777 : vector<16xf32>
        %swap3A_779 = arith.index_cast %add3A_649 : i32 to index
        %swap3A_780 = arith.constant 112 : index
        %swap3A_781 = tpu.vector_load %arg8[%swap3A_779, %swap3A_780] {strides = array<i32>} : memref<200x128xf32, #tpu.memory_space<vmem>>, vector<1x16xf32>,
        %swap3A_782 = vector.shape_cast %swap3A_781 : vector<1x16xf32> to vector<16xf32>
        %swap3A_783 = vector.shape_cast %add3A_778 : vector<16xf32> to vector<1x16xf32>
        tpu.vector_store %arg8[%swap3A_779, %swap3A_780], %swap3A_783 {strides = array<i32>} : memref<200x128xf32, #tpu.memory_space<vmem>>, vector<1x16xf32>,
        %mul3A_784 = arith.constant 2 : i32
        %mul3A_785 = arith.muli %scan3A_645, %mul3A_784 : i32
        %add3A_786 = arith.constant 1 : i32
        %add3A_787 = arith.addi %mul3A_785, %add3A_786 : i32
        %get3A_788 = arith.index_cast %add3A_787 : i32 to index
        %get3A_789 = arith.constant 0 : index
        %get3A_790 = tpu.vector_load %arg8[%get3A_788, %get3A_789] {strides = array<i32>} : memref<200x128xf32, #tpu.memory_space<vmem>>, vector<1x16xf32>,
        %get3A_791 = vector.shape_cast %get3A_790 : vector<1x16xf32> to vector<16xf32>
        %mul3A_792 = arith.constant 11.3137083 : f32
        %mul3A_793 = vector.broadcast %mul3A_792 : f32 to vector<16xf32>
        %mul3A_794 = arith.mulf %get3A_791, %mul3A_793 : vector<16xf32>
        %get3A_795 = arith.index_cast %add3A_787 : i32 to index
        %get3A_796 = arith.constant 0 : index
        %get3A_797 = tpu.vector_load %arg6[%get3A_795, %get3A_796] {strides = array<i32>} : memref<200x128xf32, #tpu.memory_space<vmem>>, vector<1x16xf32>,
        %get3A_798 = vector.shape_cast %get3A_797 : vector<1x16xf32> to vector<16xf32>
        %add3A_799 = arith.addf %mul3A_794, %get3A_798 : vector<16xf32>
        %swap3A_800 = arith.index_cast %add3A_787 : i32 to index
        %swap3A_801 = arith.constant 0 : index
        %swap3A_802 = tpu.vector_load %arg8[%swap3A_800, %swap3A_801] {strides = array<i32>} : memref<200x128xf32, #tpu.memory_space<vmem>>, vector<1x16xf32>,
        %swap3A_803 = vector.shape_cast %swap3A_802 : vector<1x16xf32> to vector<16xf32>
        %swap3A_804 = vector.shape_cast %add3A_799 : vector<16xf32> to vector<1x16xf32>
        tpu.vector_store %arg8[%swap3A_800, %swap3A_801], %swap3A_804 {strides = array<i32>} : memref<200x128xf32, #tpu.memory_space<vmem>>, vector<1x16xf32>,
        %get3A_805 = arith.index_cast %add3A_787 : i32 to index
        %get3A_806 = arith.constant 16 : index
        %get3A_807 = tpu.vector_load %arg8[%get3A_805, %get3A_806] {strides = array<i32>} : memref<200x128xf32, #tpu.memory_space<vmem>>, vector<1x16xf32>,
        %get3A_808 = vector.shape_cast %get3A_807 : vector<1x16xf32> to vector<16xf32>
        %mul3A_809 = arith.constant 11.3137083 : f32
        %mul3A_810 = vector.broadcast %mul3A_809 : f32 to vector<16xf32>
        %mul3A_811 = arith.mulf %get3A_808, %mul3A_810 : vector<16xf32>
        %get3A_812 = arith.index_cast %add3A_787 : i32 to index
        %get3A_813 = arith.constant 16 : index
        %get3A_814 = tpu.vector_load %arg6[%get3A_812, %get3A_813] {strides = array<i32>} : memref<200x128xf32, #tpu.memory_space<vmem>>, vector<1x16xf32>,
        %get3A_815 = vector.shape_cast %get3A_814 : vector<1x16xf32> to vector<16xf32>
        %add3A_816 = arith.addf %mul3A_811, %get3A_815 : vector<16xf32>
        %swap3A_817 = arith.index_cast %add3A_787 : i32 to index
        %swap3A_818 = arith.constant 16 : index
        %swap3A_819 = tpu.vector_load %arg8[%swap3A_817, %swap3A_818] {strides = array<i32>} : memref<200x128xf32, #tpu.memory_space<vmem>>, vector<1x16xf32>,
        %swap3A_820 = vector.shape_cast %swap3A_819 : vector<1x16xf32> to vector<16xf32>
        %swap3A_821 = vector.shape_cast %add3A_816 : vector<16xf32> to vector<1x16xf32>
        tpu.vector_store %arg8[%swap3A_817, %swap3A_818], %swap3A_821 {strides = array<i32>} : memref<200x128xf32, #tpu.memory_space<vmem>>, vector<1x16xf32>,
        %get3A_822 = arith.index_cast %add3A_787 : i32 to index
        %get3A_823 = arith.constant 32 : index
        %get3A_824 = tpu.vector_load %arg8[%get3A_822, %get3A_823] {strides = array<i32>} : memref<200x128xf32, #tpu.memory_space<vmem>>, vector<1x16xf32>,
        %get3A_825 = vector.shape_cast %get3A_824 : vector<1x16xf32> to vector<16xf32>
        %mul3A_826 = arith.constant 11.3137083 : f32
        %mul3A_827 = vector.broadcast %mul3A_826 : f32 to vector<16xf32>
        %mul3A_828 = arith.mulf %get3A_825, %mul3A_827 : vector<16xf32>
        %get3A_829 = arith.index_cast %add3A_787 : i32 to index
        %get3A_830 = arith.constant 32 : index
        %get3A_831 = tpu.vector_load %arg6[%get3A_829, %get3A_830] {strides = array<i32>} : memref<200x128xf32, #tpu.memory_space<vmem>>, vector<1x16xf32>,
        %get3A_832 = vector.shape_cast %get3A_831 : vector<1x16xf32> to vector<16xf32>
        %add3A_833 = arith.addf %mul3A_828, %get3A_832 : vector<16xf32>
        %swap3A_834 = arith.index_cast %add3A_787 : i32 to index
        %swap3A_835 = arith.constant 32 : index
        %swap3A_836 = tpu.vector_load %arg8[%swap3A_834, %swap3A_835] {strides = array<i32>} : memref<200x128xf32, #tpu.memory_space<vmem>>, vector<1x16xf32>,
        %swap3A_837 = vector.shape_cast %swap3A_836 : vector<1x16xf32> to vector<16xf32>
        %swap3A_838 = vector.shape_cast %add3A_833 : vector<16xf32> to vector<1x16xf32>
        tpu.vector_store %arg8[%swap3A_834, %swap3A_835], %swap3A_838 {strides = array<i32>} : memref<200x128xf32, #tpu.memory_space<vmem>>, vector<1x16xf32>,
        %get3A_839 = arith.index_cast %add3A_787 : i32 to index
        %get3A_840 = arith.constant 48 : index
        %get3A_841 = tpu.vector_load %arg8[%get3A_839, %get3A_840] {strides = array<i32>} : memref<200x128xf32, #tpu.memory_space<vmem>>, vector<1x16xf32>,
        %get3A_842 = vector.shape_cast %get3A_841 : vector<1x16xf32> to vector<16xf32>
        %mul3A_843 = arith.constant 11.3137083 : f32
        %mul3A_844 = vector.broadcast %mul3A_843 : f32 to vector<16xf32>
        %mul3A_845 = arith.mulf %get3A_842, %mul3A_844 : vector<16xf32>
        %get3A_846 = arith.index_cast %add3A_787 : i32 to index
        %get3A_847 = arith.constant 48 : index
        %get3A_848 = tpu.vector_load %arg6[%get3A_846, %get3A_847] {strides = array<i32>} : memref<200x128xf32, #tpu.memory_space<vmem>>, vector<1x16xf32>,
        %get3A_849 = vector.shape_cast %get3A_848 : vector<1x16xf32> to vector<16xf32>
        %add3A_850 = arith.addf %mul3A_845, %get3A_849 : vector<16xf32>
        %swap3A_851 = arith.index_cast %add3A_787 : i32 to index
        %swap3A_852 = arith.constant 48 : index
        %swap3A_853 = tpu.vector_load %arg8[%swap3A_851, %swap3A_852] {strides = array<i32>} : memref<200x128xf32, #tpu.memory_space<vmem>>, vector<1x16xf32>,
        %swap3A_854 = vector.shape_cast %swap3A_853 : vector<1x16xf32> to vector<16xf32>
        %swap3A_855 = vector.shape_cast %add3A_850 : vector<16xf32> to vector<1x16xf32>
        tpu.vector_store %arg8[%swap3A_851, %swap3A_852], %swap3A_855 {strides = array<i32>} : memref<200x128xf32, #tpu.memory_space<vmem>>, vector<1x16xf32>,
        %get3A_856 = arith.index_cast %add3A_787 : i32 to index
        %get3A_857 = arith.constant 64 : index
        %get3A_858 = tpu.vector_load %arg8[%get3A_856, %get3A_857] {strides = array<i32>} : memref<200x128xf32, #tpu.memory_space<vmem>>, vector<1x16xf32>,
        %get3A_859 = vector.shape_cast %get3A_858 : vector<1x16xf32> to vector<16xf32>
        %mul3A_860 = arith.constant 11.3137083 : f32
        %mul3A_861 = vector.broadcast %mul3A_860 : f32 to vector<16xf32>
        %mul3A_862 = arith.mulf %get3A_859, %mul3A_861 : vector<16xf32>
        %get3A_863 = arith.index_cast %add3A_787 : i32 to index
        %get3A_864 = arith.constant 64 : index
        %get3A_865 = tpu.vector_load %arg6[%get3A_863, %get3A_864] {strides = array<i32>} : memref<200x128xf32, #tpu.memory_space<vmem>>, vector<1x16xf32>,
        %get3A_866 = vector.shape_cast %get3A_865 : vector<1x16xf32> to vector<16xf32>
        %add3A_867 = arith.addf %mul3A_862, %get3A_866 : vector<16xf32>
        %swap3A_868 = arith.index_cast %add3A_787 : i32 to index
        %swap3A_869 = arith.constant 64 : index
        %swap3A_870 = tpu.vector_load %arg8[%swap3A_868, %swap3A_869] {strides = array<i32>} : memref<200x128xf32, #tpu.memory_space<vmem>>, vector<1x16xf32>,
        %swap3A_871 = vector.shape_cast %swap3A_870 : vector<1x16xf32> to vector<16xf32>
        %swap3A_872 = vector.shape_cast %add3A_867 : vector<16xf32> to vector<1x16xf32>
        tpu.vector_store %arg8[%swap3A_868, %swap3A_869], %swap3A_872 {strides = array<i32>} : memref<200x128xf32, #tpu.memory_space<vmem>>, vector<1x16xf32>,
        %get3A_873 = arith.index_cast %add3A_787 : i32 to index
        %get3A_874 = arith.constant 80 : index
        %get3A_875 = tpu.vector_load %arg8[%get3A_873, %get3A_874] {strides = array<i32>} : memref<200x128xf32, #tpu.memory_space<vmem>>, vector<1x16xf32>,
        %get3A_876 = vector.shape_cast %get3A_875 : vector<1x16xf32> to vector<16xf32>
        %mul3A_877 = arith.constant 11.3137083 : f32
        %mul3A_878 = vector.broadcast %mul3A_877 : f32 to vector<16xf32>
        %mul3A_879 = arith.mulf %get3A_876, %mul3A_878 : vector<16xf32>
        %get3A_880 = arith.index_cast %add3A_787 : i32 to index
        %get3A_881 = arith.constant 80 : index
        %get3A_882 = tpu.vector_load %arg6[%get3A_880, %get3A_881] {strides = array<i32>} : memref<200x128xf32, #tpu.memory_space<vmem>>, vector<1x16xf32>,
        %get3A_883 = vector.shape_cast %get3A_882 : vector<1x16xf32> to vector<16xf32>
        %add3A_884 = arith.addf %mul3A_879, %get3A_883 : vector<16xf32>
        %swap3A_885 = arith.index_cast %add3A_787 : i32 to index
        %swap3A_886 = arith.constant 80 : index
        %swap3A_887 = tpu.vector_load %arg8[%swap3A_885, %swap3A_886] {strides = array<i32>} : memref<200x128xf32, #tpu.memory_space<vmem>>, vector<1x16xf32>,
        %swap3A_888 = vector.shape_cast %swap3A_887 : vector<1x16xf32> to vector<16xf32>
        %swap3A_889 = vector.shape_cast %add3A_884 : vector<16xf32> to vector<1x16xf32>
        tpu.vector_store %arg8[%swap3A_885, %swap3A_886], %swap3A_889 {strides = array<i32>} : memref<200x128xf32, #tpu.memory_space<vmem>>, vector<1x16xf32>,
        %get3A_890 = arith.index_cast %add3A_787 : i32 to index
        %get3A_891 = arith.constant 96 : index
        %get3A_892 = tpu.vector_load %arg8[%get3A_890, %get3A_891] {strides = array<i32>} : memref<200x128xf32, #tpu.memory_space<vmem>>, vector<1x16xf32>,
        %get3A_893 = vector.shape_cast %get3A_892 : vector<1x16xf32> to vector<16xf32>
        %mul3A_894 = arith.constant 11.3137083 : f32
        %mul3A_895 = vector.broadcast %mul3A_894 : f32 to vector<16xf32>
        %mul3A_896 = arith.mulf %get3A_893, %mul3A_895 : vector<16xf32>
        %get3A_897 = arith.index_cast %add3A_787 : i32 to index
        %get3A_898 = arith.constant 96 : index
        %get3A_899 = tpu.vector_load %arg6[%get3A_897, %get3A_898] {strides = array<i32>} : memref<200x128xf32, #tpu.memory_space<vmem>>, vector<1x16xf32>,
        %get3A_900 = vector.shape_cast %get3A_899 : vector<1x16xf32> to vector<16xf32>
        %add3A_901 = arith.addf %mul3A_896, %get3A_900 : vector<16xf32>
        %swap3A_902 = arith.index_cast %add3A_787 : i32 to index
        %swap3A_903 = arith.constant 96 : index
        %swap3A_904 = tpu.vector_load %arg8[%swap3A_902, %swap3A_903] {strides = array<i32>} : memref<200x128xf32, #tpu.memory_space<vmem>>, vector<1x16xf32>,
        %swap3A_905 = vector.shape_cast %swap3A_904 : vector<1x16xf32> to vector<16xf32>
        %swap3A_906 = vector.shape_cast %add3A_901 : vector<16xf32> to vector<1x16xf32>
        tpu.vector_store %arg8[%swap3A_902, %swap3A_903], %swap3A_906 {strides = array<i32>} : memref<200x128xf32, #tpu.memory_space<vmem>>, vector<1x16xf32>,
        %get3A_907 = arith.index_cast %add3A_787 : i32 to index
        %get3A_908 = arith.constant 112 : index
        %get3A_909 = tpu.vector_load %arg8[%get3A_907, %get3A_908] {strides = array<i32>} : memref<200x128xf32, #tpu.memory_space<vmem>>, vector<1x16xf32>,
        %get3A_910 = vector.shape_cast %get3A_909 : vector<1x16xf32> to vector<16xf32>
        %mul3A_911 = arith.constant 11.3137083 : f32
        %mul3A_912 = vector.broadcast %mul3A_911 : f32 to vector<16xf32>
        %mul3A_913 = arith.mulf %get3A_910, %mul3A_912 : vector<16xf32>
        %get3A_914 = arith.index_cast %add3A_787 : i32 to index
        %get3A_915 = arith.constant 112 : index
        %get3A_916 = tpu.vector_load %arg6[%get3A_914, %get3A_915] {strides = array<i32>} : memref<200x128xf32, #tpu.memory_space<vmem>>, vector<1x16xf32>,
        %get3A_917 = vector.shape_cast %get3A_916 : vector<1x16xf32> to vector<16xf32>
        %add3A_918 = arith.addf %mul3A_913, %get3A_917 : vector<16xf32>
        %swap3A_919 = arith.index_cast %add3A_787 : i32 to index
        %swap3A_920 = arith.constant 112 : index
        %swap3A_921 = tpu.vector_load %arg8[%swap3A_919, %swap3A_920] {strides = array<i32>} : memref<200x128xf32, #tpu.memory_space<vmem>>, vector<1x16xf32>,
        %swap3A_922 = vector.shape_cast %swap3A_921 : vector<1x16xf32> to vector<16xf32>
        %swap3A_923 = vector.shape_cast %add3A_918 : vector<16xf32> to vector<1x16xf32>
        tpu.vector_store %arg8[%swap3A_919, %swap3A_920], %swap3A_923 {strides = array<i32>} : memref<200x128xf32, #tpu.memory_space<vmem>>, vector<1x16xf32>,
      }
      %scan3A_394 = arith.constant 100 : i32
      %mul3A_395 = arith.constant 200 : i32
      %mul3A_396 = arith.muli %add3A_288, %mul3A_395 : i32
      %add3A_397 = arith.addi %mul3A_2, %mul3A_396 : i32
      %multiple_of3A_398 = tpu.assume_multiple %add3A_397, 8 : i32
      %dma_start3A_399 = arith.constant 0 : i32
      %dma_start3A_400 = tpu.memref_slice %arg5[%multiple_of3A_398, %dma_start3A_399] : memref<204800x128xf32, #tpu.memory_space<hbm>> -> memref<200x128xf32, #tpu.memory_space<hbm>>
      %dma_start3A_401 = arith.constant 0 : i32
      %dma_start3A_402 = tpu.memref_slice %arg5[%multiple_of3A_398, %dma_start3A_401] : memref<204800x128xf32, #tpu.memory_space<hbm>> -> memref<200x128xf32, #tpu.memory_space<hbm>>
      tpu.enqueue_dma source(%arg8 : memref<200x128xf32, #tpu.memory_space<vmem>>) target(%dma_start3A_402 : memref<200x128xf32, #tpu.memory_space<hbm>>) target_semaphore(%arg14 : memref<!tpu.dma_semaphore, #tpu.memory_space<semaphore_mem>>)
      %add3A_403 = arith.constant 1 : i32
      %add3A_404 = arith.addi %mul3A_286, %add3A_403 : i32
      %ge3A_405 = arith.constant 2 : i32
      %ge3A_406 = arith.cmpi sge, %add3A_404, %ge3A_405 : i32
      %convert_element_type3A_407 = arith.extui %ge3A_406 : i1 to i32
      %cond3A_408 = arith.constant 0 : i32
      %cond3A_409 = arith.cmpi ne, %convert_element_type3A_407, %cond3A_408 : i32
      scf.if %cond3A_409 {
        %sub3A_645 = arith.constant 2 : i32
        %sub3A_646 = arith.subi %add3A_404, %sub3A_645 : i32
        %mul3A_647 = arith.constant 200 : i32
        %mul3A_648 = arith.muli %sub3A_646, %mul3A_647 : i32
        %add3A_649 = arith.addi %mul3A_2, %mul3A_648 : i32
        %multiple_of3A_650 = tpu.assume_multiple %add3A_649, 8 : i32
        %dma_wait3A_651 = arith.constant 0 : i32
        %dma_wait3A_652 = tpu.memref_slice %arg5[%multiple_of3A_650, %dma_wait3A_651] : memref<204800x128xf32, #tpu.memory_space<hbm>> -> memref<200x128xf32, #tpu.memory_space<hbm>>
        %dma_wait3A_653 = arith.constant 0 : i32
        %dma_wait3A_654 = tpu.memref_slice %arg5[%multiple_of3A_650, %dma_wait3A_653] : memref<204800x128xf32, #tpu.memory_space<hbm>> -> memref<200x128xf32, #tpu.memory_space<hbm>>
        tpu.wait_dma2 semaphore(%arg16 : memref<!tpu.dma_semaphore, #tpu.memory_space<semaphore_mem>>) src(%arg10 : memref<200x128xf32, #tpu.memory_space<vmem>>) dst(%dma_wait3A_654 : memref<200x128xf32, #tpu.memory_space<hbm>>)
      } else {
      }
      %add3A_410 = arith.constant 1 : i32
      %add3A_411 = arith.addi %add3A_404, %add3A_410 : i32
      %mul3A_412 = arith.constant 200 : i32
      %mul3A_413 = arith.muli %add3A_411, %mul3A_412 : i32
      %multiple_of3A_414 = tpu.assume_multiple %mul3A_413, 8 : i32
      %add3A_415 = arith.constant 0 : i32
      %add3A_416 = arith.addi %multiple_of3A_414, %add3A_415 : i32
      %add3A_417 = arith.constant 40 : i32
      %add3A_418 = arith.addi %multiple_of3A_414, %add3A_417 : i32
      %add3A_419 = arith.constant 80 : i32
      %add3A_420 = arith.addi %multiple_of3A_414, %add3A_419 : i32
      %add3A_421 = arith.constant 120 : i32
      %add3A_422 = arith.addi %multiple_of3A_414, %add3A_421 : i32
      %add3A_423 = arith.constant 160 : i32
      %add3A_424 = arith.addi %multiple_of3A_414, %add3A_423 : i32
      %dma_start3A_425 = arith.constant 0 : i32
      %dma_start3A_426 = arith.constant 0 : i32
      %dma_start3A_427 = tpu.memref_slice %arg10[%dma_start3A_425, %dma_start3A_426] : memref<200x128xf32, #tpu.memory_space<vmem>> -> memref<40x128xf32, #tpu.memory_space<vmem>>
      %dma_start3A_428 = tpu.memref_slice %arg7[%add3A_416] : memref<6400xi32, #tpu.memory_space<vmem>> -> memref<40xi32, #tpu.memory_space<vmem>>
      %dma_start3A_429 = arith.constant 0 : i32
      %dma_start3A_430 = arith.constant 0 : i32
      %dma_start3A_431 = tpu.memref_slice %arg3[%dma_start3A_429, %dma_start3A_430] : memref<100000x128xf32, #tpu.memory_space<hbm>> -> memref<100000x128xf32, #tpu.memory_space<hbm>>
      tpu.enqueue_indirect_dma source(%dma_start3A_431 : memref<100000x128xf32, #tpu.memory_space<hbm>>) target(%dma_start3A_427 : memref<40x128xf32, #tpu.memory_space<vmem>>) offsets(%dma_start3A_428 : memref<40xi32, #tpu.memory_space<vmem>>) semaphore(%arg13 : memref<!tpu.dma_semaphore, #tpu.memory_space<semaphore_mem>>)
      %dma_start3A_432 = arith.constant 40 : i32
      %dma_start3A_433 = arith.constant 0 : i32
      %dma_start3A_434 = tpu.memref_slice %arg10[%dma_start3A_432, %dma_start3A_433] : memref<200x128xf32, #tpu.memory_space<vmem>> -> memref<40x128xf32, #tpu.memory_space<vmem>>
      %dma_start3A_435 = tpu.memref_slice %arg7[%add3A_418] : memref<6400xi32, #tpu.memory_space<vmem>> -> memref<40xi32, #tpu.memory_space<vmem>>
      %dma_start3A_436 = arith.constant 0 : i32
      %dma_start3A_437 = arith.constant 0 : i32
      %dma_start3A_438 = tpu.memref_slice %arg3[%dma_start3A_436, %dma_start3A_437] : memref<100000x128xf32, #tpu.memory_space<hbm>> -> memref<100000x128xf32, #tpu.memory_space<hbm>>
      tpu.enqueue_indirect_dma source(%dma_start3A_438 : memref<100000x128xf32, #tpu.memory_space<hbm>>) target(%dma_start3A_434 : memref<40x128xf32, #tpu.memory_space<vmem>>) offsets(%dma_start3A_435 : memref<40xi32, #tpu.memory_space<vmem>>) semaphore(%arg13 : memref<!tpu.dma_semaphore, #tpu.memory_space<semaphore_mem>>)
      %dma_start3A_439 = arith.constant 80 : i32
      %dma_start3A_440 = arith.constant 0 : i32
      %dma_start3A_441 = tpu.memref_slice %arg10[%dma_start3A_439, %dma_start3A_440] : memref<200x128xf32, #tpu.memory_space<vmem>> -> memref<40x128xf32, #tpu.memory_space<vmem>>
      %dma_start3A_442 = tpu.memref_slice %arg7[%add3A_420] : memref<6400xi32, #tpu.memory_space<vmem>> -> memref<40xi32, #tpu.memory_space<vmem>>
      %dma_start3A_443 = arith.constant 0 : i32
      %dma_start3A_444 = arith.constant 0 : i32
      %dma_start3A_445 = tpu.memref_slice %arg3[%dma_start3A_443, %dma_start3A_444] : memref<100000x128xf32, #tpu.memory_space<hbm>> -> memref<100000x128xf32, #tpu.memory_space<hbm>>
      tpu.enqueue_indirect_dma source(%dma_start3A_445 : memref<100000x128xf32, #tpu.memory_space<hbm>>) target(%dma_start3A_441 : memref<40x128xf32, #tpu.memory_space<vmem>>) offsets(%dma_start3A_442 : memref<40xi32, #tpu.memory_space<vmem>>) semaphore(%arg13 : memref<!tpu.dma_semaphore, #tpu.memory_space<semaphore_mem>>)
      %dma_start3A_446 = arith.constant 120 : i32
      %dma_start3A_447 = arith.constant 0 : i32
      %dma_start3A_448 = tpu.memref_slice %arg10[%dma_start3A_446, %dma_start3A_447] : memref<200x128xf32, #tpu.memory_space<vmem>> -> memref<40x128xf32, #tpu.memory_space<vmem>>
      %dma_start3A_449 = tpu.memref_slice %arg7[%add3A_422] : memref<6400xi32, #tpu.memory_space<vmem>> -> memref<40xi32, #tpu.memory_space<vmem>>
      %dma_start3A_450 = arith.constant 0 : i32
      %dma_start3A_451 = arith.constant 0 : i32
      %dma_start3A_452 = tpu.memref_slice %arg3[%dma_start3A_450, %dma_start3A_451] : memref<100000x128xf32, #tpu.memory_space<hbm>> -> memref<100000x128xf32, #tpu.memory_space<hbm>>
      tpu.enqueue_indirect_dma source(%dma_start3A_452 : memref<100000x128xf32, #tpu.memory_space<hbm>>) target(%dma_start3A_448 : memref<40x128xf32, #tpu.memory_space<vmem>>) offsets(%dma_start3A_449 : memref<40xi32, #tpu.memory_space<vmem>>) semaphore(%arg13 : memref<!tpu.dma_semaphore, #tpu.memory_space<semaphore_mem>>)
      %dma_start3A_453 = arith.constant 160 : i32
      %dma_start3A_454 = arith.constant 0 : i32
      %dma_start3A_455 = tpu.memref_slice %arg10[%dma_start3A_453, %dma_start3A_454] : memref<200x128xf32, #tpu.memory_space<vmem>> -> memref<40x128xf32, #tpu.memory_space<vmem>>
      %dma_start3A_456 = tpu.memref_slice %arg7[%add3A_424] : memref<6400xi32, #tpu.memory_space<vmem>> -> memref<40xi32, #tpu.memory_space<vmem>>
      %dma_start3A_457 = arith.constant 0 : i32
      %dma_start3A_458 = arith.constant 0 : i32
      %dma_start3A_459 = tpu.memref_slice %arg3[%dma_start3A_457, %dma_start3A_458] : memref<100000x128xf32, #tpu.memory_space<hbm>> -> memref<100000x128xf32, #tpu.memory_space<hbm>>
      tpu.enqueue_indirect_dma source(%dma_start3A_459 : memref<100000x128xf32, #tpu.memory_space<hbm>>) target(%dma_start3A_455 : memref<40x128xf32, #tpu.memory_space<vmem>>) offsets(%dma_start3A_456 : memref<40xi32, #tpu.memory_space<vmem>>) semaphore(%arg13 : memref<!tpu.dma_semaphore, #tpu.memory_space<semaphore_mem>>)
      %mul3A_460 = arith.constant 200 : i32
      %mul3A_461 = arith.muli %add3A_404, %mul3A_460 : i32
      %multiple_of3A_462 = tpu.assume_multiple %mul3A_461, 8 : i32
      %add3A_463 = arith.constant 0 : i32
      %add3A_464 = arith.addi %multiple_of3A_462, %add3A_463 : i32
      %add3A_465 = arith.constant 40 : i32
      %add3A_466 = arith.addi %multiple_of3A_462, %add3A_465 : i32
      %add3A_467 = arith.constant 80 : i32
      %add3A_468 = arith.addi %multiple_of3A_462, %add3A_467 : i32
      %add3A_469 = arith.constant 120 : i32
      %add3A_470 = arith.addi %multiple_of3A_462, %add3A_469 : i32
      %add3A_471 = arith.constant 160 : i32
      %add3A_472 = arith.addi %multiple_of3A_462, %add3A_471 : i32
      %dma_wait3A_473 = arith.constant 0 : i32
      %dma_wait3A_474 = arith.constant 0 : i32
      %dma_wait3A_475 = tpu.memref_slice %arg9[%dma_wait3A_473, %dma_wait3A_474] : memref<200x128xf32, #tpu.memory_space<vmem>> -> memref<40x128xf32, #tpu.memory_space<vmem>>
      %dma_wait3A_476 = tpu.memref_slice %arg7[%add3A_464] : memref<6400xi32, #tpu.memory_space<vmem>> -> memref<40xi32, #tpu.memory_space<vmem>>
      %dma_wait3A_477 = arith.constant 0 : i32
      %dma_wait3A_478 = arith.constant 0 : i32
      %dma_wait3A_479 = tpu.memref_slice %arg3[%dma_wait3A_477, %dma_wait3A_478] : memref<100000x128xf32, #tpu.memory_space<hbm>> -> memref<100000x128xf32, #tpu.memory_space<hbm>>
      tpu.wait_indirect_dma semaphore(%arg12 : memref<!tpu.dma_semaphore, #tpu.memory_space<semaphore_mem>>) src(%dma_wait3A_479 : memref<100000x128xf32, #tpu.memory_space<hbm>>) dst(%dma_wait3A_475 : memref<40x128xf32, #tpu.memory_space<vmem>>)
      %dma_wait3A_480 = arith.constant 40 : i32
      %dma_wait3A_481 = arith.constant 0 : i32
      %dma_wait3A_482 = tpu.memref_slice %arg9[%dma_wait3A_480, %dma_wait3A_481] : memref<200x128xf32, #tpu.memory_space<vmem>> -> memref<40x128xf32, #tpu.memory_space<vmem>>
      %dma_wait3A_483 = tpu.memref_slice %arg7[%add3A_466] : memref<6400xi32, #tpu.memory_space<vmem>> -> memref<40xi32, #tpu.memory_space<vmem>>
      %dma_wait3A_484 = arith.constant 0 : i32
      %dma_wait3A_485 = arith.constant 0 : i32
      %dma_wait3A_486 = tpu.memref_slice %arg3[%dma_wait3A_484, %dma_wait3A_485] : memref<100000x128xf32, #tpu.memory_space<hbm>> -> memref<100000x128xf32, #tpu.memory_space<hbm>>
      tpu.wait_indirect_dma semaphore(%arg12 : memref<!tpu.dma_semaphore, #tpu.memory_space<semaphore_mem>>) src(%dma_wait3A_486 : memref<100000x128xf32, #tpu.memory_space<hbm>>) dst(%dma_wait3A_482 : memref<40x128xf32, #tpu.memory_space<vmem>>)
      %dma_wait3A_487 = arith.constant 80 : i32
      %dma_wait3A_488 = arith.constant 0 : i32
      %dma_wait3A_489 = tpu.memref_slice %arg9[%dma_wait3A_487, %dma_wait3A_488] : memref<200x128xf32, #tpu.memory_space<vmem>> -> memref<40x128xf32, #tpu.memory_space<vmem>>
      %dma_wait3A_490 = tpu.memref_slice %arg7[%add3A_468] : memref<6400xi32, #tpu.memory_space<vmem>> -> memref<40xi32, #tpu.memory_space<vmem>>
      %dma_wait3A_491 = arith.constant 0 : i32
      %dma_wait3A_492 = arith.constant 0 : i32
      %dma_wait3A_493 = tpu.memref_slice %arg3[%dma_wait3A_491, %dma_wait3A_492] : memref<100000x128xf32, #tpu.memory_space<hbm>> -> memref<100000x128xf32, #tpu.memory_space<hbm>>
      tpu.wait_indirect_dma semaphore(%arg12 : memref<!tpu.dma_semaphore, #tpu.memory_space<semaphore_mem>>) src(%dma_wait3A_493 : memref<100000x128xf32, #tpu.memory_space<hbm>>) dst(%dma_wait3A_489 : memref<40x128xf32, #tpu.memory_space<vmem>>)
      %dma_wait3A_494 = arith.constant 120 : i32
      %dma_wait3A_495 = arith.constant 0 : i32
      %dma_wait3A_496 = tpu.memref_slice %arg9[%dma_wait3A_494, %dma_wait3A_495] : memref<200x128xf32, #tpu.memory_space<vmem>> -> memref<40x128xf32, #tpu.memory_space<vmem>>
      %dma_wait3A_497 = tpu.memref_slice %arg7[%add3A_470] : memref<6400xi32, #tpu.memory_space<vmem>> -> memref<40xi32, #tpu.memory_space<vmem>>
      %dma_wait3A_498 = arith.constant 0 : i32
      %dma_wait3A_499 = arith.constant 0 : i32
      %dma_wait3A_500 = tpu.memref_slice %arg3[%dma_wait3A_498, %dma_wait3A_499] : memref<100000x128xf32, #tpu.memory_space<hbm>> -> memref<100000x128xf32, #tpu.memory_space<hbm>>
      tpu.wait_indirect_dma semaphore(%arg12 : memref<!tpu.dma_semaphore, #tpu.memory_space<semaphore_mem>>) src(%dma_wait3A_500 : memref<100000x128xf32, #tpu.memory_space<hbm>>) dst(%dma_wait3A_496 : memref<40x128xf32, #tpu.memory_space<vmem>>)
      %dma_wait3A_501 = arith.constant 160 : i32
      %dma_wait3A_502 = arith.constant 0 : i32
      %dma_wait3A_503 = tpu.memref_slice %arg9[%dma_wait3A_501, %dma_wait3A_502] : memref<200x128xf32, #tpu.memory_space<vmem>> -> memref<40x128xf32, #tpu.memory_space<vmem>>
      %dma_wait3A_504 = tpu.memref_slice %arg7[%add3A_472] : memref<6400xi32, #tpu.memory_space<vmem>> -> memref<40xi32, #tpu.memory_space<vmem>>
      %dma_wait3A_505 = arith.constant 0 : i32
      %dma_wait3A_506 = arith.constant 0 : i32
      %dma_wait3A_507 = tpu.memref_slice %arg3[%dma_wait3A_505, %dma_wait3A_506] : memref<100000x128xf32, #tpu.memory_space<hbm>> -> memref<100000x128xf32, #tpu.memory_space<hbm>>
      tpu.wait_indirect_dma semaphore(%arg12 : memref<!tpu.dma_semaphore, #tpu.memory_space<semaphore_mem>>) src(%dma_wait3A_507 : memref<100000x128xf32, #tpu.memory_space<hbm>>) dst(%dma_wait3A_503 : memref<40x128xf32, #tpu.memory_space<vmem>>)
      %scan3A_508 = arith.constant 0 : i32
      %scan3A_509 = arith.constant 0 : i32
      %scan3A_510 = arith.constant 100 : i32
      %scan3A_511 = arith.addi %scan3A_509, %scan3A_510 : i32
      %scan3A_512 = arith.constant 1 : i32
      scf.for %scan3A_645 = %scan3A_509 to %scan3A_511 step %scan3A_512  : i32 {
        %mul3A_646 = arith.constant 2 : i32
        %mul3A_647 = arith.muli %scan3A_645, %mul3A_646 : i32
        %add3A_648 = arith.constant 0 : i32
        %add3A_649 = arith.addi %mul3A_647, %add3A_648 : i32
        %get3A = arith.index_cast %add3A_649 : i32 to index
        %get3A_650 = arith.constant 0 : index
        %get3A_651 = tpu.vector_load %arg9[%get3A, %get3A_650] {strides = array<i32>} : memref<200x128xf32, #tpu.memory_space<vmem>>, vector<1x16xf32>,
        %get3A_652 = vector.shape_cast %get3A_651 : vector<1x16xf32> to vector<16xf32>
        %mul3A_653 = arith.constant 11.3137083 : f32
        %mul3A_654 = vector.broadcast %mul3A_653 : f32 to vector<16xf32>
        %mul3A_655 = arith.mulf %get3A_652, %mul3A_654 : vector<16xf32>
        %get3A_656 = arith.index_cast %add3A_649 : i32 to index
        %get3A_657 = arith.constant 0 : index
        %get3A_658 = tpu.vector_load %arg6[%get3A_656, %get3A_657] {strides = array<i32>} : memref<200x128xf32, #tpu.memory_space<vmem>>, vector<1x16xf32>,
        %get3A_659 = vector.shape_cast %get3A_658 : vector<1x16xf32> to vector<16xf32>
        %add3A_660 = arith.addf %mul3A_655, %get3A_659 : vector<16xf32>
        %swap3A = arith.index_cast %add3A_649 : i32 to index
        %swap3A_661 = arith.constant 0 : index
        %swap3A_662 = tpu.vector_load %arg9[%swap3A, %swap3A_661] {strides = array<i32>} : memref<200x128xf32, #tpu.memory_space<vmem>>, vector<1x16xf32>,
        %swap3A_663 = vector.shape_cast %swap3A_662 : vector<1x16xf32> to vector<16xf32>
        %swap3A_664 = vector.shape_cast %add3A_660 : vector<16xf32> to vector<1x16xf32>
        tpu.vector_store %arg9[%swap3A, %swap3A_661], %swap3A_664 {strides = array<i32>} : memref<200x128xf32, #tpu.memory_space<vmem>>, vector<1x16xf32>,
        %get3A_665 = arith.index_cast %add3A_649 : i32 to index
        %get3A_666 = arith.constant 16 : index
        %get3A_667 = tpu.vector_load %arg9[%get3A_665, %get3A_666] {strides = array<i32>} : memref<200x128xf32, #tpu.memory_space<vmem>>, vector<1x16xf32>,
        %get3A_668 = vector.shape_cast %get3A_667 : vector<1x16xf32> to vector<16xf32>
        %mul3A_669 = arith.constant 11.3137083 : f32
        %mul3A_670 = vector.broadcast %mul3A_669 : f32 to vector<16xf32>
        %mul3A_671 = arith.mulf %get3A_668, %mul3A_670 : vector<16xf32>
        %get3A_672 = arith.index_cast %add3A_649 : i32 to index
        %get3A_673 = arith.constant 16 : index
        %get3A_674 = tpu.vector_load %arg6[%get3A_672, %get3A_673] {strides = array<i32>} : memref<200x128xf32, #tpu.memory_space<vmem>>, vector<1x16xf32>,
        %get3A_675 = vector.shape_cast %get3A_674 : vector<1x16xf32> to vector<16xf32>
        %add3A_676 = arith.addf %mul3A_671, %get3A_675 : vector<16xf32>
        %swap3A_677 = arith.index_cast %add3A_649 : i32 to index
        %swap3A_678 = arith.constant 16 : index
        %swap3A_679 = tpu.vector_load %arg9[%swap3A_677, %swap3A_678] {strides = array<i32>} : memref<200x128xf32, #tpu.memory_space<vmem>>, vector<1x16xf32>,
        %swap3A_680 = vector.shape_cast %swap3A_679 : vector<1x16xf32> to vector<16xf32>
        %swap3A_681 = vector.shape_cast %add3A_676 : vector<16xf32> to vector<1x16xf32>
        tpu.vector_store %arg9[%swap3A_677, %swap3A_678], %swap3A_681 {strides = array<i32>} : memref<200x128xf32, #tpu.memory_space<vmem>>, vector<1x16xf32>,
        %get3A_682 = arith.index_cast %add3A_649 : i32 to index
        %get3A_683 = arith.constant 32 : index
        %get3A_684 = tpu.vector_load %arg9[%get3A_682, %get3A_683] {strides = array<i32>} : memref<200x128xf32, #tpu.memory_space<vmem>>, vector<1x16xf32>,
        %get3A_685 = vector.shape_cast %get3A_684 : vector<1x16xf32> to vector<16xf32>
        %mul3A_686 = arith.constant 11.3137083 : f32
        %mul3A_687 = vector.broadcast %mul3A_686 : f32 to vector<16xf32>
        %mul3A_688 = arith.mulf %get3A_685, %mul3A_687 : vector<16xf32>
        %get3A_689 = arith.index_cast %add3A_649 : i32 to index
        %get3A_690 = arith.constant 32 : index
        %get3A_691 = tpu.vector_load %arg6[%get3A_689, %get3A_690] {strides = array<i32>} : memref<200x128xf32, #tpu.memory_space<vmem>>, vector<1x16xf32>,
        %get3A_692 = vector.shape_cast %get3A_691 : vector<1x16xf32> to vector<16xf32>
        %add3A_693 = arith.addf %mul3A_688, %get3A_692 : vector<16xf32>
        %swap3A_694 = arith.index_cast %add3A_649 : i32 to index
        %swap3A_695 = arith.constant 32 : index
        %swap3A_696 = tpu.vector_load %arg9[%swap3A_694, %swap3A_695] {strides = array<i32>} : memref<200x128xf32, #tpu.memory_space<vmem>>, vector<1x16xf32>,
        %swap3A_697 = vector.shape_cast %swap3A_696 : vector<1x16xf32> to vector<16xf32>
        %swap3A_698 = vector.shape_cast %add3A_693 : vector<16xf32> to vector<1x16xf32>
        tpu.vector_store %arg9[%swap3A_694, %swap3A_695], %swap3A_698 {strides = array<i32>} : memref<200x128xf32, #tpu.memory_space<vmem>>, vector<1x16xf32>,
        %get3A_699 = arith.index_cast %add3A_649 : i32 to index
        %get3A_700 = arith.constant 48 : index
        %get3A_701 = tpu.vector_load %arg9[%get3A_699, %get3A_700] {strides = array<i32>} : memref<200x128xf32, #tpu.memory_space<vmem>>, vector<1x16xf32>,
        %get3A_702 = vector.shape_cast %get3A_701 : vector<1x16xf32> to vector<16xf32>
        %mul3A_703 = arith.constant 11.3137083 : f32
        %mul3A_704 = vector.broadcast %mul3A_703 : f32 to vector<16xf32>
        %mul3A_705 = arith.mulf %get3A_702, %mul3A_704 : vector<16xf32>
        %get3A_706 = arith.index_cast %add3A_649 : i32 to index
        %get3A_707 = arith.constant 48 : index
        %get3A_708 = tpu.vector_load %arg6[%get3A_706, %get3A_707] {strides = array<i32>} : memref<200x128xf32, #tpu.memory_space<vmem>>, vector<1x16xf32>,
        %get3A_709 = vector.shape_cast %get3A_708 : vector<1x16xf32> to vector<16xf32>
        %add3A_710 = arith.addf %mul3A_705, %get3A_709 : vector<16xf32>
        %swap3A_711 = arith.index_cast %add3A_649 : i32 to index
        %swap3A_712 = arith.constant 48 : index
        %swap3A_713 = tpu.vector_load %arg9[%swap3A_711, %swap3A_712] {strides = array<i32>} : memref<200x128xf32, #tpu.memory_space<vmem>>, vector<1x16xf32>,
        %swap3A_714 = vector.shape_cast %swap3A_713 : vector<1x16xf32> to vector<16xf32>
        %swap3A_715 = vector.shape_cast %add3A_710 : vector<16xf32> to vector<1x16xf32>
        tpu.vector_store %arg9[%swap3A_711, %swap3A_712], %swap3A_715 {strides = array<i32>} : memref<200x128xf32, #tpu.memory_space<vmem>>, vector<1x16xf32>,
        %get3A_716 = arith.index_cast %add3A_649 : i32 to index
        %get3A_717 = arith.constant 64 : index
        %get3A_718 = tpu.vector_load %arg9[%get3A_716, %get3A_717] {strides = array<i32>} : memref<200x128xf32, #tpu.memory_space<vmem>>, vector<1x16xf32>,
        %get3A_719 = vector.shape_cast %get3A_718 : vector<1x16xf32> to vector<16xf32>
        %mul3A_720 = arith.constant 11.3137083 : f32
        %mul3A_721 = vector.broadcast %mul3A_720 : f32 to vector<16xf32>
        %mul3A_722 = arith.mulf %get3A_719, %mul3A_721 : vector<16xf32>
        %get3A_723 = arith.index_cast %add3A_649 : i32 to index
        %get3A_724 = arith.constant 64 : index
        %get3A_725 = tpu.vector_load %arg6[%get3A_723, %get3A_724] {strides = array<i32>} : memref<200x128xf32, #tpu.memory_space<vmem>>, vector<1x16xf32>,
        %get3A_726 = vector.shape_cast %get3A_725 : vector<1x16xf32> to vector<16xf32>
        %add3A_727 = arith.addf %mul3A_722, %get3A_726 : vector<16xf32>
        %swap3A_728 = arith.index_cast %add3A_649 : i32 to index
        %swap3A_729 = arith.constant 64 : index
        %swap3A_730 = tpu.vector_load %arg9[%swap3A_728, %swap3A_729] {strides = array<i32>} : memref<200x128xf32, #tpu.memory_space<vmem>>, vector<1x16xf32>,
        %swap3A_731 = vector.shape_cast %swap3A_730 : vector<1x16xf32> to vector<16xf32>
        %swap3A_732 = vector.shape_cast %add3A_727 : vector<16xf32> to vector<1x16xf32>
        tpu.vector_store %arg9[%swap3A_728, %swap3A_729], %swap3A_732 {strides = array<i32>} : memref<200x128xf32, #tpu.memory_space<vmem>>, vector<1x16xf32>,
        %get3A_733 = arith.index_cast %add3A_649 : i32 to index
        %get3A_734 = arith.constant 80 : index
        %get3A_735 = tpu.vector_load %arg9[%get3A_733, %get3A_734] {strides = array<i32>} : memref<200x128xf32, #tpu.memory_space<vmem>>, vector<1x16xf32>,
        %get3A_736 = vector.shape_cast %get3A_735 : vector<1x16xf32> to vector<16xf32>
        %mul3A_737 = arith.constant 11.3137083 : f32
        %mul3A_738 = vector.broadcast %mul3A_737 : f32 to vector<16xf32>
        %mul3A_739 = arith.mulf %get3A_736, %mul3A_738 : vector<16xf32>
        %get3A_740 = arith.index_cast %add3A_649 : i32 to index
        %get3A_741 = arith.constant 80 : index
        %get3A_742 = tpu.vector_load %arg6[%get3A_740, %get3A_741] {strides = array<i32>} : memref<200x128xf32, #tpu.memory_space<vmem>>, vector<1x16xf32>,
        %get3A_743 = vector.shape_cast %get3A_742 : vector<1x16xf32> to vector<16xf32>
        %add3A_744 = arith.addf %mul3A_739, %get3A_743 : vector<16xf32>
        %swap3A_745 = arith.index_cast %add3A_649 : i32 to index
        %swap3A_746 = arith.constant 80 : index
        %swap3A_747 = tpu.vector_load %arg9[%swap3A_745, %swap3A_746] {strides = array<i32>} : memref<200x128xf32, #tpu.memory_space<vmem>>, vector<1x16xf32>,
        %swap3A_748 = vector.shape_cast %swap3A_747 : vector<1x16xf32> to vector<16xf32>
        %swap3A_749 = vector.shape_cast %add3A_744 : vector<16xf32> to vector<1x16xf32>
        tpu.vector_store %arg9[%swap3A_745, %swap3A_746], %swap3A_749 {strides = array<i32>} : memref<200x128xf32, #tpu.memory_space<vmem>>, vector<1x16xf32>,
        %get3A_750 = arith.index_cast %add3A_649 : i32 to index
        %get3A_751 = arith.constant 96 : index
        %get3A_752 = tpu.vector_load %arg9[%get3A_750, %get3A_751] {strides = array<i32>} : memref<200x128xf32, #tpu.memory_space<vmem>>, vector<1x16xf32>,
        %get3A_753 = vector.shape_cast %get3A_752 : vector<1x16xf32> to vector<16xf32>
        %mul3A_754 = arith.constant 11.3137083 : f32
        %mul3A_755 = vector.broadcast %mul3A_754 : f32 to vector<16xf32>
        %mul3A_756 = arith.mulf %get3A_753, %mul3A_755 : vector<16xf32>
        %get3A_757 = arith.index_cast %add3A_649 : i32 to index
        %get3A_758 = arith.constant 96 : index
        %get3A_759 = tpu.vector_load %arg6[%get3A_757, %get3A_758] {strides = array<i32>} : memref<200x128xf32, #tpu.memory_space<vmem>>, vector<1x16xf32>,
        %get3A_760 = vector.shape_cast %get3A_759 : vector<1x16xf32> to vector<16xf32>
        %add3A_761 = arith.addf %mul3A_756, %get3A_760 : vector<16xf32>
        %swap3A_762 = arith.index_cast %add3A_649 : i32 to index
        %swap3A_763 = arith.constant 96 : index
        %swap3A_764 = tpu.vector_load %arg9[%swap3A_762, %swap3A_763] {strides = array<i32>} : memref<200x128xf32, #tpu.memory_space<vmem>>, vector<1x16xf32>,
        %swap3A_765 = vector.shape_cast %swap3A_764 : vector<1x16xf32> to vector<16xf32>
        %swap3A_766 = vector.shape_cast %add3A_761 : vector<16xf32> to vector<1x16xf32>
        tpu.vector_store %arg9[%swap3A_762, %swap3A_763], %swap3A_766 {strides = array<i32>} : memref<200x128xf32, #tpu.memory_space<vmem>>, vector<1x16xf32>,
        %get3A_767 = arith.index_cast %add3A_649 : i32 to index
        %get3A_768 = arith.constant 112 : index
        %get3A_769 = tpu.vector_load %arg9[%get3A_767, %get3A_768] {strides = array<i32>} : memref<200x128xf32, #tpu.memory_space<vmem>>, vector<1x16xf32>,
        %get3A_770 = vector.shape_cast %get3A_769 : vector<1x16xf32> to vector<16xf32>
        %mul3A_771 = arith.constant 11.3137083 : f32
        %mul3A_772 = vector.broadcast %mul3A_771 : f32 to vector<16xf32>
        %mul3A_773 = arith.mulf %get3A_770, %mul3A_772 : vector<16xf32>
        %get3A_774 = arith.index_cast %add3A_649 : i32 to index
        %get3A_775 = arith.constant 112 : index
        %get3A_776 = tpu.vector_load %arg6[%get3A_774, %get3A_775] {strides = array<i32>} : memref<200x128xf32, #tpu.memory_space<vmem>>, vector<1x16xf32>,
        %get3A_777 = vector.shape_cast %get3A_776 : vector<1x16xf32> to vector<16xf32>
        %add3A_778 = arith.addf %mul3A_773, %get3A_777 : vector<16xf32>
        %swap3A_779 = arith.index_cast %add3A_649 : i32 to index
        %swap3A_780 = arith.constant 112 : index
        %swap3A_781 = tpu.vector_load %arg9[%swap3A_779, %swap3A_780] {strides = array<i32>} : memref<200x128xf32, #tpu.memory_space<vmem>>, vector<1x16xf32>,
        %swap3A_782 = vector.shape_cast %swap3A_781 : vector<1x16xf32> to vector<16xf32>
        %swap3A_783 = vector.shape_cast %add3A_778 : vector<16xf32> to vector<1x16xf32>
        tpu.vector_store %arg9[%swap3A_779, %swap3A_780], %swap3A_783 {strides = array<i32>} : memref<200x128xf32, #tpu.memory_space<vmem>>, vector<1x16xf32>,
        %mul3A_784 = arith.constant 2 : i32
        %mul3A_785 = arith.muli %scan3A_645, %mul3A_784 : i32
        %add3A_786 = arith.constant 1 : i32
        %add3A_787 = arith.addi %mul3A_785, %add3A_786 : i32
        %get3A_788 = arith.index_cast %add3A_787 : i32 to index
        %get3A_789 = arith.constant 0 : index
        %get3A_790 = tpu.vector_load %arg9[%get3A_788, %get3A_789] {strides = array<i32>} : memref<200x128xf32, #tpu.memory_space<vmem>>, vector<1x16xf32>,
        %get3A_791 = vector.shape_cast %get3A_790 : vector<1x16xf32> to vector<16xf32>
        %mul3A_792 = arith.constant 11.3137083 : f32
        %mul3A_793 = vector.broadcast %mul3A_792 : f32 to vector<16xf32>
        %mul3A_794 = arith.mulf %get3A_791, %mul3A_793 : vector<16xf32>
        %get3A_795 = arith.index_cast %add3A_787 : i32 to index
        %get3A_796 = arith.constant 0 : index
        %get3A_797 = tpu.vector_load %arg6[%get3A_795, %get3A_796] {strides = array<i32>} : memref<200x128xf32, #tpu.memory_space<vmem>>, vector<1x16xf32>,
        %get3A_798 = vector.shape_cast %get3A_797 : vector<1x16xf32> to vector<16xf32>
        %add3A_799 = arith.addf %mul3A_794, %get3A_798 : vector<16xf32>
        %swap3A_800 = arith.index_cast %add3A_787 : i32 to index
        %swap3A_801 = arith.constant 0 : index
        %swap3A_802 = tpu.vector_load %arg9[%swap3A_800, %swap3A_801] {strides = array<i32>} : memref<200x128xf32, #tpu.memory_space<vmem>>, vector<1x16xf32>,
        %swap3A_803 = vector.shape_cast %swap3A_802 : vector<1x16xf32> to vector<16xf32>
        %swap3A_804 = vector.shape_cast %add3A_799 : vector<16xf32> to vector<1x16xf32>
        tpu.vector_store %arg9[%swap3A_800, %swap3A_801], %swap3A_804 {strides = array<i32>} : memref<200x128xf32, #tpu.memory_space<vmem>>, vector<1x16xf32>,
        %get3A_805 = arith.index_cast %add3A_787 : i32 to index
        %get3A_806 = arith.constant 16 : index
        %get3A_807 = tpu.vector_load %arg9[%get3A_805, %get3A_806] {strides = array<i32>} : memref<200x128xf32, #tpu.memory_space<vmem>>, vector<1x16xf32>,
        %get3A_808 = vector.shape_cast %get3A_807 : vector<1x16xf32> to vector<16xf32>
        %mul3A_809 = arith.constant 11.3137083 : f32
        %mul3A_810 = vector.broadcast %mul3A_809 : f32 to vector<16xf32>
        %mul3A_811 = arith.mulf %get3A_808, %mul3A_810 : vector<16xf32>
        %get3A_812 = arith.index_cast %add3A_787 : i32 to index
        %get3A_813 = arith.constant 16 : index
        %get3A_814 = tpu.vector_load %arg6[%get3A_812, %get3A_813] {strides = array<i32>} : memref<200x128xf32, #tpu.memory_space<vmem>>, vector<1x16xf32>,
        %get3A_815 = vector.shape_cast %get3A_814 : vector<1x16xf32> to vector<16xf32>
        %add3A_816 = arith.addf %mul3A_811, %get3A_815 : vector<16xf32>
        %swap3A_817 = arith.index_cast %add3A_787 : i32 to index
        %swap3A_818 = arith.constant 16 : index
        %swap3A_819 = tpu.vector_load %arg9[%swap3A_817, %swap3A_818] {strides = array<i32>} : memref<200x128xf32, #tpu.memory_space<vmem>>, vector<1x16xf32>,
        %swap3A_820 = vector.shape_cast %swap3A_819 : vector<1x16xf32> to vector<16xf32>
        %swap3A_821 = vector.shape_cast %add3A_816 : vector<16xf32> to vector<1x16xf32>
        tpu.vector_store %arg9[%swap3A_817, %swap3A_818], %swap3A_821 {strides = array<i32>} : memref<200x128xf32, #tpu.memory_space<vmem>>, vector<1x16xf32>,
        %get3A_822 = arith.index_cast %add3A_787 : i32 to index
        %get3A_823 = arith.constant 32 : index
        %get3A_824 = tpu.vector_load %arg9[%get3A_822, %get3A_823] {strides = array<i32>} : memref<200x128xf32, #tpu.memory_space<vmem>>, vector<1x16xf32>,
        %get3A_825 = vector.shape_cast %get3A_824 : vector<1x16xf32> to vector<16xf32>
        %mul3A_826 = arith.constant 11.3137083 : f32
        %mul3A_827 = vector.broadcast %mul3A_826 : f32 to vector<16xf32>
        %mul3A_828 = arith.mulf %get3A_825, %mul3A_827 : vector<16xf32>
        %get3A_829 = arith.index_cast %add3A_787 : i32 to index
        %get3A_830 = arith.constant 32 : index
        %get3A_831 = tpu.vector_load %arg6[%get3A_829, %get3A_830] {strides = array<i32>} : memref<200x128xf32, #tpu.memory_space<vmem>>, vector<1x16xf32>,
        %get3A_832 = vector.shape_cast %get3A_831 : vector<1x16xf32> to vector<16xf32>
        %add3A_833 = arith.addf %mul3A_828, %get3A_832 : vector<16xf32>
        %swap3A_834 = arith.index_cast %add3A_787 : i32 to index
        %swap3A_835 = arith.constant 32 : index
        %swap3A_836 = tpu.vector_load %arg9[%swap3A_834, %swap3A_835] {strides = array<i32>} : memref<200x128xf32, #tpu.memory_space<vmem>>, vector<1x16xf32>,
        %swap3A_837 = vector.shape_cast %swap3A_836 : vector<1x16xf32> to vector<16xf32>
        %swap3A_838 = vector.shape_cast %add3A_833 : vector<16xf32> to vector<1x16xf32>
        tpu.vector_store %arg9[%swap3A_834, %swap3A_835], %swap3A_838 {strides = array<i32>} : memref<200x128xf32, #tpu.memory_space<vmem>>, vector<1x16xf32>,
        %get3A_839 = arith.index_cast %add3A_787 : i32 to index
        %get3A_840 = arith.constant 48 : index
        %get3A_841 = tpu.vector_load %arg9[%get3A_839, %get3A_840] {strides = array<i32>} : memref<200x128xf32, #tpu.memory_space<vmem>>, vector<1x16xf32>,
        %get3A_842 = vector.shape_cast %get3A_841 : vector<1x16xf32> to vector<16xf32>
        %mul3A_843 = arith.constant 11.3137083 : f32
        %mul3A_844 = vector.broadcast %mul3A_843 : f32 to vector<16xf32>
        %mul3A_845 = arith.mulf %get3A_842, %mul3A_844 : vector<16xf32>
        %get3A_846 = arith.index_cast %add3A_787 : i32 to index
        %get3A_847 = arith.constant 48 : index
        %get3A_848 = tpu.vector_load %arg6[%get3A_846, %get3A_847] {strides = array<i32>} : memref<200x128xf32, #tpu.memory_space<vmem>>, vector<1x16xf32>,
        %get3A_849 = vector.shape_cast %get3A_848 : vector<1x16xf32> to vector<16xf32>
        %add3A_850 = arith.addf %mul3A_845, %get3A_849 : vector<16xf32>
        %swap3A_851 = arith.index_cast %add3A_787 : i32 to index
        %swap3A_852 = arith.constant 48 : index
        %swap3A_853 = tpu.vector_load %arg9[%swap3A_851, %swap3A_852] {strides = array<i32>} : memref<200x128xf32, #tpu.memory_space<vmem>>, vector<1x16xf32>,
        %swap3A_854 = vector.shape_cast %swap3A_853 : vector<1x16xf32> to vector<16xf32>
        %swap3A_855 = vector.shape_cast %add3A_850 : vector<16xf32> to vector<1x16xf32>
        tpu.vector_store %arg9[%swap3A_851, %swap3A_852], %swap3A_855 {strides = array<i32>} : memref<200x128xf32, #tpu.memory_space<vmem>>, vector<1x16xf32>,
        %get3A_856 = arith.index_cast %add3A_787 : i32 to index
        %get3A_857 = arith.constant 64 : index
        %get3A_858 = tpu.vector_load %arg9[%get3A_856, %get3A_857] {strides = array<i32>} : memref<200x128xf32, #tpu.memory_space<vmem>>, vector<1x16xf32>,
        %get3A_859 = vector.shape_cast %get3A_858 : vector<1x16xf32> to vector<16xf32>
        %mul3A_860 = arith.constant 11.3137083 : f32
        %mul3A_861 = vector.broadcast %mul3A_860 : f32 to vector<16xf32>
        %mul3A_862 = arith.mulf %get3A_859, %mul3A_861 : vector<16xf32>
        %get3A_863 = arith.index_cast %add3A_787 : i32 to index
        %get3A_864 = arith.constant 64 : index
        %get3A_865 = tpu.vector_load %arg6[%get3A_863, %get3A_864] {strides = array<i32>} : memref<200x128xf32, #tpu.memory_space<vmem>>, vector<1x16xf32>,
        %get3A_866 = vector.shape_cast %get3A_865 : vector<1x16xf32> to vector<16xf32>
        %add3A_867 = arith.addf %mul3A_862, %get3A_866 : vector<16xf32>
        %swap3A_868 = arith.index_cast %add3A_787 : i32 to index
        %swap3A_869 = arith.constant 64 : index
        %swap3A_870 = tpu.vector_load %arg9[%swap3A_868, %swap3A_869] {strides = array<i32>} : memref<200x128xf32, #tpu.memory_space<vmem>>, vector<1x16xf32>,
        %swap3A_871 = vector.shape_cast %swap3A_870 : vector<1x16xf32> to vector<16xf32>
        %swap3A_872 = vector.shape_cast %add3A_867 : vector<16xf32> to vector<1x16xf32>
        tpu.vector_store %arg9[%swap3A_868, %swap3A_869], %swap3A_872 {strides = array<i32>} : memref<200x128xf32, #tpu.memory_space<vmem>>, vector<1x16xf32>,
        %get3A_873 = arith.index_cast %add3A_787 : i32 to index
        %get3A_874 = arith.constant 80 : index
        %get3A_875 = tpu.vector_load %arg9[%get3A_873, %get3A_874] {strides = array<i32>} : memref<200x128xf32, #tpu.memory_space<vmem>>, vector<1x16xf32>,
        %get3A_876 = vector.shape_cast %get3A_875 : vector<1x16xf32> to vector<16xf32>
        %mul3A_877 = arith.constant 11.3137083 : f32
        %mul3A_878 = vector.broadcast %mul3A_877 : f32 to vector<16xf32>
        %mul3A_879 = arith.mulf %get3A_876, %mul3A_878 : vector<16xf32>
        %get3A_880 = arith.index_cast %add3A_787 : i32 to index
        %get3A_881 = arith.constant 80 : index
        %get3A_882 = tpu.vector_load %arg6[%get3A_880, %get3A_881] {strides = array<i32>} : memref<200x128xf32, #tpu.memory_space<vmem>>, vector<1x16xf32>,
        %get3A_883 = vector.shape_cast %get3A_882 : vector<1x16xf32> to vector<16xf32>
        %add3A_884 = arith.addf %mul3A_879, %get3A_883 : vector<16xf32>
        %swap3A_885 = arith.index_cast %add3A_787 : i32 to index
        %swap3A_886 = arith.constant 80 : index
        %swap3A_887 = tpu.vector_load %arg9[%swap3A_885, %swap3A_886] {strides = array<i32>} : memref<200x128xf32, #tpu.memory_space<vmem>>, vector<1x16xf32>,
        %swap3A_888 = vector.shape_cast %swap3A_887 : vector<1x16xf32> to vector<16xf32>
        %swap3A_889 = vector.shape_cast %add3A_884 : vector<16xf32> to vector<1x16xf32>
        tpu.vector_store %arg9[%swap3A_885, %swap3A_886], %swap3A_889 {strides = array<i32>} : memref<200x128xf32, #tpu.memory_space<vmem>>, vector<1x16xf32>,
        %get3A_890 = arith.index_cast %add3A_787 : i32 to index
        %get3A_891 = arith.constant 96 : index
        %get3A_892 = tpu.vector_load %arg9[%get3A_890, %get3A_891] {strides = array<i32>} : memref<200x128xf32, #tpu.memory_space<vmem>>, vector<1x16xf32>,
        %get3A_893 = vector.shape_cast %get3A_892 : vector<1x16xf32> to vector<16xf32>
        %mul3A_894 = arith.constant 11.3137083 : f32
        %mul3A_895 = vector.broadcast %mul3A_894 : f32 to vector<16xf32>
        %mul3A_896 = arith.mulf %get3A_893, %mul3A_895 : vector<16xf32>
        %get3A_897 = arith.index_cast %add3A_787 : i32 to index
        %get3A_898 = arith.constant 96 : index
        %get3A_899 = tpu.vector_load %arg6[%get3A_897, %get3A_898] {strides = array<i32>} : memref<200x128xf32, #tpu.memory_space<vmem>>, vector<1x16xf32>,
        %get3A_900 = vector.shape_cast %get3A_899 : vector<1x16xf32> to vector<16xf32>
        %add3A_901 = arith.addf %mul3A_896, %get3A_900 : vector<16xf32>
        %swap3A_902 = arith.index_cast %add3A_787 : i32 to index
        %swap3A_903 = arith.constant 96 : index
        %swap3A_904 = tpu.vector_load %arg9[%swap3A_902, %swap3A_903] {strides = array<i32>} : memref<200x128xf32, #tpu.memory_space<vmem>>, vector<1x16xf32>,
        %swap3A_905 = vector.shape_cast %swap3A_904 : vector<1x16xf32> to vector<16xf32>
        %swap3A_906 = vector.shape_cast %add3A_901 : vector<16xf32> to vector<1x16xf32>
        tpu.vector_store %arg9[%swap3A_902, %swap3A_903], %swap3A_906 {strides = array<i32>} : memref<200x128xf32, #tpu.memory_space<vmem>>, vector<1x16xf32>,
        %get3A_907 = arith.index_cast %add3A_787 : i32 to index
        %get3A_908 = arith.constant 112 : index
        %get3A_909 = tpu.vector_load %arg9[%get3A_907, %get3A_908] {strides = array<i32>} : memref<200x128xf32, #tpu.memory_space<vmem>>, vector<1x16xf32>,
        %get3A_910 = vector.shape_cast %get3A_909 : vector<1x16xf32> to vector<16xf32>
        %mul3A_911 = arith.constant 11.3137083 : f32
        %mul3A_912 = vector.broadcast %mul3A_911 : f32 to vector<16xf32>
        %mul3A_913 = arith.mulf %get3A_910, %mul3A_912 : vector<16xf32>
        %get3A_914 = arith.index_cast %add3A_787 : i32 to index
        %get3A_915 = arith.constant 112 : index
        %get3A_916 = tpu.vector_load %arg6[%get3A_914, %get3A_915] {strides = array<i32>} : memref<200x128xf32, #tpu.memory_space<vmem>>, vector<1x16xf32>,
        %get3A_917 = vector.shape_cast %get3A_916 : vector<1x16xf32> to vector<16xf32>
        %add3A_918 = arith.addf %mul3A_913, %get3A_917 : vector<16xf32>
        %swap3A_919 = arith.index_cast %add3A_787 : i32 to index
        %swap3A_920 = arith.constant 112 : index
        %swap3A_921 = tpu.vector_load %arg9[%swap3A_919, %swap3A_920] {strides = array<i32>} : memref<200x128xf32, #tpu.memory_space<vmem>>, vector<1x16xf32>,
        %swap3A_922 = vector.shape_cast %swap3A_921 : vector<1x16xf32> to vector<16xf32>
        %swap3A_923 = vector.shape_cast %add3A_918 : vector<16xf32> to vector<1x16xf32>
        tpu.vector_store %arg9[%swap3A_919, %swap3A_920], %swap3A_923 {strides = array<i32>} : memref<200x128xf32, #tpu.memory_space<vmem>>, vector<1x16xf32>,
      }
      %scan3A_513 = arith.constant 100 : i32
      %mul3A_514 = arith.constant 200 : i32
      %mul3A_515 = arith.muli %add3A_404, %mul3A_514 : i32
      %add3A_516 = arith.addi %mul3A_2, %mul3A_515 : i32
      %multiple_of3A_517 = tpu.assume_multiple %add3A_516, 8 : i32
      %dma_start3A_518 = arith.constant 0 : i32
      %dma_start3A_519 = tpu.memref_slice %arg5[%multiple_of3A_517, %dma_start3A_518] : memref<204800x128xf32, #tpu.memory_space<hbm>> -> memref<200x128xf32, #tpu.memory_space<hbm>>
      %dma_start3A_520 = arith.constant 0 : i32
      %dma_start3A_521 = tpu.memref_slice %arg5[%multiple_of3A_517, %dma_start3A_520] : memref<204800x128xf32, #tpu.memory_space<hbm>> -> memref<200x128xf32, #tpu.memory_space<hbm>>
      tpu.enqueue_dma source(%arg9 : memref<200x128xf32, #tpu.memory_space<vmem>>) target(%dma_start3A_521 : memref<200x128xf32, #tpu.memory_space<hbm>>) target_semaphore(%arg15 : memref<!tpu.dma_semaphore, #tpu.memory_space<semaphore_mem>>)
      %add3A_522 = arith.constant 2 : i32
      %add3A_523 = arith.addi %mul3A_286, %add3A_522 : i32
      %sub3A = arith.constant 2 : i32
      %sub3A_524 = arith.subi %add3A_523, %sub3A : i32
      %mul3A_525 = arith.constant 200 : i32
      %mul3A_526 = arith.muli %sub3A_524, %mul3A_525 : i32
      %add3A_527 = arith.addi %mul3A_2, %mul3A_526 : i32
      %multiple_of3A_528 = tpu.assume_multiple %add3A_527, 8 : i32
      %dma_wait3A_529 = arith.constant 0 : i32
      %dma_wait3A_530 = tpu.memref_slice %arg5[%multiple_of3A_528, %dma_wait3A_529] : memref<204800x128xf32, #tpu.memory_space<hbm>> -> memref<200x128xf32, #tpu.memory_space<hbm>>
      %dma_wait3A_531 = arith.constant 0 : i32
      %dma_wait3A_532 = tpu.memref_slice %arg5[%multiple_of3A_528, %dma_wait3A_531] : memref<204800x128xf32, #tpu.memory_space<hbm>> -> memref<200x128xf32, #tpu.memory_space<hbm>>
      tpu.wait_dma2 semaphore(%arg14 : memref<!tpu.dma_semaphore, #tpu.memory_space<semaphore_mem>>) src(%arg8 : memref<200x128xf32, #tpu.memory_space<vmem>>) dst(%dma_wait3A_532 : memref<200x128xf32, #tpu.memory_space<hbm>>)
      %add3A_533 = arith.constant 1 : i32
      %add3A_534 = arith.addi %add3A_523, %add3A_533 : i32
      %mul3A_535 = arith.constant 200 : i32
      %mul3A_536 = arith.muli %add3A_534, %mul3A_535 : i32
      %multiple_of3A_537 = tpu.assume_multiple %mul3A_536, 8 : i32
      %add3A_538 = arith.constant 0 : i32
      %add3A_539 = arith.addi %multiple_of3A_537, %add3A_538 : i32
      %add3A_540 = arith.constant 40 : i32
      %add3A_541 = arith.addi %multiple_of3A_537, %add3A_540 : i32
      %add3A_542 = arith.constant 80 : i32
      %add3A_543 = arith.addi %multiple_of3A_537, %add3A_542 : i32
      %add3A_544 = arith.constant 120 : i32
      %add3A_545 = arith.addi %multiple_of3A_537, %add3A_544 : i32
      %add3A_546 = arith.constant 160 : i32
      %add3A_547 = arith.addi %multiple_of3A_537, %add3A_546 : i32
      %dma_start3A_548 = arith.constant 0 : i32
      %dma_start3A_549 = arith.constant 0 : i32
      %dma_start3A_550 = tpu.memref_slice %arg8[%dma_start3A_548, %dma_start3A_549] : memref<200x128xf32, #tpu.memory_space<vmem>> -> memref<40x128xf32, #tpu.memory_space<vmem>>
      %dma_start3A_551 = tpu.memref_slice %arg7[%add3A_539] : memref<6400xi32, #tpu.memory_space<vmem>> -> memref<40xi32, #tpu.memory_space<vmem>>
      %dma_start3A_552 = arith.constant 0 : i32
      %dma_start3A_553 = arith.constant 0 : i32
      %dma_start3A_554 = tpu.memref_slice %arg3[%dma_start3A_552, %dma_start3A_553] : memref<100000x128xf32, #tpu.memory_space<hbm>> -> memref<100000x128xf32, #tpu.memory_space<hbm>>
      tpu.enqueue_indirect_dma source(%dma_start3A_554 : memref<100000x128xf32, #tpu.memory_space<hbm>>) target(%dma_start3A_550 : memref<40x128xf32, #tpu.memory_space<vmem>>) offsets(%dma_start3A_551 : memref<40xi32, #tpu.memory_space<vmem>>) semaphore(%arg11 : memref<!tpu.dma_semaphore, #tpu.memory_space<semaphore_mem>>)
      %dma_start3A_555 = arith.constant 40 : i32
      %dma_start3A_556 = arith.constant 0 : i32
      %dma_start3A_557 = tpu.memref_slice %arg8[%dma_start3A_555, %dma_start3A_556] : memref<200x128xf32, #tpu.memory_space<vmem>> -> memref<40x128xf32, #tpu.memory_space<vmem>>
      %dma_start3A_558 = tpu.memref_slice %arg7[%add3A_541] : memref<6400xi32, #tpu.memory_space<vmem>> -> memref<40xi32, #tpu.memory_space<vmem>>
      %dma_start3A_559 = arith.constant 0 : i32
      %dma_start3A_560 = arith.constant 0 : i32
      %dma_start3A_561 = tpu.memref_slice %arg3[%dma_start3A_559, %dma_start3A_560] : memref<100000x128xf32, #tpu.memory_space<hbm>> -> memref<100000x128xf32, #tpu.memory_space<hbm>>
      tpu.enqueue_indirect_dma source(%dma_start3A_561 : memref<100000x128xf32, #tpu.memory_space<hbm>>) target(%dma_start3A_557 : memref<40x128xf32, #tpu.memory_space<vmem>>) offsets(%dma_start3A_558 : memref<40xi32, #tpu.memory_space<vmem>>) semaphore(%arg11 : memref<!tpu.dma_semaphore, #tpu.memory_space<semaphore_mem>>)
      %dma_start3A_562 = arith.constant 80 : i32
      %dma_start3A_563 = arith.constant 0 : i32
      %dma_start3A_564 = tpu.memref_slice %arg8[%dma_start3A_562, %dma_start3A_563] : memref<200x128xf32, #tpu.memory_space<vmem>> -> memref<40x128xf32, #tpu.memory_space<vmem>>
      %dma_start3A_565 = tpu.memref_slice %arg7[%add3A_543] : memref<6400xi32, #tpu.memory_space<vmem>> -> memref<40xi32, #tpu.memory_space<vmem>>
      %dma_start3A_566 = arith.constant 0 : i32
      %dma_start3A_567 = arith.constant 0 : i32
      %dma_start3A_568 = tpu.memref_slice %arg3[%dma_start3A_566, %dma_start3A_567] : memref<100000x128xf32, #tpu.memory_space<hbm>> -> memref<100000x128xf32, #tpu.memory_space<hbm>>
      tpu.enqueue_indirect_dma source(%dma_start3A_568 : memref<100000x128xf32, #tpu.memory_space<hbm>>) target(%dma_start3A_564 : memref<40x128xf32, #tpu.memory_space<vmem>>) offsets(%dma_start3A_565 : memref<40xi32, #tpu.memory_space<vmem>>) semaphore(%arg11 : memref<!tpu.dma_semaphore, #tpu.memory_space<semaphore_mem>>)
      %dma_start3A_569 = arith.constant 120 : i32
      %dma_start3A_570 = arith.constant 0 : i32
      %dma_start3A_571 = tpu.memref_slice %arg8[%dma_start3A_569, %dma_start3A_570] : memref<200x128xf32, #tpu.memory_space<vmem>> -> memref<40x128xf32, #tpu.memory_space<vmem>>
      %dma_start3A_572 = tpu.memref_slice %arg7[%add3A_545] : memref<6400xi32, #tpu.memory_space<vmem>> -> memref<40xi32, #tpu.memory_space<vmem>>
      %dma_start3A_573 = arith.constant 0 : i32
      %dma_start3A_574 = arith.constant 0 : i32
      %dma_start3A_575 = tpu.memref_slice %arg3[%dma_start3A_573, %dma_start3A_574] : memref<100000x128xf32, #tpu.memory_space<hbm>> -> memref<100000x128xf32, #tpu.memory_space<hbm>>
      tpu.enqueue_indirect_dma source(%dma_start3A_575 : memref<100000x128xf32, #tpu.memory_space<hbm>>) target(%dma_start3A_571 : memref<40x128xf32, #tpu.memory_space<vmem>>) offsets(%dma_start3A_572 : memref<40xi32, #tpu.memory_space<vmem>>) semaphore(%arg11 : memref<!tpu.dma_semaphore, #tpu.memory_space<semaphore_mem>>)
      %dma_start3A_576 = arith.constant 160 : i32
      %dma_start3A_577 = arith.constant 0 : i32
      %dma_start3A_578 = tpu.memref_slice %arg8[%dma_start3A_576, %dma_start3A_577] : memref<200x128xf32, #tpu.memory_space<vmem>> -> memref<40x128xf32, #tpu.memory_space<vmem>>
      %dma_start3A_579 = tpu.memref_slice %arg7[%add3A_547] : memref<6400xi32, #tpu.memory_space<vmem>> -> memref<40xi32, #tpu.memory_space<vmem>>
      %dma_start3A_580 = arith.constant 0 : i32
      %dma_start3A_581 = arith.constant 0 : i32
      %dma_start3A_582 = tpu.memref_slice %arg3[%dma_start3A_580, %dma_start3A_581] : memref<100000x128xf32, #tpu.memory_space<hbm>> -> memref<100000x128xf32, #tpu.memory_space<hbm>>
      tpu.enqueue_indirect_dma source(%dma_start3A_582 : memref<100000x128xf32, #tpu.memory_space<hbm>>) target(%dma_start3A_578 : memref<40x128xf32, #tpu.memory_space<vmem>>) offsets(%dma_start3A_579 : memref<40xi32, #tpu.memory_space<vmem>>) semaphore(%arg11 : memref<!tpu.dma_semaphore, #tpu.memory_space<semaphore_mem>>)
      %mul3A_583 = arith.constant 200 : i32
      %mul3A_584 = arith.muli %add3A_523, %mul3A_583 : i32
      %multiple_of3A_585 = tpu.assume_multiple %mul3A_584, 8 : i32
      %add3A_586 = arith.constant 0 : i32
      %add3A_587 = arith.addi %multiple_of3A_585, %add3A_586 : i32
      %add3A_588 = arith.constant 40 : i32
      %add3A_589 = arith.addi %multiple_of3A_585, %add3A_588 : i32
      %add3A_590 = arith.constant 80 : i32
      %add3A_591 = arith.addi %multiple_of3A_585, %add3A_590 : i32
      %add3A_592 = arith.constant 120 : i32
      %add3A_593 = arith.addi %multiple_of3A_585, %add3A_592 : i32
      %add3A_594 = arith.constant 160 : i32
      %add3A_595 = arith.addi %multiple_of3A_585, %add3A_594 : i32
      %dma_wait3A_596 = arith.constant 0 : i32
      %dma_wait3A_597 = arith.constant 0 : i32
      %dma_wait3A_598 = tpu.memref_slice %arg10[%dma_wait3A_596, %dma_wait3A_597] : memref<200x128xf32, #tpu.memory_space<vmem>> -> memref<40x128xf32, #tpu.memory_space<vmem>>
      %dma_wait3A_599 = tpu.memref_slice %arg7[%add3A_587] : memref<6400xi32, #tpu.memory_space<vmem>> -> memref<40xi32, #tpu.memory_space<vmem>>
      %dma_wait3A_600 = arith.constant 0 : i32
      %dma_wait3A_601 = arith.constant 0 : i32
      %dma_wait3A_602 = tpu.memref_slice %arg3[%dma_wait3A_600, %dma_wait3A_601] : memref<100000x128xf32, #tpu.memory_space<hbm>> -> memref<100000x128xf32, #tpu.memory_space<hbm>>
      tpu.wait_indirect_dma semaphore(%arg13 : memref<!tpu.dma_semaphore, #tpu.memory_space<semaphore_mem>>) src(%dma_wait3A_602 : memref<100000x128xf32, #tpu.memory_space<hbm>>) dst(%dma_wait3A_598 : memref<40x128xf32, #tpu.memory_space<vmem>>)
      %dma_wait3A_603 = arith.constant 40 : i32
      %dma_wait3A_604 = arith.constant 0 : i32
      %dma_wait3A_605 = tpu.memref_slice %arg10[%dma_wait3A_603, %dma_wait3A_604] : memref<200x128xf32, #tpu.memory_space<vmem>> -> memref<40x128xf32, #tpu.memory_space<vmem>>
      %dma_wait3A_606 = tpu.memref_slice %arg7[%add3A_589] : memref<6400xi32, #tpu.memory_space<vmem>> -> memref<40xi32, #tpu.memory_space<vmem>>
      %dma_wait3A_607 = arith.constant 0 : i32
      %dma_wait3A_608 = arith.constant 0 : i32
      %dma_wait3A_609 = tpu.memref_slice %arg3[%dma_wait3A_607, %dma_wait3A_608] : memref<100000x128xf32, #tpu.memory_space<hbm>> -> memref<100000x128xf32, #tpu.memory_space<hbm>>
      tpu.wait_indirect_dma semaphore(%arg13 : memref<!tpu.dma_semaphore, #tpu.memory_space<semaphore_mem>>) src(%dma_wait3A_609 : memref<100000x128xf32, #tpu.memory_space<hbm>>) dst(%dma_wait3A_605 : memref<40x128xf32, #tpu.memory_space<vmem>>)
      %dma_wait3A_610 = arith.constant 80 : i32
      %dma_wait3A_611 = arith.constant 0 : i32
      %dma_wait3A_612 = tpu.memref_slice %arg10[%dma_wait3A_610, %dma_wait3A_611] : memref<200x128xf32, #tpu.memory_space<vmem>> -> memref<40x128xf32, #tpu.memory_space<vmem>>
      %dma_wait3A_613 = tpu.memref_slice %arg7[%add3A_591] : memref<6400xi32, #tpu.memory_space<vmem>> -> memref<40xi32, #tpu.memory_space<vmem>>
      %dma_wait3A_614 = arith.constant 0 : i32
      %dma_wait3A_615 = arith.constant 0 : i32
      %dma_wait3A_616 = tpu.memref_slice %arg3[%dma_wait3A_614, %dma_wait3A_615] : memref<100000x128xf32, #tpu.memory_space<hbm>> -> memref<100000x128xf32, #tpu.memory_space<hbm>>
      tpu.wait_indirect_dma semaphore(%arg13 : memref<!tpu.dma_semaphore, #tpu.memory_space<semaphore_mem>>) src(%dma_wait3A_616 : memref<100000x128xf32, #tpu.memory_space<hbm>>) dst(%dma_wait3A_612 : memref<40x128xf32, #tpu.memory_space<vmem>>)
      %dma_wait3A_617 = arith.constant 120 : i32
      %dma_wait3A_618 = arith.constant 0 : i32
      %dma_wait3A_619 = tpu.memref_slice %arg10[%dma_wait3A_617, %dma_wait3A_618] : memref<200x128xf32, #tpu.memory_space<vmem>> -> memref<40x128xf32, #tpu.memory_space<vmem>>
      %dma_wait3A_620 = tpu.memref_slice %arg7[%add3A_593] : memref<6400xi32, #tpu.memory_space<vmem>> -> memref<40xi32, #tpu.memory_space<vmem>>
      %dma_wait3A_621 = arith.constant 0 : i32
      %dma_wait3A_622 = arith.constant 0 : i32
      %dma_wait3A_623 = tpu.memref_slice %arg3[%dma_wait3A_621, %dma_wait3A_622] : memref<100000x128xf32, #tpu.memory_space<hbm>> -> memref<100000x128xf32, #tpu.memory_space<hbm>>
      tpu.wait_indirect_dma semaphore(%arg13 : memref<!tpu.dma_semaphore, #tpu.memory_space<semaphore_mem>>) src(%dma_wait3A_623 : memref<100000x128xf32, #tpu.memory_space<hbm>>) dst(%dma_wait3A_619 : memref<40x128xf32, #tpu.memory_space<vmem>>)
      %dma_wait3A_624 = arith.constant 160 : i32
      %dma_wait3A_625 = arith.constant 0 : i32
      %dma_wait3A_626 = tpu.memref_slice %arg10[%dma_wait3A_624, %dma_wait3A_625] : memref<200x128xf32, #tpu.memory_space<vmem>> -> memref<40x128xf32, #tpu.memory_space<vmem>>
      %dma_wait3A_627 = tpu.memref_slice %arg7[%add3A_595] : memref<6400xi32, #tpu.memory_space<vmem>> -> memref<40xi32, #tpu.memory_space<vmem>>
      %dma_wait3A_628 = arith.constant 0 : i32
      %dma_wait3A_629 = arith.constant 0 : i32
      %dma_wait3A_630 = tpu.memref_slice %arg3[%dma_wait3A_628, %dma_wait3A_629] : memref<100000x128xf32, #tpu.memory_space<hbm>> -> memref<100000x128xf32, #tpu.memory_space<hbm>>
      tpu.wait_indirect_dma semaphore(%arg13 : memref<!tpu.dma_semaphore, #tpu.memory_space<semaphore_mem>>) src(%dma_wait3A_630 : memref<100000x128xf32, #tpu.memory_space<hbm>>) dst(%dma_wait3A_626 : memref<40x128xf32, #tpu.memory_space<vmem>>)
      %scan3A_631 = arith.constant 0 : i32
      %scan3A_632 = arith.constant 0 : i32
      %scan3A_633 = arith.constant 100 : i32
      %scan3A_634 = arith.addi %scan3A_632, %scan3A_633 : i32
      %scan3A_635 = arith.constant 1 : i32
      scf.for %scan3A_645 = %scan3A_632 to %scan3A_634 step %scan3A_635  : i32 {
        %mul3A_646 = arith.constant 2 : i32
        %mul3A_647 = arith.muli %scan3A_645, %mul3A_646 : i32
        %add3A_648 = arith.constant 0 : i32
        %add3A_649 = arith.addi %mul3A_647, %add3A_648 : i32
        %get3A = arith.index_cast %add3A_649 : i32 to index
        %get3A_650 = arith.constant 0 : index
        %get3A_651 = tpu.vector_load %arg10[%get3A, %get3A_650] {strides = array<i32>} : memref<200x128xf32, #tpu.memory_space<vmem>>, vector<1x16xf32>,
        %get3A_652 = vector.shape_cast %get3A_651 : vector<1x16xf32> to vector<16xf32>
        %mul3A_653 = arith.constant 11.3137083 : f32
        %mul3A_654 = vector.broadcast %mul3A_653 : f32 to vector<16xf32>
        %mul3A_655 = arith.mulf %get3A_652, %mul3A_654 : vector<16xf32>
        %get3A_656 = arith.index_cast %add3A_649 : i32 to index
        %get3A_657 = arith.constant 0 : index
        %get3A_658 = tpu.vector_load %arg6[%get3A_656, %get3A_657] {strides = array<i32>} : memref<200x128xf32, #tpu.memory_space<vmem>>, vector<1x16xf32>,
        %get3A_659 = vector.shape_cast %get3A_658 : vector<1x16xf32> to vector<16xf32>
        %add3A_660 = arith.addf %mul3A_655, %get3A_659 : vector<16xf32>
        %swap3A = arith.index_cast %add3A_649 : i32 to index
        %swap3A_661 = arith.constant 0 : index
        %swap3A_662 = tpu.vector_load %arg10[%swap3A, %swap3A_661] {strides = array<i32>} : memref<200x128xf32, #tpu.memory_space<vmem>>, vector<1x16xf32>,
        %swap3A_663 = vector.shape_cast %swap3A_662 : vector<1x16xf32> to vector<16xf32>
        %swap3A_664 = vector.shape_cast %add3A_660 : vector<16xf32> to vector<1x16xf32>
        tpu.vector_store %arg10[%swap3A, %swap3A_661], %swap3A_664 {strides = array<i32>} : memref<200x128xf32, #tpu.memory_space<vmem>>, vector<1x16xf32>,
        %get3A_665 = arith.index_cast %add3A_649 : i32 to index
        %get3A_666 = arith.constant 16 : index
        %get3A_667 = tpu.vector_load %arg10[%get3A_665, %get3A_666] {strides = array<i32>} : memref<200x128xf32, #tpu.memory_space<vmem>>, vector<1x16xf32>,
        %get3A_668 = vector.shape_cast %get3A_667 : vector<1x16xf32> to vector<16xf32>
        %mul3A_669 = arith.constant 11.3137083 : f32
        %mul3A_670 = vector.broadcast %mul3A_669 : f32 to vector<16xf32>
        %mul3A_671 = arith.mulf %get3A_668, %mul3A_670 : vector<16xf32>
        %get3A_672 = arith.index_cast %add3A_649 : i32 to index
        %get3A_673 = arith.constant 16 : index
        %get3A_674 = tpu.vector_load %arg6[%get3A_672, %get3A_673] {strides = array<i32>} : memref<200x128xf32, #tpu.memory_space<vmem>>, vector<1x16xf32>,
        %get3A_675 = vector.shape_cast %get3A_674 : vector<1x16xf32> to vector<16xf32>
        %add3A_676 = arith.addf %mul3A_671, %get3A_675 : vector<16xf32>
        %swap3A_677 = arith.index_cast %add3A_649 : i32 to index
        %swap3A_678 = arith.constant 16 : index
        %swap3A_679 = tpu.vector_load %arg10[%swap3A_677, %swap3A_678] {strides = array<i32>} : memref<200x128xf32, #tpu.memory_space<vmem>>, vector<1x16xf32>,
        %swap3A_680 = vector.shape_cast %swap3A_679 : vector<1x16xf32> to vector<16xf32>
        %swap3A_681 = vector.shape_cast %add3A_676 : vector<16xf32> to vector<1x16xf32>
        tpu.vector_store %arg10[%swap3A_677, %swap3A_678], %swap3A_681 {strides = array<i32>} : memref<200x128xf32, #tpu.memory_space<vmem>>, vector<1x16xf32>,
        %get3A_682 = arith.index_cast %add3A_649 : i32 to index
        %get3A_683 = arith.constant 32 : index
        %get3A_684 = tpu.vector_load %arg10[%get3A_682, %get3A_683] {strides = array<i32>} : memref<200x128xf32, #tpu.memory_space<vmem>>, vector<1x16xf32>,
        %get3A_685 = vector.shape_cast %get3A_684 : vector<1x16xf32> to vector<16xf32>
        %mul3A_686 = arith.constant 11.3137083 : f32
        %mul3A_687 = vector.broadcast %mul3A_686 : f32 to vector<16xf32>
        %mul3A_688 = arith.mulf %get3A_685, %mul3A_687 : vector<16xf32>
        %get3A_689 = arith.index_cast %add3A_649 : i32 to index
        %get3A_690 = arith.constant 32 : index
        %get3A_691 = tpu.vector_load %arg6[%get3A_689, %get3A_690] {strides = array<i32>} : memref<200x128xf32, #tpu.memory_space<vmem>>, vector<1x16xf32>,
        %get3A_692 = vector.shape_cast %get3A_691 : vector<1x16xf32> to vector<16xf32>
        %add3A_693 = arith.addf %mul3A_688, %get3A_692 : vector<16xf32>
        %swap3A_694 = arith.index_cast %add3A_649 : i32 to index
        %swap3A_695 = arith.constant 32 : index
        %swap3A_696 = tpu.vector_load %arg10[%swap3A_694, %swap3A_695] {strides = array<i32>} : memref<200x128xf32, #tpu.memory_space<vmem>>, vector<1x16xf32>,
        %swap3A_697 = vector.shape_cast %swap3A_696 : vector<1x16xf32> to vector<16xf32>
        %swap3A_698 = vector.shape_cast %add3A_693 : vector<16xf32> to vector<1x16xf32>
        tpu.vector_store %arg10[%swap3A_694, %swap3A_695], %swap3A_698 {strides = array<i32>} : memref<200x128xf32, #tpu.memory_space<vmem>>, vector<1x16xf32>,
        %get3A_699 = arith.index_cast %add3A_649 : i32 to index
        %get3A_700 = arith.constant 48 : index
        %get3A_701 = tpu.vector_load %arg10[%get3A_699, %get3A_700] {strides = array<i32>} : memref<200x128xf32, #tpu.memory_space<vmem>>, vector<1x16xf32>,
        %get3A_702 = vector.shape_cast %get3A_701 : vector<1x16xf32> to vector<16xf32>
        %mul3A_703 = arith.constant 11.3137083 : f32
        %mul3A_704 = vector.broadcast %mul3A_703 : f32 to vector<16xf32>
        %mul3A_705 = arith.mulf %get3A_702, %mul3A_704 : vector<16xf32>
        %get3A_706 = arith.index_cast %add3A_649 : i32 to index
        %get3A_707 = arith.constant 48 : index
        %get3A_708 = tpu.vector_load %arg6[%get3A_706, %get3A_707] {strides = array<i32>} : memref<200x128xf32, #tpu.memory_space<vmem>>, vector<1x16xf32>,
        %get3A_709 = vector.shape_cast %get3A_708 : vector<1x16xf32> to vector<16xf32>
        %add3A_710 = arith.addf %mul3A_705, %get3A_709 : vector<16xf32>
        %swap3A_711 = arith.index_cast %add3A_649 : i32 to index
        %swap3A_712 = arith.constant 48 : index
        %swap3A_713 = tpu.vector_load %arg10[%swap3A_711, %swap3A_712] {strides = array<i32>} : memref<200x128xf32, #tpu.memory_space<vmem>>, vector<1x16xf32>,
        %swap3A_714 = vector.shape_cast %swap3A_713 : vector<1x16xf32> to vector<16xf32>
        %swap3A_715 = vector.shape_cast %add3A_710 : vector<16xf32> to vector<1x16xf32>
        tpu.vector_store %arg10[%swap3A_711, %swap3A_712], %swap3A_715 {strides = array<i32>} : memref<200x128xf32, #tpu.memory_space<vmem>>, vector<1x16xf32>,
        %get3A_716 = arith.index_cast %add3A_649 : i32 to index
        %get3A_717 = arith.constant 64 : index
        %get3A_718 = tpu.vector_load %arg10[%get3A_716, %get3A_717] {strides = array<i32>} : memref<200x128xf32, #tpu.memory_space<vmem>>, vector<1x16xf32>,
        %get3A_719 = vector.shape_cast %get3A_718 : vector<1x16xf32> to vector<16xf32>
        %mul3A_720 = arith.constant 11.3137083 : f32
        %mul3A_721 = vector.broadcast %mul3A_720 : f32 to vector<16xf32>
        %mul3A_722 = arith.mulf %get3A_719, %mul3A_721 : vector<16xf32>
        %get3A_723 = arith.index_cast %add3A_649 : i32 to index
        %get3A_724 = arith.constant 64 : index
        %get3A_725 = tpu.vector_load %arg6[%get3A_723, %get3A_724] {strides = array<i32>} : memref<200x128xf32, #tpu.memory_space<vmem>>, vector<1x16xf32>,
        %get3A_726 = vector.shape_cast %get3A_725 : vector<1x16xf32> to vector<16xf32>
        %add3A_727 = arith.addf %mul3A_722, %get3A_726 : vector<16xf32>
        %swap3A_728 = arith.index_cast %add3A_649 : i32 to index
        %swap3A_729 = arith.constant 64 : index
        %swap3A_730 = tpu.vector_load %arg10[%swap3A_728, %swap3A_729] {strides = array<i32>} : memref<200x128xf32, #tpu.memory_space<vmem>>, vector<1x16xf32>,
        %swap3A_731 = vector.shape_cast %swap3A_730 : vector<1x16xf32> to vector<16xf32>
        %swap3A_732 = vector.shape_cast %add3A_727 : vector<16xf32> to vector<1x16xf32>
        tpu.vector_store %arg10[%swap3A_728, %swap3A_729], %swap3A_732 {strides = array<i32>} : memref<200x128xf32, #tpu.memory_space<vmem>>, vector<1x16xf32>,
        %get3A_733 = arith.index_cast %add3A_649 : i32 to index
        %get3A_734 = arith.constant 80 : index
        %get3A_735 = tpu.vector_load %arg10[%get3A_733, %get3A_734] {strides = array<i32>} : memref<200x128xf32, #tpu.memory_space<vmem>>, vector<1x16xf32>,
        %get3A_736 = vector.shape_cast %get3A_735 : vector<1x16xf32> to vector<16xf32>
        %mul3A_737 = arith.constant 11.3137083 : f32
        %mul3A_738 = vector.broadcast %mul3A_737 : f32 to vector<16xf32>
        %mul3A_739 = arith.mulf %get3A_736, %mul3A_738 : vector<16xf32>
        %get3A_740 = arith.index_cast %add3A_649 : i32 to index
        %get3A_741 = arith.constant 80 : index
        %get3A_742 = tpu.vector_load %arg6[%get3A_740, %get3A_741] {strides = array<i32>} : memref<200x128xf32, #tpu.memory_space<vmem>>, vector<1x16xf32>,
        %get3A_743 = vector.shape_cast %get3A_742 : vector<1x16xf32> to vector<16xf32>
        %add3A_744 = arith.addf %mul3A_739, %get3A_743 : vector<16xf32>
        %swap3A_745 = arith.index_cast %add3A_649 : i32 to index
        %swap3A_746 = arith.constant 80 : index
        %swap3A_747 = tpu.vector_load %arg10[%swap3A_745, %swap3A_746] {strides = array<i32>} : memref<200x128xf32, #tpu.memory_space<vmem>>, vector<1x16xf32>,
        %swap3A_748 = vector.shape_cast %swap3A_747 : vector<1x16xf32> to vector<16xf32>
        %swap3A_749 = vector.shape_cast %add3A_744 : vector<16xf32> to vector<1x16xf32>
        tpu.vector_store %arg10[%swap3A_745, %swap3A_746], %swap3A_749 {strides = array<i32>} : memref<200x128xf32, #tpu.memory_space<vmem>>, vector<1x16xf32>,
        %get3A_750 = arith.index_cast %add3A_649 : i32 to index
        %get3A_751 = arith.constant 96 : index
        %get3A_752 = tpu.vector_load %arg10[%get3A_750, %get3A_751] {strides = array<i32>} : memref<200x128xf32, #tpu.memory_space<vmem>>, vector<1x16xf32>,
        %get3A_753 = vector.shape_cast %get3A_752 : vector<1x16xf32> to vector<16xf32>
        %mul3A_754 = arith.constant 11.3137083 : f32
        %mul3A_755 = vector.broadcast %mul3A_754 : f32 to vector<16xf32>
        %mul3A_756 = arith.mulf %get3A_753, %mul3A_755 : vector<16xf32>
        %get3A_757 = arith.index_cast %add3A_649 : i32 to index
        %get3A_758 = arith.constant 96 : index
        %get3A_759 = tpu.vector_load %arg6[%get3A_757, %get3A_758] {strides = array<i32>} : memref<200x128xf32, #tpu.memory_space<vmem>>, vector<1x16xf32>,
        %get3A_760 = vector.shape_cast %get3A_759 : vector<1x16xf32> to vector<16xf32>
        %add3A_761 = arith.addf %mul3A_756, %get3A_760 : vector<16xf32>
        %swap3A_762 = arith.index_cast %add3A_649 : i32 to index
        %swap3A_763 = arith.constant 96 : index
        %swap3A_764 = tpu.vector_load %arg10[%swap3A_762, %swap3A_763] {strides = array<i32>} : memref<200x128xf32, #tpu.memory_space<vmem>>, vector<1x16xf32>,
        %swap3A_765 = vector.shape_cast %swap3A_764 : vector<1x16xf32> to vector<16xf32>
        %swap3A_766 = vector.shape_cast %add3A_761 : vector<16xf32> to vector<1x16xf32>
        tpu.vector_store %arg10[%swap3A_762, %swap3A_763], %swap3A_766 {strides = array<i32>} : memref<200x128xf32, #tpu.memory_space<vmem>>, vector<1x16xf32>,
        %get3A_767 = arith.index_cast %add3A_649 : i32 to index
        %get3A_768 = arith.constant 112 : index
        %get3A_769 = tpu.vector_load %arg10[%get3A_767, %get3A_768] {strides = array<i32>} : memref<200x128xf32, #tpu.memory_space<vmem>>, vector<1x16xf32>,
        %get3A_770 = vector.shape_cast %get3A_769 : vector<1x16xf32> to vector<16xf32>
        %mul3A_771 = arith.constant 11.3137083 : f32
        %mul3A_772 = vector.broadcast %mul3A_771 : f32 to vector<16xf32>
        %mul3A_773 = arith.mulf %get3A_770, %mul3A_772 : vector<16xf32>
        %get3A_774 = arith.index_cast %add3A_649 : i32 to index
        %get3A_775 = arith.constant 112 : index
        %get3A_776 = tpu.vector_load %arg6[%get3A_774, %get3A_775] {strides = array<i32>} : memref<200x128xf32, #tpu.memory_space<vmem>>, vector<1x16xf32>,
        %get3A_777 = vector.shape_cast %get3A_776 : vector<1x16xf32> to vector<16xf32>
        %add3A_778 = arith.addf %mul3A_773, %get3A_777 : vector<16xf32>
        %swap3A_779 = arith.index_cast %add3A_649 : i32 to index
        %swap3A_780 = arith.constant 112 : index
        %swap3A_781 = tpu.vector_load %arg10[%swap3A_779, %swap3A_780] {strides = array<i32>} : memref<200x128xf32, #tpu.memory_space<vmem>>, vector<1x16xf32>,
        %swap3A_782 = vector.shape_cast %swap3A_781 : vector<1x16xf32> to vector<16xf32>
        %swap3A_783 = vector.shape_cast %add3A_778 : vector<16xf32> to vector<1x16xf32>
        tpu.vector_store %arg10[%swap3A_779, %swap3A_780], %swap3A_783 {strides = array<i32>} : memref<200x128xf32, #tpu.memory_space<vmem>>, vector<1x16xf32>,
        %mul3A_784 = arith.constant 2 : i32
        %mul3A_785 = arith.muli %scan3A_645, %mul3A_784 : i32
        %add3A_786 = arith.constant 1 : i32
        %add3A_787 = arith.addi %mul3A_785, %add3A_786 : i32
        %get3A_788 = arith.index_cast %add3A_787 : i32 to index
        %get3A_789 = arith.constant 0 : index
        %get3A_790 = tpu.vector_load %arg10[%get3A_788, %get3A_789] {strides = array<i32>} : memref<200x128xf32, #tpu.memory_space<vmem>>, vector<1x16xf32>,
        %get3A_791 = vector.shape_cast %get3A_790 : vector<1x16xf32> to vector<16xf32>
        %mul3A_792 = arith.constant 11.3137083 : f32
        %mul3A_793 = vector.broadcast %mul3A_792 : f32 to vector<16xf32>
        %mul3A_794 = arith.mulf %get3A_791, %mul3A_793 : vector<16xf32>
        %get3A_795 = arith.index_cast %add3A_787 : i32 to index
        %get3A_796 = arith.constant 0 : index
        %get3A_797 = tpu.vector_load %arg6[%get3A_795, %get3A_796] {strides = array<i32>} : memref<200x128xf32, #tpu.memory_space<vmem>>, vector<1x16xf32>,
        %get3A_798 = vector.shape_cast %get3A_797 : vector<1x16xf32> to vector<16xf32>
        %add3A_799 = arith.addf %mul3A_794, %get3A_798 : vector<16xf32>
        %swap3A_800 = arith.index_cast %add3A_787 : i32 to index
        %swap3A_801 = arith.constant 0 : index
        %swap3A_802 = tpu.vector_load %arg10[%swap3A_800, %swap3A_801] {strides = array<i32>} : memref<200x128xf32, #tpu.memory_space<vmem>>, vector<1x16xf32>,
        %swap3A_803 = vector.shape_cast %swap3A_802 : vector<1x16xf32> to vector<16xf32>
        %swap3A_804 = vector.shape_cast %add3A_799 : vector<16xf32> to vector<1x16xf32>
        tpu.vector_store %arg10[%swap3A_800, %swap3A_801], %swap3A_804 {strides = array<i32>} : memref<200x128xf32, #tpu.memory_space<vmem>>, vector<1x16xf32>,
        %get3A_805 = arith.index_cast %add3A_787 : i32 to index
        %get3A_806 = arith.constant 16 : index
        %get3A_807 = tpu.vector_load %arg10[%get3A_805, %get3A_806] {strides = array<i32>} : memref<200x128xf32, #tpu.memory_space<vmem>>, vector<1x16xf32>,
        %get3A_808 = vector.shape_cast %get3A_807 : vector<1x16xf32> to vector<16xf32>
        %mul3A_809 = arith.constant 11.3137083 : f32
        %mul3A_810 = vector.broadcast %mul3A_809 : f32 to vector<16xf32>
        %mul3A_811 = arith.mulf %get3A_808, %mul3A_810 : vector<16xf32>
        %get3A_812 = arith.index_cast %add3A_787 : i32 to index
        %get3A_813 = arith.constant 16 : index
        %get3A_814 = tpu.vector_load %arg6[%get3A_812, %get3A_813] {strides = array<i32>} : memref<200x128xf32, #tpu.memory_space<vmem>>, vector<1x16xf32>,
        %get3A_815 = vector.shape_cast %get3A_814 : vector<1x16xf32> to vector<16xf32>
        %add3A_816 = arith.addf %mul3A_811, %get3A_815 : vector<16xf32>
        %swap3A_817 = arith.index_cast %add3A_787 : i32 to index
        %swap3A_818 = arith.constant 16 : index
        %swap3A_819 = tpu.vector_load %arg10[%swap3A_817, %swap3A_818] {strides = array<i32>} : memref<200x128xf32, #tpu.memory_space<vmem>>, vector<1x16xf32>,
        %swap3A_820 = vector.shape_cast %swap3A_819 : vector<1x16xf32> to vector<16xf32>
        %swap3A_821 = vector.shape_cast %add3A_816 : vector<16xf32> to vector<1x16xf32>
        tpu.vector_store %arg10[%swap3A_817, %swap3A_818], %swap3A_821 {strides = array<i32>} : memref<200x128xf32, #tpu.memory_space<vmem>>, vector<1x16xf32>,
        %get3A_822 = arith.index_cast %add3A_787 : i32 to index
        %get3A_823 = arith.constant 32 : index
        %get3A_824 = tpu.vector_load %arg10[%get3A_822, %get3A_823] {strides = array<i32>} : memref<200x128xf32, #tpu.memory_space<vmem>>, vector<1x16xf32>,
        %get3A_825 = vector.shape_cast %get3A_824 : vector<1x16xf32> to vector<16xf32>
        %mul3A_826 = arith.constant 11.3137083 : f32
        %mul3A_827 = vector.broadcast %mul3A_826 : f32 to vector<16xf32>
        %mul3A_828 = arith.mulf %get3A_825, %mul3A_827 : vector<16xf32>
        %get3A_829 = arith.index_cast %add3A_787 : i32 to index
        %get3A_830 = arith.constant 32 : index
        %get3A_831 = tpu.vector_load %arg6[%get3A_829, %get3A_830] {strides = array<i32>} : memref<200x128xf32, #tpu.memory_space<vmem>>, vector<1x16xf32>,
        %get3A_832 = vector.shape_cast %get3A_831 : vector<1x16xf32> to vector<16xf32>
        %add3A_833 = arith.addf %mul3A_828, %get3A_832 : vector<16xf32>
        %swap3A_834 = arith.index_cast %add3A_787 : i32 to index
        %swap3A_835 = arith.constant 32 : index
        %swap3A_836 = tpu.vector_load %arg10[%swap3A_834, %swap3A_835] {strides = array<i32>} : memref<200x128xf32, #tpu.memory_space<vmem>>, vector<1x16xf32>,
        %swap3A_837 = vector.shape_cast %swap3A_836 : vector<1x16xf32> to vector<16xf32>
        %swap3A_838 = vector.shape_cast %add3A_833 : vector<16xf32> to vector<1x16xf32>
        tpu.vector_store %arg10[%swap3A_834, %swap3A_835], %swap3A_838 {strides = array<i32>} : memref<200x128xf32, #tpu.memory_space<vmem>>, vector<1x16xf32>,
        %get3A_839 = arith.index_cast %add3A_787 : i32 to index
        %get3A_840 = arith.constant 48 : index
        %get3A_841 = tpu.vector_load %arg10[%get3A_839, %get3A_840] {strides = array<i32>} : memref<200x128xf32, #tpu.memory_space<vmem>>, vector<1x16xf32>,
        %get3A_842 = vector.shape_cast %get3A_841 : vector<1x16xf32> to vector<16xf32>
        %mul3A_843 = arith.constant 11.3137083 : f32
        %mul3A_844 = vector.broadcast %mul3A_843 : f32 to vector<16xf32>
        %mul3A_845 = arith.mulf %get3A_842, %mul3A_844 : vector<16xf32>
        %get3A_846 = arith.index_cast %add3A_787 : i32 to index
        %get3A_847 = arith.constant 48 : index
        %get3A_848 = tpu.vector_load %arg6[%get3A_846, %get3A_847] {strides = array<i32>} : memref<200x128xf32, #tpu.memory_space<vmem>>, vector<1x16xf32>,
        %get3A_849 = vector.shape_cast %get3A_848 : vector<1x16xf32> to vector<16xf32>
        %add3A_850 = arith.addf %mul3A_845, %get3A_849 : vector<16xf32>
        %swap3A_851 = arith.index_cast %add3A_787 : i32 to index
        %swap3A_852 = arith.constant 48 : index
        %swap3A_853 = tpu.vector_load %arg10[%swap3A_851, %swap3A_852] {strides = array<i32>} : memref<200x128xf32, #tpu.memory_space<vmem>>, vector<1x16xf32>,
        %swap3A_854 = vector.shape_cast %swap3A_853 : vector<1x16xf32> to vector<16xf32>
        %swap3A_855 = vector.shape_cast %add3A_850 : vector<16xf32> to vector<1x16xf32>
        tpu.vector_store %arg10[%swap3A_851, %swap3A_852], %swap3A_855 {strides = array<i32>} : memref<200x128xf32, #tpu.memory_space<vmem>>, vector<1x16xf32>,
        %get3A_856 = arith.index_cast %add3A_787 : i32 to index
        %get3A_857 = arith.constant 64 : index
        %get3A_858 = tpu.vector_load %arg10[%get3A_856, %get3A_857] {strides = array<i32>} : memref<200x128xf32, #tpu.memory_space<vmem>>, vector<1x16xf32>,
        %get3A_859 = vector.shape_cast %get3A_858 : vector<1x16xf32> to vector<16xf32>
        %mul3A_860 = arith.constant 11.3137083 : f32
        %mul3A_861 = vector.broadcast %mul3A_860 : f32 to vector<16xf32>
        %mul3A_862 = arith.mulf %get3A_859, %mul3A_861 : vector<16xf32>
        %get3A_863 = arith.index_cast %add3A_787 : i32 to index
        %get3A_864 = arith.constant 64 : index
        %get3A_865 = tpu.vector_load %arg6[%get3A_863, %get3A_864] {strides = array<i32>} : memref<200x128xf32, #tpu.memory_space<vmem>>, vector<1x16xf32>,
        %get3A_866 = vector.shape_cast %get3A_865 : vector<1x16xf32> to vector<16xf32>
        %add3A_867 = arith.addf %mul3A_862, %get3A_866 : vector<16xf32>
        %swap3A_868 = arith.index_cast %add3A_787 : i32 to index
        %swap3A_869 = arith.constant 64 : index
        %swap3A_870 = tpu.vector_load %arg10[%swap3A_868, %swap3A_869] {strides = array<i32>} : memref<200x128xf32, #tpu.memory_space<vmem>>, vector<1x16xf32>,
        %swap3A_871 = vector.shape_cast %swap3A_870 : vector<1x16xf32> to vector<16xf32>
        %swap3A_872 = vector.shape_cast %add3A_867 : vector<16xf32> to vector<1x16xf32>
        tpu.vector_store %arg10[%swap3A_868, %swap3A_869], %swap3A_872 {strides = array<i32>} : memref<200x128xf32, #tpu.memory_space<vmem>>, vector<1x16xf32>,
        %get3A_873 = arith.index_cast %add3A_787 : i32 to index
        %get3A_874 = arith.constant 80 : index
        %get3A_875 = tpu.vector_load %arg10[%get3A_873, %get3A_874] {strides = array<i32>} : memref<200x128xf32, #tpu.memory_space<vmem>>, vector<1x16xf32>,
        %get3A_876 = vector.shape_cast %get3A_875 : vector<1x16xf32> to vector<16xf32>
        %mul3A_877 = arith.constant 11.3137083 : f32
        %mul3A_878 = vector.broadcast %mul3A_877 : f32 to vector<16xf32>
        %mul3A_879 = arith.mulf %get3A_876, %mul3A_878 : vector<16xf32>
        %get3A_880 = arith.index_cast %add3A_787 : i32 to index
        %get3A_881 = arith.constant 80 : index
        %get3A_882 = tpu.vector_load %arg6[%get3A_880, %get3A_881] {strides = array<i32>} : memref<200x128xf32, #tpu.memory_space<vmem>>, vector<1x16xf32>,
        %get3A_883 = vector.shape_cast %get3A_882 : vector<1x16xf32> to vector<16xf32>
        %add3A_884 = arith.addf %mul3A_879, %get3A_883 : vector<16xf32>
        %swap3A_885 = arith.index_cast %add3A_787 : i32 to index
        %swap3A_886 = arith.constant 80 : index
        %swap3A_887 = tpu.vector_load %arg10[%swap3A_885, %swap3A_886] {strides = array<i32>} : memref<200x128xf32, #tpu.memory_space<vmem>>, vector<1x16xf32>,
        %swap3A_888 = vector.shape_cast %swap3A_887 : vector<1x16xf32> to vector<16xf32>
        %swap3A_889 = vector.shape_cast %add3A_884 : vector<16xf32> to vector<1x16xf32>
        tpu.vector_store %arg10[%swap3A_885, %swap3A_886], %swap3A_889 {strides = array<i32>} : memref<200x128xf32, #tpu.memory_space<vmem>>, vector<1x16xf32>,
        %get3A_890 = arith.index_cast %add3A_787 : i32 to index
        %get3A_891 = arith.constant 96 : index
        %get3A_892 = tpu.vector_load %arg10[%get3A_890, %get3A_891] {strides = array<i32>} : memref<200x128xf32, #tpu.memory_space<vmem>>, vector<1x16xf32>,
        %get3A_893 = vector.shape_cast %get3A_892 : vector<1x16xf32> to vector<16xf32>
        %mul3A_894 = arith.constant 11.3137083 : f32
        %mul3A_895 = vector.broadcast %mul3A_894 : f32 to vector<16xf32>
        %mul3A_896 = arith.mulf %get3A_893, %mul3A_895 : vector<16xf32>
        %get3A_897 = arith.index_cast %add3A_787 : i32 to index
        %get3A_898 = arith.constant 96 : index
        %get3A_899 = tpu.vector_load %arg6[%get3A_897, %get3A_898] {strides = array<i32>} : memref<200x128xf32, #tpu.memory_space<vmem>>, vector<1x16xf32>,
        %get3A_900 = vector.shape_cast %get3A_899 : vector<1x16xf32> to vector<16xf32>
        %add3A_901 = arith.addf %mul3A_896, %get3A_900 : vector<16xf32>
        %swap3A_902 = arith.index_cast %add3A_787 : i32 to index
        %swap3A_903 = arith.constant 96 : index
        %swap3A_904 = tpu.vector_load %arg10[%swap3A_902, %swap3A_903] {strides = array<i32>} : memref<200x128xf32, #tpu.memory_space<vmem>>, vector<1x16xf32>,
        %swap3A_905 = vector.shape_cast %swap3A_904 : vector<1x16xf32> to vector<16xf32>
        %swap3A_906 = vector.shape_cast %add3A_901 : vector<16xf32> to vector<1x16xf32>
        tpu.vector_store %arg10[%swap3A_902, %swap3A_903], %swap3A_906 {strides = array<i32>} : memref<200x128xf32, #tpu.memory_space<vmem>>, vector<1x16xf32>,
        %get3A_907 = arith.index_cast %add3A_787 : i32 to index
        %get3A_908 = arith.constant 112 : index
        %get3A_909 = tpu.vector_load %arg10[%get3A_907, %get3A_908] {strides = array<i32>} : memref<200x128xf32, #tpu.memory_space<vmem>>, vector<1x16xf32>,
        %get3A_910 = vector.shape_cast %get3A_909 : vector<1x16xf32> to vector<16xf32>
        %mul3A_911 = arith.constant 11.3137083 : f32
        %mul3A_912 = vector.broadcast %mul3A_911 : f32 to vector<16xf32>
        %mul3A_913 = arith.mulf %get3A_910, %mul3A_912 : vector<16xf32>
        %get3A_914 = arith.index_cast %add3A_787 : i32 to index
        %get3A_915 = arith.constant 112 : index
        %get3A_916 = tpu.vector_load %arg6[%get3A_914, %get3A_915] {strides = array<i32>} : memref<200x128xf32, #tpu.memory_space<vmem>>, vector<1x16xf32>,
        %get3A_917 = vector.shape_cast %get3A_916 : vector<1x16xf32> to vector<16xf32>
        %add3A_918 = arith.addf %mul3A_913, %get3A_917 : vector<16xf32>
        %swap3A_919 = arith.index_cast %add3A_787 : i32 to index
        %swap3A_920 = arith.constant 112 : index
        %swap3A_921 = tpu.vector_load %arg10[%swap3A_919, %swap3A_920] {strides = array<i32>} : memref<200x128xf32, #tpu.memory_space<vmem>>, vector<1x16xf32>,
        %swap3A_922 = vector.shape_cast %swap3A_921 : vector<1x16xf32> to vector<16xf32>
        %swap3A_923 = vector.shape_cast %add3A_918 : vector<16xf32> to vector<1x16xf32>
        tpu.vector_store %arg10[%swap3A_919, %swap3A_920], %swap3A_923 {strides = array<i32>} : memref<200x128xf32, #tpu.memory_space<vmem>>, vector<1x16xf32>,
      }
      %scan3A_636 = arith.constant 100 : i32
      %mul3A_637 = arith.constant 200 : i32
      %mul3A_638 = arith.muli %add3A_523, %mul3A_637 : i32
      %add3A_639 = arith.addi %mul3A_2, %mul3A_638 : i32
      %multiple_of3A_640 = tpu.assume_multiple %add3A_639, 8 : i32
      %dma_start3A_641 = arith.constant 0 : i32
      %dma_start3A_642 = tpu.memref_slice %arg5[%multiple_of3A_640, %dma_start3A_641] : memref<204800x128xf32, #tpu.memory_space<hbm>> -> memref<200x128xf32, #tpu.memory_space<hbm>>
      %dma_start3A_643 = arith.constant 0 : i32
      %dma_start3A_644 = tpu.memref_slice %arg5[%multiple_of3A_640, %dma_start3A_643] : memref<204800x128xf32, #tpu.memory_space<hbm>> -> memref<200x128xf32, #tpu.memory_space<hbm>>
      tpu.enqueue_dma source(%arg10 : memref<200x128xf32, #tpu.memory_space<vmem>>) target(%dma_start3A_644 : memref<200x128xf32, #tpu.memory_space<hbm>>) target_semaphore(%arg16 : memref<!tpu.dma_semaphore, #tpu.memory_space<semaphore_mem>>)
    }
    %scan3A_52 = arith.constant 10 : i32
    %add3A_53 = arith.constant 5600 : i32
    %add3A_54 = arith.addi %mul3A_2, %add3A_53 : i32
    %multiple_of3A_55 = tpu.assume_multiple %add3A_54, 8 : i32
    %dma_wait3A = arith.constant 0 : i32
    %dma_wait3A_56 = tpu.memref_slice %arg5[%multiple_of3A_55, %dma_wait3A] : memref<204800x128xf32, #tpu.memory_space<hbm>> -> memref<200x128xf32, #tpu.memory_space<hbm>>
    %dma_wait3A_57 = arith.constant 0 : i32
    %dma_wait3A_58 = tpu.memref_slice %arg5[%multiple_of3A_55, %dma_wait3A_57] : memref<204800x128xf32, #tpu.memory_space<hbm>> -> memref<200x128xf32, #tpu.memory_space<hbm>>
    tpu.wait_dma2 semaphore(%arg15 : memref<!tpu.dma_semaphore, #tpu.memory_space<semaphore_mem>>) src(%arg9 : memref<200x128xf32, #tpu.memory_space<vmem>>) dst(%dma_wait3A_58 : memref<200x128xf32, #tpu.memory_space<hbm>>)
    %multiple_of3A_59 = arith.constant 6200 : i32
    %multiple_of3A_60 = tpu.assume_multiple %multiple_of3A_59, 8 : i32
    %add3A_61 = arith.constant 0 : i32
    %add3A_62 = arith.addi %multiple_of3A_60, %add3A_61 : i32
    %add3A_63 = arith.constant 40 : i32
    %add3A_64 = arith.addi %multiple_of3A_60, %add3A_63 : i32
    %add3A_65 = arith.constant 80 : i32
    %add3A_66 = arith.addi %multiple_of3A_60, %add3A_65 : i32
    %add3A_67 = arith.constant 120 : i32
    %add3A_68 = arith.addi %multiple_of3A_60, %add3A_67 : i32
    %add3A_69 = arith.constant 160 : i32
    %add3A_70 = arith.addi %multiple_of3A_60, %add3A_69 : i32
    %dma_start3A_71 = arith.constant 0 : i32
    %dma_start3A_72 = arith.constant 0 : i32
    %dma_start3A_73 = tpu.memref_slice %arg9[%dma_start3A_71, %dma_start3A_72] : memref<200x128xf32, #tpu.memory_space<vmem>> -> memref<40x128xf32, #tpu.memory_space<vmem>>
    %dma_start3A_74 = tpu.memref_slice %arg7[%add3A_62] : memref<6400xi32, #tpu.memory_space<vmem>> -> memref<40xi32, #tpu.memory_space<vmem>>
    %dma_start3A_75 = arith.constant 0 : i32
    %dma_start3A_76 = arith.constant 0 : i32
    %dma_start3A_77 = tpu.memref_slice %arg3[%dma_start3A_75, %dma_start3A_76] : memref<100000x128xf32, #tpu.memory_space<hbm>> -> memref<100000x128xf32, #tpu.memory_space<hbm>>
    tpu.enqueue_indirect_dma source(%dma_start3A_77 : memref<100000x128xf32, #tpu.memory_space<hbm>>) target(%dma_start3A_73 : memref<40x128xf32, #tpu.memory_space<vmem>>) offsets(%dma_start3A_74 : memref<40xi32, #tpu.memory_space<vmem>>) semaphore(%arg12 : memref<!tpu.dma_semaphore, #tpu.memory_space<semaphore_mem>>)
    %dma_start3A_78 = arith.constant 40 : i32
    %dma_start3A_79 = arith.constant 0 : i32
    %dma_start3A_80 = tpu.memref_slice %arg9[%dma_start3A_78, %dma_start3A_79] : memref<200x128xf32, #tpu.memory_space<vmem>> -> memref<40x128xf32, #tpu.memory_space<vmem>>
    %dma_start3A_81 = tpu.memref_slice %arg7[%add3A_64] : memref<6400xi32, #tpu.memory_space<vmem>> -> memref<40xi32, #tpu.memory_space<vmem>>
    %dma_start3A_82 = arith.constant 0 : i32
    %dma_start3A_83 = arith.constant 0 : i32
    %dma_start3A_84 = tpu.memref_slice %arg3[%dma_start3A_82, %dma_start3A_83] : memref<100000x128xf32, #tpu.memory_space<hbm>> -> memref<100000x128xf32, #tpu.memory_space<hbm>>
    tpu.enqueue_indirect_dma source(%dma_start3A_84 : memref<100000x128xf32, #tpu.memory_space<hbm>>) target(%dma_start3A_80 : memref<40x128xf32, #tpu.memory_space<vmem>>) offsets(%dma_start3A_81 : memref<40xi32, #tpu.memory_space<vmem>>) semaphore(%arg12 : memref<!tpu.dma_semaphore, #tpu.memory_space<semaphore_mem>>)
    %dma_start3A_85 = arith.constant 80 : i32
    %dma_start3A_86 = arith.constant 0 : i32
    %dma_start3A_87 = tpu.memref_slice %arg9[%dma_start3A_85, %dma_start3A_86] : memref<200x128xf32, #tpu.memory_space<vmem>> -> memref<40x128xf32, #tpu.memory_space<vmem>>
    %dma_start3A_88 = tpu.memref_slice %arg7[%add3A_66] : memref<6400xi32, #tpu.memory_space<vmem>> -> memref<40xi32, #tpu.memory_space<vmem>>
    %dma_start3A_89 = arith.constant 0 : i32
    %dma_start3A_90 = arith.constant 0 : i32
    %dma_start3A_91 = tpu.memref_slice %arg3[%dma_start3A_89, %dma_start3A_90] : memref<100000x128xf32, #tpu.memory_space<hbm>> -> memref<100000x128xf32, #tpu.memory_space<hbm>>
    tpu.enqueue_indirect_dma source(%dma_start3A_91 : memref<100000x128xf32, #tpu.memory_space<hbm>>) target(%dma_start3A_87 : memref<40x128xf32, #tpu.memory_space<vmem>>) offsets(%dma_start3A_88 : memref<40xi32, #tpu.memory_space<vmem>>) semaphore(%arg12 : memref<!tpu.dma_semaphore, #tpu.memory_space<semaphore_mem>>)
    %dma_start3A_92 = arith.constant 120 : i32
    %dma_start3A_93 = arith.constant 0 : i32
    %dma_start3A_94 = tpu.memref_slice %arg9[%dma_start3A_92, %dma_start3A_93] : memref<200x128xf32, #tpu.memory_space<vmem>> -> memref<40x128xf32, #tpu.memory_space<vmem>>
    %dma_start3A_95 = tpu.memref_slice %arg7[%add3A_68] : memref<6400xi32, #tpu.memory_space<vmem>> -> memref<40xi32, #tpu.memory_space<vmem>>
    %dma_start3A_96 = arith.constant 0 : i32
    %dma_start3A_97 = arith.constant 0 : i32
    %dma_start3A_98 = tpu.memref_slice %arg3[%dma_start3A_96, %dma_start3A_97] : memref<100000x128xf32, #tpu.memory_space<hbm>> -> memref<100000x128xf32, #tpu.memory_space<hbm>>
    tpu.enqueue_indirect_dma source(%dma_start3A_98 : memref<100000x128xf32, #tpu.memory_space<hbm>>) target(%dma_start3A_94 : memref<40x128xf32, #tpu.memory_space<vmem>>) offsets(%dma_start3A_95 : memref<40xi32, #tpu.memory_space<vmem>>) semaphore(%arg12 : memref<!tpu.dma_semaphore, #tpu.memory_space<semaphore_mem>>)
    %dma_start3A_99 = arith.constant 160 : i32
    %dma_start3A_100 = arith.constant 0 : i32
    %dma_start3A_101 = tpu.memref_slice %arg9[%dma_start3A_99, %dma_start3A_100] : memref<200x128xf32, #tpu.memory_space<vmem>> -> memref<40x128xf32, #tpu.memory_space<vmem>>
    %dma_start3A_102 = tpu.memref_slice %arg7[%add3A_70] : memref<6400xi32, #tpu.memory_space<vmem>> -> memref<40xi32, #tpu.memory_space<vmem>>
    %dma_start3A_103 = arith.constant 0 : i32
    %dma_start3A_104 = arith.constant 0 : i32
    %dma_start3A_105 = tpu.memref_slice %arg3[%dma_start3A_103, %dma_start3A_104] : memref<100000x128xf32, #tpu.memory_space<hbm>> -> memref<100000x128xf32, #tpu.memory_space<hbm>>
    tpu.enqueue_indirect_dma source(%dma_start3A_105 : memref<100000x128xf32, #tpu.memory_space<hbm>>) target(%dma_start3A_101 : memref<40x128xf32, #tpu.memory_space<vmem>>) offsets(%dma_start3A_102 : memref<40xi32, #tpu.memory_space<vmem>>) semaphore(%arg12 : memref<!tpu.dma_semaphore, #tpu.memory_space<semaphore_mem>>)
    %multiple_of3A_106 = arith.constant 6000 : i32
    %multiple_of3A_107 = tpu.assume_multiple %multiple_of3A_106, 8 : i32
    %add3A_108 = arith.constant 0 : i32
    %add3A_109 = arith.addi %multiple_of3A_107, %add3A_108 : i32
    %add3A_110 = arith.constant 40 : i32
    %add3A_111 = arith.addi %multiple_of3A_107, %add3A_110 : i32
    %add3A_112 = arith.constant 80 : i32
    %add3A_113 = arith.addi %multiple_of3A_107, %add3A_112 : i32
    %add3A_114 = arith.constant 120 : i32
    %add3A_115 = arith.addi %multiple_of3A_107, %add3A_114 : i32
    %add3A_116 = arith.constant 160 : i32
    %add3A_117 = arith.addi %multiple_of3A_107, %add3A_116 : i32
    %dma_wait3A_118 = arith.constant 0 : i32
    %dma_wait3A_119 = arith.constant 0 : i32
    %dma_wait3A_120 = tpu.memref_slice %arg8[%dma_wait3A_118, %dma_wait3A_119] : memref<200x128xf32, #tpu.memory_space<vmem>> -> memref<40x128xf32, #tpu.memory_space<vmem>>
    %dma_wait3A_121 = tpu.memref_slice %arg7[%add3A_109] : memref<6400xi32, #tpu.memory_space<vmem>> -> memref<40xi32, #tpu.memory_space<vmem>>
    %dma_wait3A_122 = arith.constant 0 : i32
    %dma_wait3A_123 = arith.constant 0 : i32
    %dma_wait3A_124 = tpu.memref_slice %arg3[%dma_wait3A_122, %dma_wait3A_123] : memref<100000x128xf32, #tpu.memory_space<hbm>> -> memref<100000x128xf32, #tpu.memory_space<hbm>>
    tpu.wait_indirect_dma semaphore(%arg11 : memref<!tpu.dma_semaphore, #tpu.memory_space<semaphore_mem>>) src(%dma_wait3A_124 : memref<100000x128xf32, #tpu.memory_space<hbm>>) dst(%dma_wait3A_120 : memref<40x128xf32, #tpu.memory_space<vmem>>)
    %dma_wait3A_125 = arith.constant 40 : i32
    %dma_wait3A_126 = arith.constant 0 : i32
    %dma_wait3A_127 = tpu.memref_slice %arg8[%dma_wait3A_125, %dma_wait3A_126] : memref<200x128xf32, #tpu.memory_space<vmem>> -> memref<40x128xf32, #tpu.memory_space<vmem>>
    %dma_wait3A_128 = tpu.memref_slice %arg7[%add3A_111] : memref<6400xi32, #tpu.memory_space<vmem>> -> memref<40xi32, #tpu.memory_space<vmem>>
    %dma_wait3A_129 = arith.constant 0 : i32
    %dma_wait3A_130 = arith.constant 0 : i32
    %dma_wait3A_131 = tpu.memref_slice %arg3[%dma_wait3A_129, %dma_wait3A_130] : memref<100000x128xf32, #tpu.memory_space<hbm>> -> memref<100000x128xf32, #tpu.memory_space<hbm>>
    tpu.wait_indirect_dma semaphore(%arg11 : memref<!tpu.dma_semaphore, #tpu.memory_space<semaphore_mem>>) src(%dma_wait3A_131 : memref<100000x128xf32, #tpu.memory_space<hbm>>) dst(%dma_wait3A_127 : memref<40x128xf32, #tpu.memory_space<vmem>>)
    %dma_wait3A_132 = arith.constant 80 : i32
    %dma_wait3A_133 = arith.constant 0 : i32
    %dma_wait3A_134 = tpu.memref_slice %arg8[%dma_wait3A_132, %dma_wait3A_133] : memref<200x128xf32, #tpu.memory_space<vmem>> -> memref<40x128xf32, #tpu.memory_space<vmem>>
    %dma_wait3A_135 = tpu.memref_slice %arg7[%add3A_113] : memref<6400xi32, #tpu.memory_space<vmem>> -> memref<40xi32, #tpu.memory_space<vmem>>
    %dma_wait3A_136 = arith.constant 0 : i32
    %dma_wait3A_137 = arith.constant 0 : i32
    %dma_wait3A_138 = tpu.memref_slice %arg3[%dma_wait3A_136, %dma_wait3A_137] : memref<100000x128xf32, #tpu.memory_space<hbm>> -> memref<100000x128xf32, #tpu.memory_space<hbm>>
    tpu.wait_indirect_dma semaphore(%arg11 : memref<!tpu.dma_semaphore, #tpu.memory_space<semaphore_mem>>) src(%dma_wait3A_138 : memref<100000x128xf32, #tpu.memory_space<hbm>>) dst(%dma_wait3A_134 : memref<40x128xf32, #tpu.memory_space<vmem>>)
    %dma_wait3A_139 = arith.constant 120 : i32
    %dma_wait3A_140 = arith.constant 0 : i32
    %dma_wait3A_141 = tpu.memref_slice %arg8[%dma_wait3A_139, %dma_wait3A_140] : memref<200x128xf32, #tpu.memory_space<vmem>> -> memref<40x128xf32, #tpu.memory_space<vmem>>
    %dma_wait3A_142 = tpu.memref_slice %arg7[%add3A_115] : memref<6400xi32, #tpu.memory_space<vmem>> -> memref<40xi32, #tpu.memory_space<vmem>>
    %dma_wait3A_143 = arith.constant 0 : i32
    %dma_wait3A_144 = arith.constant 0 : i32
    %dma_wait3A_145 = tpu.memref_slice %arg3[%dma_wait3A_143, %dma_wait3A_144] : memref<100000x128xf32, #tpu.memory_space<hbm>> -> memref<100000x128xf32, #tpu.memory_space<hbm>>
    tpu.wait_indirect_dma semaphore(%arg11 : memref<!tpu.dma_semaphore, #tpu.memory_space<semaphore_mem>>) src(%dma_wait3A_145 : memref<100000x128xf32, #tpu.memory_space<hbm>>) dst(%dma_wait3A_141 : memref<40x128xf32, #tpu.memory_space<vmem>>)
    %dma_wait3A_146 = arith.constant 160 : i32
    %dma_wait3A_147 = arith.constant 0 : i32
    %dma_wait3A_148 = tpu.memref_slice %arg8[%dma_wait3A_146, %dma_wait3A_147] : memref<200x128xf32, #tpu.memory_space<vmem>> -> memref<40x128xf32, #tpu.memory_space<vmem>>
    %dma_wait3A_149 = tpu.memref_slice %arg7[%add3A_117] : memref<6400xi32, #tpu.memory_space<vmem>> -> memref<40xi32, #tpu.memory_space<vmem>>
    %dma_wait3A_150 = arith.constant 0 : i32
    %dma_wait3A_151 = arith.constant 0 : i32
    %dma_wait3A_152 = tpu.memref_slice %arg3[%dma_wait3A_150, %dma_wait3A_151] : memref<100000x128xf32, #tpu.memory_space<hbm>> -> memref<100000x128xf32, #tpu.memory_space<hbm>>
    tpu.wait_indirect_dma semaphore(%arg11 : memref<!tpu.dma_semaphore, #tpu.memory_space<semaphore_mem>>) src(%dma_wait3A_152 : memref<100000x128xf32, #tpu.memory_space<hbm>>) dst(%dma_wait3A_148 : memref<40x128xf32, #tpu.memory_space<vmem>>)
    %scan3A_153 = arith.constant 0 : i32
    %scan3A_154 = arith.constant 0 : i32
    %scan3A_155 = arith.constant 100 : i32
    %scan3A_156 = arith.addi %scan3A_154, %scan3A_155 : i32
    %scan3A_157 = arith.constant 1 : i32
    scf.for %scan3A_284 = %scan3A_154 to %scan3A_156 step %scan3A_157  : i32 {
      %mul3A_285 = arith.constant 2 : i32
      %mul3A_286 = arith.muli %scan3A_284, %mul3A_285 : i32
      %add3A_287 = arith.constant 0 : i32
      %add3A_288 = arith.addi %mul3A_286, %add3A_287 : i32
      %get3A = arith.index_cast %add3A_288 : i32 to index
      %get3A_289 = arith.constant 0 : index
      %get3A_290 = tpu.vector_load %arg8[%get3A, %get3A_289] {strides = array<i32>} : memref<200x128xf32, #tpu.memory_space<vmem>>, vector<1x16xf32>,
      %get3A_291 = vector.shape_cast %get3A_290 : vector<1x16xf32> to vector<16xf32>
      %mul3A_292 = arith.constant 11.3137083 : f32
      %mul3A_293 = vector.broadcast %mul3A_292 : f32 to vector<16xf32>
      %mul3A_294 = arith.mulf %get3A_291, %mul3A_293 : vector<16xf32>
      %get3A_295 = arith.index_cast %add3A_288 : i32 to index
      %get3A_296 = arith.constant 0 : index
      %get3A_297 = tpu.vector_load %arg6[%get3A_295, %get3A_296] {strides = array<i32>} : memref<200x128xf32, #tpu.memory_space<vmem>>, vector<1x16xf32>,
      %get3A_298 = vector.shape_cast %get3A_297 : vector<1x16xf32> to vector<16xf32>
      %add3A_299 = arith.addf %mul3A_294, %get3A_298 : vector<16xf32>
      %swap3A = arith.index_cast %add3A_288 : i32 to index
      %swap3A_300 = arith.constant 0 : index
      %swap3A_301 = tpu.vector_load %arg8[%swap3A, %swap3A_300] {strides = array<i32>} : memref<200x128xf32, #tpu.memory_space<vmem>>, vector<1x16xf32>,
      %swap3A_302 = vector.shape_cast %swap3A_301 : vector<1x16xf32> to vector<16xf32>
      %swap3A_303 = vector.shape_cast %add3A_299 : vector<16xf32> to vector<1x16xf32>
      tpu.vector_store %arg8[%swap3A, %swap3A_300], %swap3A_303 {strides = array<i32>} : memref<200x128xf32, #tpu.memory_space<vmem>>, vector<1x16xf32>,
      %get3A_304 = arith.index_cast %add3A_288 : i32 to index
      %get3A_305 = arith.constant 16 : index
      %get3A_306 = tpu.vector_load %arg8[%get3A_304, %get3A_305] {strides = array<i32>} : memref<200x128xf32, #tpu.memory_space<vmem>>, vector<1x16xf32>,
      %get3A_307 = vector.shape_cast %get3A_306 : vector<1x16xf32> to vector<16xf32>
      %mul3A_308 = arith.constant 11.3137083 : f32
      %mul3A_309 = vector.broadcast %mul3A_308 : f32 to vector<16xf32>
      %mul3A_310 = arith.mulf %get3A_307, %mul3A_309 : vector<16xf32>
      %get3A_311 = arith.index_cast %add3A_288 : i32 to index
      %get3A_312 = arith.constant 16 : index
      %get3A_313 = tpu.vector_load %arg6[%get3A_311, %get3A_312] {strides = array<i32>} : memref<200x128xf32, #tpu.memory_space<vmem>>, vector<1x16xf32>,
      %get3A_314 = vector.shape_cast %get3A_313 : vector<1x16xf32> to vector<16xf32>
      %add3A_315 = arith.addf %mul3A_310, %get3A_314 : vector<16xf32>
      %swap3A_316 = arith.index_cast %add3A_288 : i32 to index
      %swap3A_317 = arith.constant 16 : index
      %swap3A_318 = tpu.vector_load %arg8[%swap3A_316, %swap3A_317] {strides = array<i32>} : memref<200x128xf32, #tpu.memory_space<vmem>>, vector<1x16xf32>,
      %swap3A_319 = vector.shape_cast %swap3A_318 : vector<1x16xf32> to vector<16xf32>
      %swap3A_320 = vector.shape_cast %add3A_315 : vector<16xf32> to vector<1x16xf32>
      tpu.vector_store %arg8[%swap3A_316, %swap3A_317], %swap3A_320 {strides = array<i32>} : memref<200x128xf32, #tpu.memory_space<vmem>>, vector<1x16xf32>,
      %get3A_321 = arith.index_cast %add3A_288 : i32 to index
      %get3A_322 = arith.constant 32 : index
      %get3A_323 = tpu.vector_load %arg8[%get3A_321, %get3A_322] {strides = array<i32>} : memref<200x128xf32, #tpu.memory_space<vmem>>, vector<1x16xf32>,
      %get3A_324 = vector.shape_cast %get3A_323 : vector<1x16xf32> to vector<16xf32>
      %mul3A_325 = arith.constant 11.3137083 : f32
      %mul3A_326 = vector.broadcast %mul3A_325 : f32 to vector<16xf32>
      %mul3A_327 = arith.mulf %get3A_324, %mul3A_326 : vector<16xf32>
      %get3A_328 = arith.index_cast %add3A_288 : i32 to index
      %get3A_329 = arith.constant 32 : index
      %get3A_330 = tpu.vector_load %arg6[%get3A_328, %get3A_329] {strides = array<i32>} : memref<200x128xf32, #tpu.memory_space<vmem>>, vector<1x16xf32>,
      %get3A_331 = vector.shape_cast %get3A_330 : vector<1x16xf32> to vector<16xf32>
      %add3A_332 = arith.addf %mul3A_327, %get3A_331 : vector<16xf32>
      %swap3A_333 = arith.index_cast %add3A_288 : i32 to index
      %swap3A_334 = arith.constant 32 : index
      %swap3A_335 = tpu.vector_load %arg8[%swap3A_333, %swap3A_334] {strides = array<i32>} : memref<200x128xf32, #tpu.memory_space<vmem>>, vector<1x16xf32>,
      %swap3A_336 = vector.shape_cast %swap3A_335 : vector<1x16xf32> to vector<16xf32>
      %swap3A_337 = vector.shape_cast %add3A_332 : vector<16xf32> to vector<1x16xf32>
      tpu.vector_store %arg8[%swap3A_333, %swap3A_334], %swap3A_337 {strides = array<i32>} : memref<200x128xf32, #tpu.memory_space<vmem>>, vector<1x16xf32>,
      %get3A_338 = arith.index_cast %add3A_288 : i32 to index
      %get3A_339 = arith.constant 48 : index
      %get3A_340 = tpu.vector_load %arg8[%get3A_338, %get3A_339] {strides = array<i32>} : memref<200x128xf32, #tpu.memory_space<vmem>>, vector<1x16xf32>,
      %get3A_341 = vector.shape_cast %get3A_340 : vector<1x16xf32> to vector<16xf32>
      %mul3A_342 = arith.constant 11.3137083 : f32
      %mul3A_343 = vector.broadcast %mul3A_342 : f32 to vector<16xf32>
      %mul3A_344 = arith.mulf %get3A_341, %mul3A_343 : vector<16xf32>
      %get3A_345 = arith.index_cast %add3A_288 : i32 to index
      %get3A_346 = arith.constant 48 : index
      %get3A_347 = tpu.vector_load %arg6[%get3A_345, %get3A_346] {strides = array<i32>} : memref<200x128xf32, #tpu.memory_space<vmem>>, vector<1x16xf32>,
      %get3A_348 = vector.shape_cast %get3A_347 : vector<1x16xf32> to vector<16xf32>
      %add3A_349 = arith.addf %mul3A_344, %get3A_348 : vector<16xf32>
      %swap3A_350 = arith.index_cast %add3A_288 : i32 to index
      %swap3A_351 = arith.constant 48 : index
      %swap3A_352 = tpu.vector_load %arg8[%swap3A_350, %swap3A_351] {strides = array<i32>} : memref<200x128xf32, #tpu.memory_space<vmem>>, vector<1x16xf32>,
      %swap3A_353 = vector.shape_cast %swap3A_352 : vector<1x16xf32> to vector<16xf32>
      %swap3A_354 = vector.shape_cast %add3A_349 : vector<16xf32> to vector<1x16xf32>
      tpu.vector_store %arg8[%swap3A_350, %swap3A_351], %swap3A_354 {strides = array<i32>} : memref<200x128xf32, #tpu.memory_space<vmem>>, vector<1x16xf32>,
      %get3A_355 = arith.index_cast %add3A_288 : i32 to index
      %get3A_356 = arith.constant 64 : index
      %get3A_357 = tpu.vector_load %arg8[%get3A_355, %get3A_356] {strides = array<i32>} : memref<200x128xf32, #tpu.memory_space<vmem>>, vector<1x16xf32>,
      %get3A_358 = vector.shape_cast %get3A_357 : vector<1x16xf32> to vector<16xf32>
      %mul3A_359 = arith.constant 11.3137083 : f32
      %mul3A_360 = vector.broadcast %mul3A_359 : f32 to vector<16xf32>
      %mul3A_361 = arith.mulf %get3A_358, %mul3A_360 : vector<16xf32>
      %get3A_362 = arith.index_cast %add3A_288 : i32 to index
      %get3A_363 = arith.constant 64 : index
      %get3A_364 = tpu.vector_load %arg6[%get3A_362, %get3A_363] {strides = array<i32>} : memref<200x128xf32, #tpu.memory_space<vmem>>, vector<1x16xf32>,
      %get3A_365 = vector.shape_cast %get3A_364 : vector<1x16xf32> to vector<16xf32>
      %add3A_366 = arith.addf %mul3A_361, %get3A_365 : vector<16xf32>
      %swap3A_367 = arith.index_cast %add3A_288 : i32 to index
      %swap3A_368 = arith.constant 64 : index
      %swap3A_369 = tpu.vector_load %arg8[%swap3A_367, %swap3A_368] {strides = array<i32>} : memref<200x128xf32, #tpu.memory_space<vmem>>, vector<1x16xf32>,
      %swap3A_370 = vector.shape_cast %swap3A_369 : vector<1x16xf32> to vector<16xf32>
      %swap3A_371 = vector.shape_cast %add3A_366 : vector<16xf32> to vector<1x16xf32>
      tpu.vector_store %arg8[%swap3A_367, %swap3A_368], %swap3A_371 {strides = array<i32>} : memref<200x128xf32, #tpu.memory_space<vmem>>, vector<1x16xf32>,
      %get3A_372 = arith.index_cast %add3A_288 : i32 to index
      %get3A_373 = arith.constant 80 : index
      %get3A_374 = tpu.vector_load %arg8[%get3A_372, %get3A_373] {strides = array<i32>} : memref<200x128xf32, #tpu.memory_space<vmem>>, vector<1x16xf32>,
      %get3A_375 = vector.shape_cast %get3A_374 : vector<1x16xf32> to vector<16xf32>
      %mul3A_376 = arith.constant 11.3137083 : f32
      %mul3A_377 = vector.broadcast %mul3A_376 : f32 to vector<16xf32>
      %mul3A_378 = arith.mulf %get3A_375, %mul3A_377 : vector<16xf32>
      %get3A_379 = arith.index_cast %add3A_288 : i32 to index
      %get3A_380 = arith.constant 80 : index
      %get3A_381 = tpu.vector_load %arg6[%get3A_379, %get3A_380] {strides = array<i32>} : memref<200x128xf32, #tpu.memory_space<vmem>>, vector<1x16xf32>,
      %get3A_382 = vector.shape_cast %get3A_381 : vector<1x16xf32> to vector<16xf32>
      %add3A_383 = arith.addf %mul3A_378, %get3A_382 : vector<16xf32>
      %swap3A_384 = arith.index_cast %add3A_288 : i32 to index
      %swap3A_385 = arith.constant 80 : index
      %swap3A_386 = tpu.vector_load %arg8[%swap3A_384, %swap3A_385] {strides = array<i32>} : memref<200x128xf32, #tpu.memory_space<vmem>>, vector<1x16xf32>,
      %swap3A_387 = vector.shape_cast %swap3A_386 : vector<1x16xf32> to vector<16xf32>
      %swap3A_388 = vector.shape_cast %add3A_383 : vector<16xf32> to vector<1x16xf32>
      tpu.vector_store %arg8[%swap3A_384, %swap3A_385], %swap3A_388 {strides = array<i32>} : memref<200x128xf32, #tpu.memory_space<vmem>>, vector<1x16xf32>,
      %get3A_389 = arith.index_cast %add3A_288 : i32 to index
      %get3A_390 = arith.constant 96 : index
      %get3A_391 = tpu.vector_load %arg8[%get3A_389, %get3A_390] {strides = array<i32>} : memref<200x128xf32, #tpu.memory_space<vmem>>, vector<1x16xf32>,
      %get3A_392 = vector.shape_cast %get3A_391 : vector<1x16xf32> to vector<16xf32>
      %mul3A_393 = arith.constant 11.3137083 : f32
      %mul3A_394 = vector.broadcast %mul3A_393 : f32 to vector<16xf32>
      %mul3A_395 = arith.mulf %get3A_392, %mul3A_394 : vector<16xf32>
      %get3A_396 = arith.index_cast %add3A_288 : i32 to index
      %get3A_397 = arith.constant 96 : index
      %get3A_398 = tpu.vector_load %arg6[%get3A_396, %get3A_397] {strides = array<i32>} : memref<200x128xf32, #tpu.memory_space<vmem>>, vector<1x16xf32>,
      %get3A_399 = vector.shape_cast %get3A_398 : vector<1x16xf32> to vector<16xf32>
      %add3A_400 = arith.addf %mul3A_395, %get3A_399 : vector<16xf32>
      %swap3A_401 = arith.index_cast %add3A_288 : i32 to index
      %swap3A_402 = arith.constant 96 : index
      %swap3A_403 = tpu.vector_load %arg8[%swap3A_401, %swap3A_402] {strides = array<i32>} : memref<200x128xf32, #tpu.memory_space<vmem>>, vector<1x16xf32>,
      %swap3A_404 = vector.shape_cast %swap3A_403 : vector<1x16xf32> to vector<16xf32>
      %swap3A_405 = vector.shape_cast %add3A_400 : vector<16xf32> to vector<1x16xf32>
      tpu.vector_store %arg8[%swap3A_401, %swap3A_402], %swap3A_405 {strides = array<i32>} : memref<200x128xf32, #tpu.memory_space<vmem>>, vector<1x16xf32>,
      %get3A_406 = arith.index_cast %add3A_288 : i32 to index
      %get3A_407 = arith.constant 112 : index
      %get3A_408 = tpu.vector_load %arg8[%get3A_406, %get3A_407] {strides = array<i32>} : memref<200x128xf32, #tpu.memory_space<vmem>>, vector<1x16xf32>,
      %get3A_409 = vector.shape_cast %get3A_408 : vector<1x16xf32> to vector<16xf32>
      %mul3A_410 = arith.constant 11.3137083 : f32
      %mul3A_411 = vector.broadcast %mul3A_410 : f32 to vector<16xf32>
      %mul3A_412 = arith.mulf %get3A_409, %mul3A_411 : vector<16xf32>
      %get3A_413 = arith.index_cast %add3A_288 : i32 to index
      %get3A_414 = arith.constant 112 : index
      %get3A_415 = tpu.vector_load %arg6[%get3A_413, %get3A_414] {strides = array<i32>} : memref<200x128xf32, #tpu.memory_space<vmem>>, vector<1x16xf32>,
      %get3A_416 = vector.shape_cast %get3A_415 : vector<1x16xf32> to vector<16xf32>
      %add3A_417 = arith.addf %mul3A_412, %get3A_416 : vector<16xf32>
      %swap3A_418 = arith.index_cast %add3A_288 : i32 to index
      %swap3A_419 = arith.constant 112 : index
      %swap3A_420 = tpu.vector_load %arg8[%swap3A_418, %swap3A_419] {strides = array<i32>} : memref<200x128xf32, #tpu.memory_space<vmem>>, vector<1x16xf32>,
      %swap3A_421 = vector.shape_cast %swap3A_420 : vector<1x16xf32> to vector<16xf32>
      %swap3A_422 = vector.shape_cast %add3A_417 : vector<16xf32> to vector<1x16xf32>
      tpu.vector_store %arg8[%swap3A_418, %swap3A_419], %swap3A_422 {strides = array<i32>} : memref<200x128xf32, #tpu.memory_space<vmem>>, vector<1x16xf32>,
      %mul3A_423 = arith.constant 2 : i32
      %mul3A_424 = arith.muli %scan3A_284, %mul3A_423 : i32
      %add3A_425 = arith.constant 1 : i32
      %add3A_426 = arith.addi %mul3A_424, %add3A_425 : i32
      %get3A_427 = arith.index_cast %add3A_426 : i32 to index
      %get3A_428 = arith.constant 0 : index
      %get3A_429 = tpu.vector_load %arg8[%get3A_427, %get3A_428] {strides = array<i32>} : memref<200x128xf32, #tpu.memory_space<vmem>>, vector<1x16xf32>,
      %get3A_430 = vector.shape_cast %get3A_429 : vector<1x16xf32> to vector<16xf32>
      %mul3A_431 = arith.constant 11.3137083 : f32
      %mul3A_432 = vector.broadcast %mul3A_431 : f32 to vector<16xf32>
      %mul3A_433 = arith.mulf %get3A_430, %mul3A_432 : vector<16xf32>
      %get3A_434 = arith.index_cast %add3A_426 : i32 to index
      %get3A_435 = arith.constant 0 : index
      %get3A_436 = tpu.vector_load %arg6[%get3A_434, %get3A_435] {strides = array<i32>} : memref<200x128xf32, #tpu.memory_space<vmem>>, vector<1x16xf32>,
      %get3A_437 = vector.shape_cast %get3A_436 : vector<1x16xf32> to vector<16xf32>
      %add3A_438 = arith.addf %mul3A_433, %get3A_437 : vector<16xf32>
      %swap3A_439 = arith.index_cast %add3A_426 : i32 to index
      %swap3A_440 = arith.constant 0 : index
      %swap3A_441 = tpu.vector_load %arg8[%swap3A_439, %swap3A_440] {strides = array<i32>} : memref<200x128xf32, #tpu.memory_space<vmem>>, vector<1x16xf32>,
      %swap3A_442 = vector.shape_cast %swap3A_441 : vector<1x16xf32> to vector<16xf32>
      %swap3A_443 = vector.shape_cast %add3A_438 : vector<16xf32> to vector<1x16xf32>
      tpu.vector_store %arg8[%swap3A_439, %swap3A_440], %swap3A_443 {strides = array<i32>} : memref<200x128xf32, #tpu.memory_space<vmem>>, vector<1x16xf32>,
      %get3A_444 = arith.index_cast %add3A_426 : i32 to index
      %get3A_445 = arith.constant 16 : index
      %get3A_446 = tpu.vector_load %arg8[%get3A_444, %get3A_445] {strides = array<i32>} : memref<200x128xf32, #tpu.memory_space<vmem>>, vector<1x16xf32>,
      %get3A_447 = vector.shape_cast %get3A_446 : vector<1x16xf32> to vector<16xf32>
      %mul3A_448 = arith.constant 11.3137083 : f32
      %mul3A_449 = vector.broadcast %mul3A_448 : f32 to vector<16xf32>
      %mul3A_450 = arith.mulf %get3A_447, %mul3A_449 : vector<16xf32>
      %get3A_451 = arith.index_cast %add3A_426 : i32 to index
      %get3A_452 = arith.constant 16 : index
      %get3A_453 = tpu.vector_load %arg6[%get3A_451, %get3A_452] {strides = array<i32>} : memref<200x128xf32, #tpu.memory_space<vmem>>, vector<1x16xf32>,
      %get3A_454 = vector.shape_cast %get3A_453 : vector<1x16xf32> to vector<16xf32>
      %add3A_455 = arith.addf %mul3A_450, %get3A_454 : vector<16xf32>
      %swap3A_456 = arith.index_cast %add3A_426 : i32 to index
      %swap3A_457 = arith.constant 16 : index
      %swap3A_458 = tpu.vector_load %arg8[%swap3A_456, %swap3A_457] {strides = array<i32>} : memref<200x128xf32, #tpu.memory_space<vmem>>, vector<1x16xf32>,
      %swap3A_459 = vector.shape_cast %swap3A_458 : vector<1x16xf32> to vector<16xf32>
      %swap3A_460 = vector.shape_cast %add3A_455 : vector<16xf32> to vector<1x16xf32>
      tpu.vector_store %arg8[%swap3A_456, %swap3A_457], %swap3A_460 {strides = array<i32>} : memref<200x128xf32, #tpu.memory_space<vmem>>, vector<1x16xf32>,
      %get3A_461 = arith.index_cast %add3A_426 : i32 to index
      %get3A_462 = arith.constant 32 : index
      %get3A_463 = tpu.vector_load %arg8[%get3A_461, %get3A_462] {strides = array<i32>} : memref<200x128xf32, #tpu.memory_space<vmem>>, vector<1x16xf32>,
      %get3A_464 = vector.shape_cast %get3A_463 : vector<1x16xf32> to vector<16xf32>
      %mul3A_465 = arith.constant 11.3137083 : f32
      %mul3A_466 = vector.broadcast %mul3A_465 : f32 to vector<16xf32>
      %mul3A_467 = arith.mulf %get3A_464, %mul3A_466 : vector<16xf32>
      %get3A_468 = arith.index_cast %add3A_426 : i32 to index
      %get3A_469 = arith.constant 32 : index
      %get3A_470 = tpu.vector_load %arg6[%get3A_468, %get3A_469] {strides = array<i32>} : memref<200x128xf32, #tpu.memory_space<vmem>>, vector<1x16xf32>,
      %get3A_471 = vector.shape_cast %get3A_470 : vector<1x16xf32> to vector<16xf32>
      %add3A_472 = arith.addf %mul3A_467, %get3A_471 : vector<16xf32>
      %swap3A_473 = arith.index_cast %add3A_426 : i32 to index
      %swap3A_474 = arith.constant 32 : index
      %swap3A_475 = tpu.vector_load %arg8[%swap3A_473, %swap3A_474] {strides = array<i32>} : memref<200x128xf32, #tpu.memory_space<vmem>>, vector<1x16xf32>,
      %swap3A_476 = vector.shape_cast %swap3A_475 : vector<1x16xf32> to vector<16xf32>
      %swap3A_477 = vector.shape_cast %add3A_472 : vector<16xf32> to vector<1x16xf32>
      tpu.vector_store %arg8[%swap3A_473, %swap3A_474], %swap3A_477 {strides = array<i32>} : memref<200x128xf32, #tpu.memory_space<vmem>>, vector<1x16xf32>,
      %get3A_478 = arith.index_cast %add3A_426 : i32 to index
      %get3A_479 = arith.constant 48 : index
      %get3A_480 = tpu.vector_load %arg8[%get3A_478, %get3A_479] {strides = array<i32>} : memref<200x128xf32, #tpu.memory_space<vmem>>, vector<1x16xf32>,
      %get3A_481 = vector.shape_cast %get3A_480 : vector<1x16xf32> to vector<16xf32>
      %mul3A_482 = arith.constant 11.3137083 : f32
      %mul3A_483 = vector.broadcast %mul3A_482 : f32 to vector<16xf32>
      %mul3A_484 = arith.mulf %get3A_481, %mul3A_483 : vector<16xf32>
      %get3A_485 = arith.index_cast %add3A_426 : i32 to index
      %get3A_486 = arith.constant 48 : index
      %get3A_487 = tpu.vector_load %arg6[%get3A_485, %get3A_486] {strides = array<i32>} : memref<200x128xf32, #tpu.memory_space<vmem>>, vector<1x16xf32>,
      %get3A_488 = vector.shape_cast %get3A_487 : vector<1x16xf32> to vector<16xf32>
      %add3A_489 = arith.addf %mul3A_484, %get3A_488 : vector<16xf32>
      %swap3A_490 = arith.index_cast %add3A_426 : i32 to index
      %swap3A_491 = arith.constant 48 : index
      %swap3A_492 = tpu.vector_load %arg8[%swap3A_490, %swap3A_491] {strides = array<i32>} : memref<200x128xf32, #tpu.memory_space<vmem>>, vector<1x16xf32>,
      %swap3A_493 = vector.shape_cast %swap3A_492 : vector<1x16xf32> to vector<16xf32>
      %swap3A_494 = vector.shape_cast %add3A_489 : vector<16xf32> to vector<1x16xf32>
      tpu.vector_store %arg8[%swap3A_490, %swap3A_491], %swap3A_494 {strides = array<i32>} : memref<200x128xf32, #tpu.memory_space<vmem>>, vector<1x16xf32>,
      %get3A_495 = arith.index_cast %add3A_426 : i32 to index
      %get3A_496 = arith.constant 64 : index
      %get3A_497 = tpu.vector_load %arg8[%get3A_495, %get3A_496] {strides = array<i32>} : memref<200x128xf32, #tpu.memory_space<vmem>>, vector<1x16xf32>,
      %get3A_498 = vector.shape_cast %get3A_497 : vector<1x16xf32> to vector<16xf32>
      %mul3A_499 = arith.constant 11.3137083 : f32
      %mul3A_500 = vector.broadcast %mul3A_499 : f32 to vector<16xf32>
      %mul3A_501 = arith.mulf %get3A_498, %mul3A_500 : vector<16xf32>
      %get3A_502 = arith.index_cast %add3A_426 : i32 to index
      %get3A_503 = arith.constant 64 : index
      %get3A_504 = tpu.vector_load %arg6[%get3A_502, %get3A_503] {strides = array<i32>} : memref<200x128xf32, #tpu.memory_space<vmem>>, vector<1x16xf32>,
      %get3A_505 = vector.shape_cast %get3A_504 : vector<1x16xf32> to vector<16xf32>
      %add3A_506 = arith.addf %mul3A_501, %get3A_505 : vector<16xf32>
      %swap3A_507 = arith.index_cast %add3A_426 : i32 to index
      %swap3A_508 = arith.constant 64 : index
      %swap3A_509 = tpu.vector_load %arg8[%swap3A_507, %swap3A_508] {strides = array<i32>} : memref<200x128xf32, #tpu.memory_space<vmem>>, vector<1x16xf32>,
      %swap3A_510 = vector.shape_cast %swap3A_509 : vector<1x16xf32> to vector<16xf32>
      %swap3A_511 = vector.shape_cast %add3A_506 : vector<16xf32> to vector<1x16xf32>
      tpu.vector_store %arg8[%swap3A_507, %swap3A_508], %swap3A_511 {strides = array<i32>} : memref<200x128xf32, #tpu.memory_space<vmem>>, vector<1x16xf32>,
      %get3A_512 = arith.index_cast %add3A_426 : i32 to index
      %get3A_513 = arith.constant 80 : index
      %get3A_514 = tpu.vector_load %arg8[%get3A_512, %get3A_513] {strides = array<i32>} : memref<200x128xf32, #tpu.memory_space<vmem>>, vector<1x16xf32>,
      %get3A_515 = vector.shape_cast %get3A_514 : vector<1x16xf32> to vector<16xf32>
      %mul3A_516 = arith.constant 11.3137083 : f32
      %mul3A_517 = vector.broadcast %mul3A_516 : f32 to vector<16xf32>
      %mul3A_518 = arith.mulf %get3A_515, %mul3A_517 : vector<16xf32>
      %get3A_519 = arith.index_cast %add3A_426 : i32 to index
      %get3A_520 = arith.constant 80 : index
      %get3A_521 = tpu.vector_load %arg6[%get3A_519, %get3A_520] {strides = array<i32>} : memref<200x128xf32, #tpu.memory_space<vmem>>, vector<1x16xf32>,
      %get3A_522 = vector.shape_cast %get3A_521 : vector<1x16xf32> to vector<16xf32>
      %add3A_523 = arith.addf %mul3A_518, %get3A_522 : vector<16xf32>
      %swap3A_524 = arith.index_cast %add3A_426 : i32 to index
      %swap3A_525 = arith.constant 80 : index
      %swap3A_526 = tpu.vector_load %arg8[%swap3A_524, %swap3A_525] {strides = array<i32>} : memref<200x128xf32, #tpu.memory_space<vmem>>, vector<1x16xf32>,
      %swap3A_527 = vector.shape_cast %swap3A_526 : vector<1x16xf32> to vector<16xf32>
      %swap3A_528 = vector.shape_cast %add3A_523 : vector<16xf32> to vector<1x16xf32>
      tpu.vector_store %arg8[%swap3A_524, %swap3A_525], %swap3A_528 {strides = array<i32>} : memref<200x128xf32, #tpu.memory_space<vmem>>, vector<1x16xf32>,
      %get3A_529 = arith.index_cast %add3A_426 : i32 to index
      %get3A_530 = arith.constant 96 : index
      %get3A_531 = tpu.vector_load %arg8[%get3A_529, %get3A_530] {strides = array<i32>} : memref<200x128xf32, #tpu.memory_space<vmem>>, vector<1x16xf32>,
      %get3A_532 = vector.shape_cast %get3A_531 : vector<1x16xf32> to vector<16xf32>
      %mul3A_533 = arith.constant 11.3137083 : f32
      %mul3A_534 = vector.broadcast %mul3A_533 : f32 to vector<16xf32>
      %mul3A_535 = arith.mulf %get3A_532, %mul3A_534 : vector<16xf32>
      %get3A_536 = arith.index_cast %add3A_426 : i32 to index
      %get3A_537 = arith.constant 96 : index
      %get3A_538 = tpu.vector_load %arg6[%get3A_536, %get3A_537] {strides = array<i32>} : memref<200x128xf32, #tpu.memory_space<vmem>>, vector<1x16xf32>,
      %get3A_539 = vector.shape_cast %get3A_538 : vector<1x16xf32> to vector<16xf32>
      %add3A_540 = arith.addf %mul3A_535, %get3A_539 : vector<16xf32>
      %swap3A_541 = arith.index_cast %add3A_426 : i32 to index
      %swap3A_542 = arith.constant 96 : index
      %swap3A_543 = tpu.vector_load %arg8[%swap3A_541, %swap3A_542] {strides = array<i32>} : memref<200x128xf32, #tpu.memory_space<vmem>>, vector<1x16xf32>,
      %swap3A_544 = vector.shape_cast %swap3A_543 : vector<1x16xf32> to vector<16xf32>
      %swap3A_545 = vector.shape_cast %add3A_540 : vector<16xf32> to vector<1x16xf32>
      tpu.vector_store %arg8[%swap3A_541, %swap3A_542], %swap3A_545 {strides = array<i32>} : memref<200x128xf32, #tpu.memory_space<vmem>>, vector<1x16xf32>,
      %get3A_546 = arith.index_cast %add3A_426 : i32 to index
      %get3A_547 = arith.constant 112 : index
      %get3A_548 = tpu.vector_load %arg8[%get3A_546, %get3A_547] {strides = array<i32>} : memref<200x128xf32, #tpu.memory_space<vmem>>, vector<1x16xf32>,
      %get3A_549 = vector.shape_cast %get3A_548 : vector<1x16xf32> to vector<16xf32>
      %mul3A_550 = arith.constant 11.3137083 : f32
      %mul3A_551 = vector.broadcast %mul3A_550 : f32 to vector<16xf32>
      %mul3A_552 = arith.mulf %get3A_549, %mul3A_551 : vector<16xf32>
      %get3A_553 = arith.index_cast %add3A_426 : i32 to index
      %get3A_554 = arith.constant 112 : index
      %get3A_555 = tpu.vector_load %arg6[%get3A_553, %get3A_554] {strides = array<i32>} : memref<200x128xf32, #tpu.memory_space<vmem>>, vector<1x16xf32>,
      %get3A_556 = vector.shape_cast %get3A_555 : vector<1x16xf32> to vector<16xf32>
      %add3A_557 = arith.addf %mul3A_552, %get3A_556 : vector<16xf32>
      %swap3A_558 = arith.index_cast %add3A_426 : i32 to index
      %swap3A_559 = arith.constant 112 : index
      %swap3A_560 = tpu.vector_load %arg8[%swap3A_558, %swap3A_559] {strides = array<i32>} : memref<200x128xf32, #tpu.memory_space<vmem>>, vector<1x16xf32>,
      %swap3A_561 = vector.shape_cast %swap3A_560 : vector<1x16xf32> to vector<16xf32>
      %swap3A_562 = vector.shape_cast %add3A_557 : vector<16xf32> to vector<1x16xf32>
      tpu.vector_store %arg8[%swap3A_558, %swap3A_559], %swap3A_562 {strides = array<i32>} : memref<200x128xf32, #tpu.memory_space<vmem>>, vector<1x16xf32>,
    }
    %scan3A_158 = arith.constant 100 : i32
    %add3A_159 = arith.constant 6000 : i32
    %add3A_160 = arith.addi %mul3A_2, %add3A_159 : i32
    %multiple_of3A_161 = tpu.assume_multiple %add3A_160, 8 : i32
    %dma_start3A_162 = arith.constant 0 : i32
    %dma_start3A_163 = tpu.memref_slice %arg5[%multiple_of3A_161, %dma_start3A_162] : memref<204800x128xf32, #tpu.memory_space<hbm>> -> memref<200x128xf32, #tpu.memory_space<hbm>>
    %dma_start3A_164 = arith.constant 0 : i32
    %dma_start3A_165 = tpu.memref_slice %arg5[%multiple_of3A_161, %dma_start3A_164] : memref<204800x128xf32, #tpu.memory_space<hbm>> -> memref<200x128xf32, #tpu.memory_space<hbm>>
    tpu.enqueue_dma source(%arg8 : memref<200x128xf32, #tpu.memory_space<vmem>>) target(%dma_start3A_165 : memref<200x128xf32, #tpu.memory_space<hbm>>) target_semaphore(%arg14 : memref<!tpu.dma_semaphore, #tpu.memory_space<semaphore_mem>>)
    %add3A_166 = arith.constant 5800 : i32
    %add3A_167 = arith.addi %mul3A_2, %add3A_166 : i32
    %multiple_of3A_168 = tpu.assume_multiple %add3A_167, 8 : i32
    %dma_wait3A_169 = arith.constant 0 : i32
    %dma_wait3A_170 = tpu.memref_slice %arg5[%multiple_of3A_168, %dma_wait3A_169] : memref<204800x128xf32, #tpu.memory_space<hbm>> -> memref<200x128xf32, #tpu.memory_space<hbm>>
    %dma_wait3A_171 = arith.constant 0 : i32
    %dma_wait3A_172 = tpu.memref_slice %arg5[%multiple_of3A_168, %dma_wait3A_171] : memref<204800x128xf32, #tpu.memory_space<hbm>> -> memref<200x128xf32, #tpu.memory_space<hbm>>
    tpu.wait_dma2 semaphore(%arg16 : memref<!tpu.dma_semaphore, #tpu.memory_space<semaphore_mem>>) src(%arg10 : memref<200x128xf32, #tpu.memory_space<vmem>>) dst(%dma_wait3A_172 : memref<200x128xf32, #tpu.memory_space<hbm>>)
    %multiple_of3A_173 = arith.constant 6200 : i32
    %multiple_of3A_174 = tpu.assume_multiple %multiple_of3A_173, 8 : i32
    %add3A_175 = arith.constant 0 : i32
    %add3A_176 = arith.addi %multiple_of3A_174, %add3A_175 : i32
    %add3A_177 = arith.constant 40 : i32
    %add3A_178 = arith.addi %multiple_of3A_174, %add3A_177 : i32
    %add3A_179 = arith.constant 80 : i32
    %add3A_180 = arith.addi %multiple_of3A_174, %add3A_179 : i32
    %add3A_181 = arith.constant 120 : i32
    %add3A_182 = arith.addi %multiple_of3A_174, %add3A_181 : i32
    %add3A_183 = arith.constant 160 : i32
    %add3A_184 = arith.addi %multiple_of3A_174, %add3A_183 : i32
    %dma_wait3A_185 = arith.constant 0 : i32
    %dma_wait3A_186 = arith.constant 0 : i32
    %dma_wait3A_187 = tpu.memref_slice %arg9[%dma_wait3A_185, %dma_wait3A_186] : memref<200x128xf32, #tpu.memory_space<vmem>> -> memref<40x128xf32, #tpu.memory_space<vmem>>
    %dma_wait3A_188 = tpu.memref_slice %arg7[%add3A_176] : memref<6400xi32, #tpu.memory_space<vmem>> -> memref<40xi32, #tpu.memory_space<vmem>>
    %dma_wait3A_189 = arith.constant 0 : i32
    %dma_wait3A_190 = arith.constant 0 : i32
    %dma_wait3A_191 = tpu.memref_slice %arg3[%dma_wait3A_189, %dma_wait3A_190] : memref<100000x128xf32, #tpu.memory_space<hbm>> -> memref<100000x128xf32, #tpu.memory_space<hbm>>
    tpu.wait_indirect_dma semaphore(%arg12 : memref<!tpu.dma_semaphore, #tpu.memory_space<semaphore_mem>>) src(%dma_wait3A_191 : memref<100000x128xf32, #tpu.memory_space<hbm>>) dst(%dma_wait3A_187 : memref<40x128xf32, #tpu.memory_space<vmem>>)
    %dma_wait3A_192 = arith.constant 40 : i32
    %dma_wait3A_193 = arith.constant 0 : i32
    %dma_wait3A_194 = tpu.memref_slice %arg9[%dma_wait3A_192, %dma_wait3A_193] : memref<200x128xf32, #tpu.memory_space<vmem>> -> memref<40x128xf32, #tpu.memory_space<vmem>>
    %dma_wait3A_195 = tpu.memref_slice %arg7[%add3A_178] : memref<6400xi32, #tpu.memory_space<vmem>> -> memref<40xi32, #tpu.memory_space<vmem>>
    %dma_wait3A_196 = arith.constant 0 : i32
    %dma_wait3A_197 = arith.constant 0 : i32
    %dma_wait3A_198 = tpu.memref_slice %arg3[%dma_wait3A_196, %dma_wait3A_197] : memref<100000x128xf32, #tpu.memory_space<hbm>> -> memref<100000x128xf32, #tpu.memory_space<hbm>>
    tpu.wait_indirect_dma semaphore(%arg12 : memref<!tpu.dma_semaphore, #tpu.memory_space<semaphore_mem>>) src(%dma_wait3A_198 : memref<100000x128xf32, #tpu.memory_space<hbm>>) dst(%dma_wait3A_194 : memref<40x128xf32, #tpu.memory_space<vmem>>)
    %dma_wait3A_199 = arith.constant 80 : i32
    %dma_wait3A_200 = arith.constant 0 : i32
    %dma_wait3A_201 = tpu.memref_slice %arg9[%dma_wait3A_199, %dma_wait3A_200] : memref<200x128xf32, #tpu.memory_space<vmem>> -> memref<40x128xf32, #tpu.memory_space<vmem>>
    %dma_wait3A_202 = tpu.memref_slice %arg7[%add3A_180] : memref<6400xi32, #tpu.memory_space<vmem>> -> memref<40xi32, #tpu.memory_space<vmem>>
    %dma_wait3A_203 = arith.constant 0 : i32
    %dma_wait3A_204 = arith.constant 0 : i32
    %dma_wait3A_205 = tpu.memref_slice %arg3[%dma_wait3A_203, %dma_wait3A_204] : memref<100000x128xf32, #tpu.memory_space<hbm>> -> memref<100000x128xf32, #tpu.memory_space<hbm>>
    tpu.wait_indirect_dma semaphore(%arg12 : memref<!tpu.dma_semaphore, #tpu.memory_space<semaphore_mem>>) src(%dma_wait3A_205 : memref<100000x128xf32, #tpu.memory_space<hbm>>) dst(%dma_wait3A_201 : memref<40x128xf32, #tpu.memory_space<vmem>>)
    %dma_wait3A_206 = arith.constant 120 : i32
    %dma_wait3A_207 = arith.constant 0 : i32
    %dma_wait3A_208 = tpu.memref_slice %arg9[%dma_wait3A_206, %dma_wait3A_207] : memref<200x128xf32, #tpu.memory_space<vmem>> -> memref<40x128xf32, #tpu.memory_space<vmem>>
    %dma_wait3A_209 = tpu.memref_slice %arg7[%add3A_182] : memref<6400xi32, #tpu.memory_space<vmem>> -> memref<40xi32, #tpu.memory_space<vmem>>
    %dma_wait3A_210 = arith.constant 0 : i32
    %dma_wait3A_211 = arith.constant 0 : i32
    %dma_wait3A_212 = tpu.memref_slice %arg3[%dma_wait3A_210, %dma_wait3A_211] : memref<100000x128xf32, #tpu.memory_space<hbm>> -> memref<100000x128xf32, #tpu.memory_space<hbm>>
    tpu.wait_indirect_dma semaphore(%arg12 : memref<!tpu.dma_semaphore, #tpu.memory_space<semaphore_mem>>) src(%dma_wait3A_212 : memref<100000x128xf32, #tpu.memory_space<hbm>>) dst(%dma_wait3A_208 : memref<40x128xf32, #tpu.memory_space<vmem>>)
    %dma_wait3A_213 = arith.constant 160 : i32
    %dma_wait3A_214 = arith.constant 0 : i32
    %dma_wait3A_215 = tpu.memref_slice %arg9[%dma_wait3A_213, %dma_wait3A_214] : memref<200x128xf32, #tpu.memory_space<vmem>> -> memref<40x128xf32, #tpu.memory_space<vmem>>
    %dma_wait3A_216 = tpu.memref_slice %arg7[%add3A_184] : memref<6400xi32, #tpu.memory_space<vmem>> -> memref<40xi32, #tpu.memory_space<vmem>>
    %dma_wait3A_217 = arith.constant 0 : i32
    %dma_wait3A_218 = arith.constant 0 : i32
    %dma_wait3A_219 = tpu.memref_slice %arg3[%dma_wait3A_217, %dma_wait3A_218] : memref<100000x128xf32, #tpu.memory_space<hbm>> -> memref<100000x128xf32, #tpu.memory_space<hbm>>
    tpu.wait_indirect_dma semaphore(%arg12 : memref<!tpu.dma_semaphore, #tpu.memory_space<semaphore_mem>>) src(%dma_wait3A_219 : memref<100000x128xf32, #tpu.memory_space<hbm>>) dst(%dma_wait3A_215 : memref<40x128xf32, #tpu.memory_space<vmem>>)
    %scan3A_220 = arith.constant 0 : i32
    %scan3A_221 = arith.constant 0 : i32
    %scan3A_222 = arith.constant 52 : i32
    %scan3A_223 = arith.addi %scan3A_221, %scan3A_222 : i32
    %scan3A_224 = arith.constant 1 : i32
    scf.for %scan3A_284 = %scan3A_221 to %scan3A_223 step %scan3A_224  : i32 {
      %mul3A_285 = arith.constant 2 : i32
      %mul3A_286 = arith.muli %scan3A_284, %mul3A_285 : i32
      %add3A_287 = arith.constant 0 : i32
      %add3A_288 = arith.addi %mul3A_286, %add3A_287 : i32
      %get3A = arith.index_cast %add3A_288 : i32 to index
      %get3A_289 = arith.constant 0 : index
      %get3A_290 = tpu.vector_load %arg9[%get3A, %get3A_289] {strides = array<i32>} : memref<200x128xf32, #tpu.memory_space<vmem>>, vector<1x16xf32>,
      %get3A_291 = vector.shape_cast %get3A_290 : vector<1x16xf32> to vector<16xf32>
      %mul3A_292 = arith.constant 11.3137083 : f32
      %mul3A_293 = vector.broadcast %mul3A_292 : f32 to vector<16xf32>
      %mul3A_294 = arith.mulf %get3A_291, %mul3A_293 : vector<16xf32>
      %get3A_295 = arith.index_cast %add3A_288 : i32 to index
      %get3A_296 = arith.constant 0 : index
      %get3A_297 = tpu.vector_load %arg6[%get3A_295, %get3A_296] {strides = array<i32>} : memref<200x128xf32, #tpu.memory_space<vmem>>, vector<1x16xf32>,
      %get3A_298 = vector.shape_cast %get3A_297 : vector<1x16xf32> to vector<16xf32>
      %add3A_299 = arith.addf %mul3A_294, %get3A_298 : vector<16xf32>
      %swap3A = arith.index_cast %add3A_288 : i32 to index
      %swap3A_300 = arith.constant 0 : index
      %swap3A_301 = tpu.vector_load %arg9[%swap3A, %swap3A_300] {strides = array<i32>} : memref<200x128xf32, #tpu.memory_space<vmem>>, vector<1x16xf32>,
      %swap3A_302 = vector.shape_cast %swap3A_301 : vector<1x16xf32> to vector<16xf32>
      %swap3A_303 = vector.shape_cast %add3A_299 : vector<16xf32> to vector<1x16xf32>
      tpu.vector_store %arg9[%swap3A, %swap3A_300], %swap3A_303 {strides = array<i32>} : memref<200x128xf32, #tpu.memory_space<vmem>>, vector<1x16xf32>,
      %get3A_304 = arith.index_cast %add3A_288 : i32 to index
      %get3A_305 = arith.constant 16 : index
      %get3A_306 = tpu.vector_load %arg9[%get3A_304, %get3A_305] {strides = array<i32>} : memref<200x128xf32, #tpu.memory_space<vmem>>, vector<1x16xf32>,
      %get3A_307 = vector.shape_cast %get3A_306 : vector<1x16xf32> to vector<16xf32>
      %mul3A_308 = arith.constant 11.3137083 : f32
      %mul3A_309 = vector.broadcast %mul3A_308 : f32 to vector<16xf32>
      %mul3A_310 = arith.mulf %get3A_307, %mul3A_309 : vector<16xf32>
      %get3A_311 = arith.index_cast %add3A_288 : i32 to index
      %get3A_312 = arith.constant 16 : index
      %get3A_313 = tpu.vector_load %arg6[%get3A_311, %get3A_312] {strides = array<i32>} : memref<200x128xf32, #tpu.memory_space<vmem>>, vector<1x16xf32>,
      %get3A_314 = vector.shape_cast %get3A_313 : vector<1x16xf32> to vector<16xf32>
      %add3A_315 = arith.addf %mul3A_310, %get3A_314 : vector<16xf32>
      %swap3A_316 = arith.index_cast %add3A_288 : i32 to index
      %swap3A_317 = arith.constant 16 : index
      %swap3A_318 = tpu.vector_load %arg9[%swap3A_316, %swap3A_317] {strides = array<i32>} : memref<200x128xf32, #tpu.memory_space<vmem>>, vector<1x16xf32>,
      %swap3A_319 = vector.shape_cast %swap3A_318 : vector<1x16xf32> to vector<16xf32>
      %swap3A_320 = vector.shape_cast %add3A_315 : vector<16xf32> to vector<1x16xf32>
      tpu.vector_store %arg9[%swap3A_316, %swap3A_317], %swap3A_320 {strides = array<i32>} : memref<200x128xf32, #tpu.memory_space<vmem>>, vector<1x16xf32>,
      %get3A_321 = arith.index_cast %add3A_288 : i32 to index
      %get3A_322 = arith.constant 32 : index
      %get3A_323 = tpu.vector_load %arg9[%get3A_321, %get3A_322] {strides = array<i32>} : memref<200x128xf32, #tpu.memory_space<vmem>>, vector<1x16xf32>,
      %get3A_324 = vector.shape_cast %get3A_323 : vector<1x16xf32> to vector<16xf32>
      %mul3A_325 = arith.constant 11.3137083 : f32
      %mul3A_326 = vector.broadcast %mul3A_325 : f32 to vector<16xf32>
      %mul3A_327 = arith.mulf %get3A_324, %mul3A_326 : vector<16xf32>
      %get3A_328 = arith.index_cast %add3A_288 : i32 to index
      %get3A_329 = arith.constant 32 : index
      %get3A_330 = tpu.vector_load %arg6[%get3A_328, %get3A_329] {strides = array<i32>} : memref<200x128xf32, #tpu.memory_space<vmem>>, vector<1x16xf32>,
      %get3A_331 = vector.shape_cast %get3A_330 : vector<1x16xf32> to vector<16xf32>
      %add3A_332 = arith.addf %mul3A_327, %get3A_331 : vector<16xf32>
      %swap3A_333 = arith.index_cast %add3A_288 : i32 to index
      %swap3A_334 = arith.constant 32 : index
      %swap3A_335 = tpu.vector_load %arg9[%swap3A_333, %swap3A_334] {strides = array<i32>} : memref<200x128xf32, #tpu.memory_space<vmem>>, vector<1x16xf32>,
      %swap3A_336 = vector.shape_cast %swap3A_335 : vector<1x16xf32> to vector<16xf32>
      %swap3A_337 = vector.shape_cast %add3A_332 : vector<16xf32> to vector<1x16xf32>
      tpu.vector_store %arg9[%swap3A_333, %swap3A_334], %swap3A_337 {strides = array<i32>} : memref<200x128xf32, #tpu.memory_space<vmem>>, vector<1x16xf32>,
      %get3A_338 = arith.index_cast %add3A_288 : i32 to index
      %get3A_339 = arith.constant 48 : index
      %get3A_340 = tpu.vector_load %arg9[%get3A_338, %get3A_339] {strides = array<i32>} : memref<200x128xf32, #tpu.memory_space<vmem>>, vector<1x16xf32>,
      %get3A_341 = vector.shape_cast %get3A_340 : vector<1x16xf32> to vector<16xf32>
      %mul3A_342 = arith.constant 11.3137083 : f32
      %mul3A_343 = vector.broadcast %mul3A_342 : f32 to vector<16xf32>
      %mul3A_344 = arith.mulf %get3A_341, %mul3A_343 : vector<16xf32>
      %get3A_345 = arith.index_cast %add3A_288 : i32 to index
      %get3A_346 = arith.constant 48 : index
      %get3A_347 = tpu.vector_load %arg6[%get3A_345, %get3A_346] {strides = array<i32>} : memref<200x128xf32, #tpu.memory_space<vmem>>, vector<1x16xf32>,
      %get3A_348 = vector.shape_cast %get3A_347 : vector<1x16xf32> to vector<16xf32>
      %add3A_349 = arith.addf %mul3A_344, %get3A_348 : vector<16xf32>
      %swap3A_350 = arith.index_cast %add3A_288 : i32 to index
      %swap3A_351 = arith.constant 48 : index
      %swap3A_352 = tpu.vector_load %arg9[%swap3A_350, %swap3A_351] {strides = array<i32>} : memref<200x128xf32, #tpu.memory_space<vmem>>, vector<1x16xf32>,
      %swap3A_353 = vector.shape_cast %swap3A_352 : vector<1x16xf32> to vector<16xf32>
      %swap3A_354 = vector.shape_cast %add3A_349 : vector<16xf32> to vector<1x16xf32>
      tpu.vector_store %arg9[%swap3A_350, %swap3A_351], %swap3A_354 {strides = array<i32>} : memref<200x128xf32, #tpu.memory_space<vmem>>, vector<1x16xf32>,
      %get3A_355 = arith.index_cast %add3A_288 : i32 to index
      %get3A_356 = arith.constant 64 : index
      %get3A_357 = tpu.vector_load %arg9[%get3A_355, %get3A_356] {strides = array<i32>} : memref<200x128xf32, #tpu.memory_space<vmem>>, vector<1x16xf32>,
      %get3A_358 = vector.shape_cast %get3A_357 : vector<1x16xf32> to vector<16xf32>
      %mul3A_359 = arith.constant 11.3137083 : f32
      %mul3A_360 = vector.broadcast %mul3A_359 : f32 to vector<16xf32>
      %mul3A_361 = arith.mulf %get3A_358, %mul3A_360 : vector<16xf32>
      %get3A_362 = arith.index_cast %add3A_288 : i32 to index
      %get3A_363 = arith.constant 64 : index
      %get3A_364 = tpu.vector_load %arg6[%get3A_362, %get3A_363] {strides = array<i32>} : memref<200x128xf32, #tpu.memory_space<vmem>>, vector<1x16xf32>,
      %get3A_365 = vector.shape_cast %get3A_364 : vector<1x16xf32> to vector<16xf32>
      %add3A_366 = arith.addf %mul3A_361, %get3A_365 : vector<16xf32>
      %swap3A_367 = arith.index_cast %add3A_288 : i32 to index
      %swap3A_368 = arith.constant 64 : index
      %swap3A_369 = tpu.vector_load %arg9[%swap3A_367, %swap3A_368] {strides = array<i32>} : memref<200x128xf32, #tpu.memory_space<vmem>>, vector<1x16xf32>,
      %swap3A_370 = vector.shape_cast %swap3A_369 : vector<1x16xf32> to vector<16xf32>
      %swap3A_371 = vector.shape_cast %add3A_366 : vector<16xf32> to vector<1x16xf32>
      tpu.vector_store %arg9[%swap3A_367, %swap3A_368], %swap3A_371 {strides = array<i32>} : memref<200x128xf32, #tpu.memory_space<vmem>>, vector<1x16xf32>,
      %get3A_372 = arith.index_cast %add3A_288 : i32 to index
      %get3A_373 = arith.constant 80 : index
      %get3A_374 = tpu.vector_load %arg9[%get3A_372, %get3A_373] {strides = array<i32>} : memref<200x128xf32, #tpu.memory_space<vmem>>, vector<1x16xf32>,
      %get3A_375 = vector.shape_cast %get3A_374 : vector<1x16xf32> to vector<16xf32>
      %mul3A_376 = arith.constant 11.3137083 : f32
      %mul3A_377 = vector.broadcast %mul3A_376 : f32 to vector<16xf32>
      %mul3A_378 = arith.mulf %get3A_375, %mul3A_377 : vector<16xf32>
      %get3A_379 = arith.index_cast %add3A_288 : i32 to index
      %get3A_380 = arith.constant 80 : index
      %get3A_381 = tpu.vector_load %arg6[%get3A_379, %get3A_380] {strides = array<i32>} : memref<200x128xf32, #tpu.memory_space<vmem>>, vector<1x16xf32>,
      %get3A_382 = vector.shape_cast %get3A_381 : vector<1x16xf32> to vector<16xf32>
      %add3A_383 = arith.addf %mul3A_378, %get3A_382 : vector<16xf32>
      %swap3A_384 = arith.index_cast %add3A_288 : i32 to index
      %swap3A_385 = arith.constant 80 : index
      %swap3A_386 = tpu.vector_load %arg9[%swap3A_384, %swap3A_385] {strides = array<i32>} : memref<200x128xf32, #tpu.memory_space<vmem>>, vector<1x16xf32>,
      %swap3A_387 = vector.shape_cast %swap3A_386 : vector<1x16xf32> to vector<16xf32>
      %swap3A_388 = vector.shape_cast %add3A_383 : vector<16xf32> to vector<1x16xf32>
      tpu.vector_store %arg9[%swap3A_384, %swap3A_385], %swap3A_388 {strides = array<i32>} : memref<200x128xf32, #tpu.memory_space<vmem>>, vector<1x16xf32>,
      %get3A_389 = arith.index_cast %add3A_288 : i32 to index
      %get3A_390 = arith.constant 96 : index
      %get3A_391 = tpu.vector_load %arg9[%get3A_389, %get3A_390] {strides = array<i32>} : memref<200x128xf32, #tpu.memory_space<vmem>>, vector<1x16xf32>,
      %get3A_392 = vector.shape_cast %get3A_391 : vector<1x16xf32> to vector<16xf32>
      %mul3A_393 = arith.constant 11.3137083 : f32
      %mul3A_394 = vector.broadcast %mul3A_393 : f32 to vector<16xf32>
      %mul3A_395 = arith.mulf %get3A_392, %mul3A_394 : vector<16xf32>
      %get3A_396 = arith.index_cast %add3A_288 : i32 to index
      %get3A_397 = arith.constant 96 : index
      %get3A_398 = tpu.vector_load %arg6[%get3A_396, %get3A_397] {strides = array<i32>} : memref<200x128xf32, #tpu.memory_space<vmem>>, vector<1x16xf32>,
      %get3A_399 = vector.shape_cast %get3A_398 : vector<1x16xf32> to vector<16xf32>
      %add3A_400 = arith.addf %mul3A_395, %get3A_399 : vector<16xf32>
      %swap3A_401 = arith.index_cast %add3A_288 : i32 to index
      %swap3A_402 = arith.constant 96 : index
      %swap3A_403 = tpu.vector_load %arg9[%swap3A_401, %swap3A_402] {strides = array<i32>} : memref<200x128xf32, #tpu.memory_space<vmem>>, vector<1x16xf32>,
      %swap3A_404 = vector.shape_cast %swap3A_403 : vector<1x16xf32> to vector<16xf32>
      %swap3A_405 = vector.shape_cast %add3A_400 : vector<16xf32> to vector<1x16xf32>
      tpu.vector_store %arg9[%swap3A_401, %swap3A_402], %swap3A_405 {strides = array<i32>} : memref<200x128xf32, #tpu.memory_space<vmem>>, vector<1x16xf32>,
      %get3A_406 = arith.index_cast %add3A_288 : i32 to index
      %get3A_407 = arith.constant 112 : index
      %get3A_408 = tpu.vector_load %arg9[%get3A_406, %get3A_407] {strides = array<i32>} : memref<200x128xf32, #tpu.memory_space<vmem>>, vector<1x16xf32>,
      %get3A_409 = vector.shape_cast %get3A_408 : vector<1x16xf32> to vector<16xf32>
      %mul3A_410 = arith.constant 11.3137083 : f32
      %mul3A_411 = vector.broadcast %mul3A_410 : f32 to vector<16xf32>
      %mul3A_412 = arith.mulf %get3A_409, %mul3A_411 : vector<16xf32>
      %get3A_413 = arith.index_cast %add3A_288 : i32 to index
      %get3A_414 = arith.constant 112 : index
      %get3A_415 = tpu.vector_load %arg6[%get3A_413, %get3A_414] {strides = array<i32>} : memref<200x128xf32, #tpu.memory_space<vmem>>, vector<1x16xf32>,
      %get3A_416 = vector.shape_cast %get3A_415 : vector<1x16xf32> to vector<16xf32>
      %add3A_417 = arith.addf %mul3A_412, %get3A_416 : vector<16xf32>
      %swap3A_418 = arith.index_cast %add3A_288 : i32 to index
      %swap3A_419 = arith.constant 112 : index
      %swap3A_420 = tpu.vector_load %arg9[%swap3A_418, %swap3A_419] {strides = array<i32>} : memref<200x128xf32, #tpu.memory_space<vmem>>, vector<1x16xf32>,
      %swap3A_421 = vector.shape_cast %swap3A_420 : vector<1x16xf32> to vector<16xf32>
      %swap3A_422 = vector.shape_cast %add3A_417 : vector<16xf32> to vector<1x16xf32>
      tpu.vector_store %arg9[%swap3A_418, %swap3A_419], %swap3A_422 {strides = array<i32>} : memref<200x128xf32, #tpu.memory_space<vmem>>, vector<1x16xf32>,
      %mul3A_423 = arith.constant 2 : i32
      %mul3A_424 = arith.muli %scan3A_284, %mul3A_423 : i32
      %add3A_425 = arith.constant 1 : i32
      %add3A_426 = arith.addi %mul3A_424, %add3A_425 : i32
      %get3A_427 = arith.index_cast %add3A_426 : i32 to index
      %get3A_428 = arith.constant 0 : index
      %get3A_429 = tpu.vector_load %arg9[%get3A_427, %get3A_428] {strides = array<i32>} : memref<200x128xf32, #tpu.memory_space<vmem>>, vector<1x16xf32>,
      %get3A_430 = vector.shape_cast %get3A_429 : vector<1x16xf32> to vector<16xf32>
      %mul3A_431 = arith.constant 11.3137083 : f32
      %mul3A_432 = vector.broadcast %mul3A_431 : f32 to vector<16xf32>
      %mul3A_433 = arith.mulf %get3A_430, %mul3A_432 : vector<16xf32>
      %get3A_434 = arith.index_cast %add3A_426 : i32 to index
      %get3A_435 = arith.constant 0 : index
      %get3A_436 = tpu.vector_load %arg6[%get3A_434, %get3A_435] {strides = array<i32>} : memref<200x128xf32, #tpu.memory_space<vmem>>, vector<1x16xf32>,
      %get3A_437 = vector.shape_cast %get3A_436 : vector<1x16xf32> to vector<16xf32>
      %add3A_438 = arith.addf %mul3A_433, %get3A_437 : vector<16xf32>
      %swap3A_439 = arith.index_cast %add3A_426 : i32 to index
      %swap3A_440 = arith.constant 0 : index
      %swap3A_441 = tpu.vector_load %arg9[%swap3A_439, %swap3A_440] {strides = array<i32>} : memref<200x128xf32, #tpu.memory_space<vmem>>, vector<1x16xf32>,
      %swap3A_442 = vector.shape_cast %swap3A_441 : vector<1x16xf32> to vector<16xf32>
      %swap3A_443 = vector.shape_cast %add3A_438 : vector<16xf32> to vector<1x16xf32>
      tpu.vector_store %arg9[%swap3A_439, %swap3A_440], %swap3A_443 {strides = array<i32>} : memref<200x128xf32, #tpu.memory_space<vmem>>, vector<1x16xf32>,
      %get3A_444 = arith.index_cast %add3A_426 : i32 to index
      %get3A_445 = arith.constant 16 : index
      %get3A_446 = tpu.vector_load %arg9[%get3A_444, %get3A_445] {strides = array<i32>} : memref<200x128xf32, #tpu.memory_space<vmem>>, vector<1x16xf32>,
      %get3A_447 = vector.shape_cast %get3A_446 : vector<1x16xf32> to vector<16xf32>
      %mul3A_448 = arith.constant 11.3137083 : f32
      %mul3A_449 = vector.broadcast %mul3A_448 : f32 to vector<16xf32>
      %mul3A_450 = arith.mulf %get3A_447, %mul3A_449 : vector<16xf32>
      %get3A_451 = arith.index_cast %add3A_426 : i32 to index
      %get3A_452 = arith.constant 16 : index
      %get3A_453 = tpu.vector_load %arg6[%get3A_451, %get3A_452] {strides = array<i32>} : memref<200x128xf32, #tpu.memory_space<vmem>>, vector<1x16xf32>,
      %get3A_454 = vector.shape_cast %get3A_453 : vector<1x16xf32> to vector<16xf32>
      %add3A_455 = arith.addf %mul3A_450, %get3A_454 : vector<16xf32>
      %swap3A_456 = arith.index_cast %add3A_426 : i32 to index
      %swap3A_457 = arith.constant 16 : index
      %swap3A_458 = tpu.vector_load %arg9[%swap3A_456, %swap3A_457] {strides = array<i32>} : memref<200x128xf32, #tpu.memory_space<vmem>>, vector<1x16xf32>,
      %swap3A_459 = vector.shape_cast %swap3A_458 : vector<1x16xf32> to vector<16xf32>
      %swap3A_460 = vector.shape_cast %add3A_455 : vector<16xf32> to vector<1x16xf32>
      tpu.vector_store %arg9[%swap3A_456, %swap3A_457], %swap3A_460 {strides = array<i32>} : memref<200x128xf32, #tpu.memory_space<vmem>>, vector<1x16xf32>,
      %get3A_461 = arith.index_cast %add3A_426 : i32 to index
      %get3A_462 = arith.constant 32 : index
      %get3A_463 = tpu.vector_load %arg9[%get3A_461, %get3A_462] {strides = array<i32>} : memref<200x128xf32, #tpu.memory_space<vmem>>, vector<1x16xf32>,
      %get3A_464 = vector.shape_cast %get3A_463 : vector<1x16xf32> to vector<16xf32>
      %mul3A_465 = arith.constant 11.3137083 : f32
      %mul3A_466 = vector.broadcast %mul3A_465 : f32 to vector<16xf32>
      %mul3A_467 = arith.mulf %get3A_464, %mul3A_466 : vector<16xf32>
      %get3A_468 = arith.index_cast %add3A_426 : i32 to index
      %get3A_469 = arith.constant 32 : index
      %get3A_470 = tpu.vector_load %arg6[%get3A_468, %get3A_469] {strides = array<i32>} : memref<200x128xf32, #tpu.memory_space<vmem>>, vector<1x16xf32>,
      %get3A_471 = vector.shape_cast %get3A_470 : vector<1x16xf32> to vector<16xf32>
      %add3A_472 = arith.addf %mul3A_467, %get3A_471 : vector<16xf32>
      %swap3A_473 = arith.index_cast %add3A_426 : i32 to index
      %swap3A_474 = arith.constant 32 : index
      %swap3A_475 = tpu.vector_load %arg9[%swap3A_473, %swap3A_474] {strides = array<i32>} : memref<200x128xf32, #tpu.memory_space<vmem>>, vector<1x16xf32>,
      %swap3A_476 = vector.shape_cast %swap3A_475 : vector<1x16xf32> to vector<16xf32>
      %swap3A_477 = vector.shape_cast %add3A_472 : vector<16xf32> to vector<1x16xf32>
      tpu.vector_store %arg9[%swap3A_473, %swap3A_474], %swap3A_477 {strides = array<i32>} : memref<200x128xf32, #tpu.memory_space<vmem>>, vector<1x16xf32>,
      %get3A_478 = arith.index_cast %add3A_426 : i32 to index
      %get3A_479 = arith.constant 48 : index
      %get3A_480 = tpu.vector_load %arg9[%get3A_478, %get3A_479] {strides = array<i32>} : memref<200x128xf32, #tpu.memory_space<vmem>>, vector<1x16xf32>,
      %get3A_481 = vector.shape_cast %get3A_480 : vector<1x16xf32> to vector<16xf32>
      %mul3A_482 = arith.constant 11.3137083 : f32
      %mul3A_483 = vector.broadcast %mul3A_482 : f32 to vector<16xf32>
      %mul3A_484 = arith.mulf %get3A_481, %mul3A_483 : vector<16xf32>
      %get3A_485 = arith.index_cast %add3A_426 : i32 to index
      %get3A_486 = arith.constant 48 : index
      %get3A_487 = tpu.vector_load %arg6[%get3A_485, %get3A_486] {strides = array<i32>} : memref<200x128xf32, #tpu.memory_space<vmem>>, vector<1x16xf32>,
      %get3A_488 = vector.shape_cast %get3A_487 : vector<1x16xf32> to vector<16xf32>
      %add3A_489 = arith.addf %mul3A_484, %get3A_488 : vector<16xf32>
      %swap3A_490 = arith.index_cast %add3A_426 : i32 to index
      %swap3A_491 = arith.constant 48 : index
      %swap3A_492 = tpu.vector_load %arg9[%swap3A_490, %swap3A_491] {strides = array<i32>} : memref<200x128xf32, #tpu.memory_space<vmem>>, vector<1x16xf32>,
      %swap3A_493 = vector.shape_cast %swap3A_492 : vector<1x16xf32> to vector<16xf32>
      %swap3A_494 = vector.shape_cast %add3A_489 : vector<16xf32> to vector<1x16xf32>
      tpu.vector_store %arg9[%swap3A_490, %swap3A_491], %swap3A_494 {strides = array<i32>} : memref<200x128xf32, #tpu.memory_space<vmem>>, vector<1x16xf32>,
      %get3A_495 = arith.index_cast %add3A_426 : i32 to index
      %get3A_496 = arith.constant 64 : index
      %get3A_497 = tpu.vector_load %arg9[%get3A_495, %get3A_496] {strides = array<i32>} : memref<200x128xf32, #tpu.memory_space<vmem>>, vector<1x16xf32>,
      %get3A_498 = vector.shape_cast %get3A_497 : vector<1x16xf32> to vector<16xf32>
      %mul3A_499 = arith.constant 11.3137083 : f32
      %mul3A_500 = vector.broadcast %mul3A_499 : f32 to vector<16xf32>
      %mul3A_501 = arith.mulf %get3A_498, %mul3A_500 : vector<16xf32>
      %get3A_502 = arith.index_cast %add3A_426 : i32 to index
      %get3A_503 = arith.constant 64 : index
      %get3A_504 = tpu.vector_load %arg6[%get3A_502, %get3A_503] {strides = array<i32>} : memref<200x128xf32, #tpu.memory_space<vmem>>, vector<1x16xf32>,
      %get3A_505 = vector.shape_cast %get3A_504 : vector<1x16xf32> to vector<16xf32>
      %add3A_506 = arith.addf %mul3A_501, %get3A_505 : vector<16xf32>
      %swap3A_507 = arith.index_cast %add3A_426 : i32 to index
      %swap3A_508 = arith.constant 64 : index
      %swap3A_509 = tpu.vector_load %arg9[%swap3A_507, %swap3A_508] {strides = array<i32>} : memref<200x128xf32, #tpu.memory_space<vmem>>, vector<1x16xf32>,
      %swap3A_510 = vector.shape_cast %swap3A_509 : vector<1x16xf32> to vector<16xf32>
      %swap3A_511 = vector.shape_cast %add3A_506 : vector<16xf32> to vector<1x16xf32>
      tpu.vector_store %arg9[%swap3A_507, %swap3A_508], %swap3A_511 {strides = array<i32>} : memref<200x128xf32, #tpu.memory_space<vmem>>, vector<1x16xf32>,
      %get3A_512 = arith.index_cast %add3A_426 : i32 to index
      %get3A_513 = arith.constant 80 : index
      %get3A_514 = tpu.vector_load %arg9[%get3A_512, %get3A_513] {strides = array<i32>} : memref<200x128xf32, #tpu.memory_space<vmem>>, vector<1x16xf32>,
      %get3A_515 = vector.shape_cast %get3A_514 : vector<1x16xf32> to vector<16xf32>
      %mul3A_516 = arith.constant 11.3137083 : f32
      %mul3A_517 = vector.broadcast %mul3A_516 : f32 to vector<16xf32>
      %mul3A_518 = arith.mulf %get3A_515, %mul3A_517 : vector<16xf32>
      %get3A_519 = arith.index_cast %add3A_426 : i32 to index
      %get3A_520 = arith.constant 80 : index
      %get3A_521 = tpu.vector_load %arg6[%get3A_519, %get3A_520] {strides = array<i32>} : memref<200x128xf32, #tpu.memory_space<vmem>>, vector<1x16xf32>,
      %get3A_522 = vector.shape_cast %get3A_521 : vector<1x16xf32> to vector<16xf32>
      %add3A_523 = arith.addf %mul3A_518, %get3A_522 : vector<16xf32>
      %swap3A_524 = arith.index_cast %add3A_426 : i32 to index
      %swap3A_525 = arith.constant 80 : index
      %swap3A_526 = tpu.vector_load %arg9[%swap3A_524, %swap3A_525] {strides = array<i32>} : memref<200x128xf32, #tpu.memory_space<vmem>>, vector<1x16xf32>,
      %swap3A_527 = vector.shape_cast %swap3A_526 : vector<1x16xf32> to vector<16xf32>
      %swap3A_528 = vector.shape_cast %add3A_523 : vector<16xf32> to vector<1x16xf32>
      tpu.vector_store %arg9[%swap3A_524, %swap3A_525], %swap3A_528 {strides = array<i32>} : memref<200x128xf32, #tpu.memory_space<vmem>>, vector<1x16xf32>,
      %get3A_529 = arith.index_cast %add3A_426 : i32 to index
      %get3A_530 = arith.constant 96 : index
      %get3A_531 = tpu.vector_load %arg9[%get3A_529, %get3A_530] {strides = array<i32>} : memref<200x128xf32, #tpu.memory_space<vmem>>, vector<1x16xf32>,
      %get3A_532 = vector.shape_cast %get3A_531 : vector<1x16xf32> to vector<16xf32>
      %mul3A_533 = arith.constant 11.3137083 : f32
      %mul3A_534 = vector.broadcast %mul3A_533 : f32 to vector<16xf32>
      %mul3A_535 = arith.mulf %get3A_532, %mul3A_534 : vector<16xf32>
      %get3A_536 = arith.index_cast %add3A_426 : i32 to index
      %get3A_537 = arith.constant 96 : index
      %get3A_538 = tpu.vector_load %arg6[%get3A_536, %get3A_537] {strides = array<i32>} : memref<200x128xf32, #tpu.memory_space<vmem>>, vector<1x16xf32>,
      %get3A_539 = vector.shape_cast %get3A_538 : vector<1x16xf32> to vector<16xf32>
      %add3A_540 = arith.addf %mul3A_535, %get3A_539 : vector<16xf32>
      %swap3A_541 = arith.index_cast %add3A_426 : i32 to index
      %swap3A_542 = arith.constant 96 : index
      %swap3A_543 = tpu.vector_load %arg9[%swap3A_541, %swap3A_542] {strides = array<i32>} : memref<200x128xf32, #tpu.memory_space<vmem>>, vector<1x16xf32>,
      %swap3A_544 = vector.shape_cast %swap3A_543 : vector<1x16xf32> to vector<16xf32>
      %swap3A_545 = vector.shape_cast %add3A_540 : vector<16xf32> to vector<1x16xf32>
      tpu.vector_store %arg9[%swap3A_541, %swap3A_542], %swap3A_545 {strides = array<i32>} : memref<200x128xf32, #tpu.memory_space<vmem>>, vector<1x16xf32>,
      %get3A_546 = arith.index_cast %add3A_426 : i32 to index
      %get3A_547 = arith.constant 112 : index
      %get3A_548 = tpu.vector_load %arg9[%get3A_546, %get3A_547] {strides = array<i32>} : memref<200x128xf32, #tpu.memory_space<vmem>>, vector<1x16xf32>,
      %get3A_549 = vector.shape_cast %get3A_548 : vector<1x16xf32> to vector<16xf32>
      %mul3A_550 = arith.constant 11.3137083 : f32
      %mul3A_551 = vector.broadcast %mul3A_550 : f32 to vector<16xf32>
      %mul3A_552 = arith.mulf %get3A_549, %mul3A_551 : vector<16xf32>
      %get3A_553 = arith.index_cast %add3A_426 : i32 to index
      %get3A_554 = arith.constant 112 : index
      %get3A_555 = tpu.vector_load %arg6[%get3A_553, %get3A_554] {strides = array<i32>} : memref<200x128xf32, #tpu.memory_space<vmem>>, vector<1x16xf32>,
      %get3A_556 = vector.shape_cast %get3A_555 : vector<1x16xf32> to vector<16xf32>
      %add3A_557 = arith.addf %mul3A_552, %get3A_556 : vector<16xf32>
      %swap3A_558 = arith.index_cast %add3A_426 : i32 to index
      %swap3A_559 = arith.constant 112 : index
      %swap3A_560 = tpu.vector_load %arg9[%swap3A_558, %swap3A_559] {strides = array<i32>} : memref<200x128xf32, #tpu.memory_space<vmem>>, vector<1x16xf32>,
      %swap3A_561 = vector.shape_cast %swap3A_560 : vector<1x16xf32> to vector<16xf32>
      %swap3A_562 = vector.shape_cast %add3A_557 : vector<16xf32> to vector<1x16xf32>
      tpu.vector_store %arg9[%swap3A_558, %swap3A_559], %swap3A_562 {strides = array<i32>} : memref<200x128xf32, #tpu.memory_space<vmem>>, vector<1x16xf32>,
    }
    %scan3A_225 = arith.constant 52 : i32
    %add3A_226 = arith.constant 6200 : i32
    %add3A_227 = arith.addi %mul3A_2, %add3A_226 : i32
    %multiple_of3A_228 = tpu.assume_multiple %add3A_227, 8 : i32
    %dma_start3A_229 = arith.constant 0 : i32
    %dma_start3A_230 = arith.constant 0 : i32
    %dma_start3A_231 = tpu.memref_slice %arg9[%dma_start3A_229, %dma_start3A_230] : memref<200x128xf32, #tpu.memory_space<vmem>> -> memref<104x128xf32, #tpu.memory_space<vmem>>
    %dma_start3A_232 = arith.constant 0 : i32
    %dma_start3A_233 = tpu.memref_slice %arg5[%multiple_of3A_228, %dma_start3A_232] : memref<204800x128xf32, #tpu.memory_space<hbm>> -> memref<104x128xf32, #tpu.memory_space<hbm>>
    %dma_start3A_234 = arith.constant 0 : i32
    %dma_start3A_235 = tpu.memref_slice %arg5[%multiple_of3A_228, %dma_start3A_234] : memref<204800x128xf32, #tpu.memory_space<hbm>> -> memref<104x128xf32, #tpu.memory_space<hbm>>
    %dma_start3A_236 = arith.constant 0 : i32
    %dma_start3A_237 = arith.constant 0 : i32
    %dma_start3A_238 = tpu.memref_slice %arg9[%dma_start3A_236, %dma_start3A_237] : memref<200x128xf32, #tpu.memory_space<vmem>> -> memref<104x128xf32, #tpu.memory_space<vmem>>
    tpu.enqueue_dma source(%dma_start3A_238 : memref<104x128xf32, #tpu.memory_space<vmem>>) target(%dma_start3A_235 : memref<104x128xf32, #tpu.memory_space<hbm>>) target_semaphore(%arg15 : memref<!tpu.dma_semaphore, #tpu.memory_space<semaphore_mem>>)
    %scan3A_239 = arith.constant 0 : i32
    %scan3A_240 = arith.constant 52 : i32
    %scan3A_241 = arith.constant 48 : i32
    %scan3A_242 = arith.addi %scan3A_240, %scan3A_241 : i32
    %scan3A_243 = arith.constant 1 : i32
    scf.for %scan3A_284 = %scan3A_240 to %scan3A_242 step %scan3A_243  : i32 {
      %mul3A_285 = arith.constant 2 : i32
      %mul3A_286 = arith.muli %scan3A_284, %mul3A_285 : i32
      %add3A_287 = arith.constant 0 : i32
      %add3A_288 = arith.addi %mul3A_286, %add3A_287 : i32
      %get3A = arith.index_cast %add3A_288 : i32 to index
      %get3A_289 = arith.constant 0 : index
      %get3A_290 = tpu.vector_load %arg9[%get3A, %get3A_289] {strides = array<i32>} : memref<200x128xf32, #tpu.memory_space<vmem>>, vector<1x16xf32>,
      %get3A_291 = vector.shape_cast %get3A_290 : vector<1x16xf32> to vector<16xf32>
      %mul3A_292 = arith.constant 11.3137083 : f32
      %mul3A_293 = vector.broadcast %mul3A_292 : f32 to vector<16xf32>
      %mul3A_294 = arith.mulf %get3A_291, %mul3A_293 : vector<16xf32>
      %get3A_295 = arith.index_cast %add3A_288 : i32 to index
      %get3A_296 = arith.constant 0 : index
      %get3A_297 = tpu.vector_load %arg6[%get3A_295, %get3A_296] {strides = array<i32>} : memref<200x128xf32, #tpu.memory_space<vmem>>, vector<1x16xf32>,
      %get3A_298 = vector.shape_cast %get3A_297 : vector<1x16xf32> to vector<16xf32>
      %add3A_299 = arith.addf %mul3A_294, %get3A_298 : vector<16xf32>
      %swap3A = arith.index_cast %add3A_288 : i32 to index
      %swap3A_300 = arith.constant 0 : index
      %swap3A_301 = tpu.vector_load %arg9[%swap3A, %swap3A_300] {strides = array<i32>} : memref<200x128xf32, #tpu.memory_space<vmem>>, vector<1x16xf32>,
      %swap3A_302 = vector.shape_cast %swap3A_301 : vector<1x16xf32> to vector<16xf32>
      %swap3A_303 = vector.shape_cast %add3A_299 : vector<16xf32> to vector<1x16xf32>
      tpu.vector_store %arg9[%swap3A, %swap3A_300], %swap3A_303 {strides = array<i32>} : memref<200x128xf32, #tpu.memory_space<vmem>>, vector<1x16xf32>,
      %get3A_304 = arith.index_cast %add3A_288 : i32 to index
      %get3A_305 = arith.constant 16 : index
      %get3A_306 = tpu.vector_load %arg9[%get3A_304, %get3A_305] {strides = array<i32>} : memref<200x128xf32, #tpu.memory_space<vmem>>, vector<1x16xf32>,
      %get3A_307 = vector.shape_cast %get3A_306 : vector<1x16xf32> to vector<16xf32>
      %mul3A_308 = arith.constant 11.3137083 : f32
      %mul3A_309 = vector.broadcast %mul3A_308 : f32 to vector<16xf32>
      %mul3A_310 = arith.mulf %get3A_307, %mul3A_309 : vector<16xf32>
      %get3A_311 = arith.index_cast %add3A_288 : i32 to index
      %get3A_312 = arith.constant 16 : index
      %get3A_313 = tpu.vector_load %arg6[%get3A_311, %get3A_312] {strides = array<i32>} : memref<200x128xf32, #tpu.memory_space<vmem>>, vector<1x16xf32>,
      %get3A_314 = vector.shape_cast %get3A_313 : vector<1x16xf32> to vector<16xf32>
      %add3A_315 = arith.addf %mul3A_310, %get3A_314 : vector<16xf32>
      %swap3A_316 = arith.index_cast %add3A_288 : i32 to index
      %swap3A_317 = arith.constant 16 : index
      %swap3A_318 = tpu.vector_load %arg9[%swap3A_316, %swap3A_317] {strides = array<i32>} : memref<200x128xf32, #tpu.memory_space<vmem>>, vector<1x16xf32>,
      %swap3A_319 = vector.shape_cast %swap3A_318 : vector<1x16xf32> to vector<16xf32>
      %swap3A_320 = vector.shape_cast %add3A_315 : vector<16xf32> to vector<1x16xf32>
      tpu.vector_store %arg9[%swap3A_316, %swap3A_317], %swap3A_320 {strides = array<i32>} : memref<200x128xf32, #tpu.memory_space<vmem>>, vector<1x16xf32>,
      %get3A_321 = arith.index_cast %add3A_288 : i32 to index
      %get3A_322 = arith.constant 32 : index
      %get3A_323 = tpu.vector_load %arg9[%get3A_321, %get3A_322] {strides = array<i32>} : memref<200x128xf32, #tpu.memory_space<vmem>>, vector<1x16xf32>,
      %get3A_324 = vector.shape_cast %get3A_323 : vector<1x16xf32> to vector<16xf32>
      %mul3A_325 = arith.constant 11.3137083 : f32
      %mul3A_326 = vector.broadcast %mul3A_325 : f32 to vector<16xf32>
      %mul3A_327 = arith.mulf %get3A_324, %mul3A_326 : vector<16xf32>
      %get3A_328 = arith.index_cast %add3A_288 : i32 to index
      %get3A_329 = arith.constant 32 : index
      %get3A_330 = tpu.vector_load %arg6[%get3A_328, %get3A_329] {strides = array<i32>} : memref<200x128xf32, #tpu.memory_space<vmem>>, vector<1x16xf32>,
      %get3A_331 = vector.shape_cast %get3A_330 : vector<1x16xf32> to vector<16xf32>
      %add3A_332 = arith.addf %mul3A_327, %get3A_331 : vector<16xf32>
      %swap3A_333 = arith.index_cast %add3A_288 : i32 to index
      %swap3A_334 = arith.constant 32 : index
      %swap3A_335 = tpu.vector_load %arg9[%swap3A_333, %swap3A_334] {strides = array<i32>} : memref<200x128xf32, #tpu.memory_space<vmem>>, vector<1x16xf32>,
      %swap3A_336 = vector.shape_cast %swap3A_335 : vector<1x16xf32> to vector<16xf32>
      %swap3A_337 = vector.shape_cast %add3A_332 : vector<16xf32> to vector<1x16xf32>
      tpu.vector_store %arg9[%swap3A_333, %swap3A_334], %swap3A_337 {strides = array<i32>} : memref<200x128xf32, #tpu.memory_space<vmem>>, vector<1x16xf32>,
      %get3A_338 = arith.index_cast %add3A_288 : i32 to index
      %get3A_339 = arith.constant 48 : index
      %get3A_340 = tpu.vector_load %arg9[%get3A_338, %get3A_339] {strides = array<i32>} : memref<200x128xf32, #tpu.memory_space<vmem>>, vector<1x16xf32>,
      %get3A_341 = vector.shape_cast %get3A_340 : vector<1x16xf32> to vector<16xf32>
      %mul3A_342 = arith.constant 11.3137083 : f32
      %mul3A_343 = vector.broadcast %mul3A_342 : f32 to vector<16xf32>
      %mul3A_344 = arith.mulf %get3A_341, %mul3A_343 : vector<16xf32>
      %get3A_345 = arith.index_cast %add3A_288 : i32 to index
      %get3A_346 = arith.constant 48 : index
      %get3A_347 = tpu.vector_load %arg6[%get3A_345, %get3A_346] {strides = array<i32>} : memref<200x128xf32, #tpu.memory_space<vmem>>, vector<1x16xf32>,
      %get3A_348 = vector.shape_cast %get3A_347 : vector<1x16xf32> to vector<16xf32>
      %add3A_349 = arith.addf %mul3A_344, %get3A_348 : vector<16xf32>
      %swap3A_350 = arith.index_cast %add3A_288 : i32 to index
      %swap3A_351 = arith.constant 48 : index
      %swap3A_352 = tpu.vector_load %arg9[%swap3A_350, %swap3A_351] {strides = array<i32>} : memref<200x128xf32, #tpu.memory_space<vmem>>, vector<1x16xf32>,
      %swap3A_353 = vector.shape_cast %swap3A_352 : vector<1x16xf32> to vector<16xf32>
      %swap3A_354 = vector.shape_cast %add3A_349 : vector<16xf32> to vector<1x16xf32>
      tpu.vector_store %arg9[%swap3A_350, %swap3A_351], %swap3A_354 {strides = array<i32>} : memref<200x128xf32, #tpu.memory_space<vmem>>, vector<1x16xf32>,
      %get3A_355 = arith.index_cast %add3A_288 : i32 to index
      %get3A_356 = arith.constant 64 : index
      %get3A_357 = tpu.vector_load %arg9[%get3A_355, %get3A_356] {strides = array<i32>} : memref<200x128xf32, #tpu.memory_space<vmem>>, vector<1x16xf32>,
      %get3A_358 = vector.shape_cast %get3A_357 : vector<1x16xf32> to vector<16xf32>
      %mul3A_359 = arith.constant 11.3137083 : f32
      %mul3A_360 = vector.broadcast %mul3A_359 : f32 to vector<16xf32>
      %mul3A_361 = arith.mulf %get3A_358, %mul3A_360 : vector<16xf32>
      %get3A_362 = arith.index_cast %add3A_288 : i32 to index
      %get3A_363 = arith.constant 64 : index
      %get3A_364 = tpu.vector_load %arg6[%get3A_362, %get3A_363] {strides = array<i32>} : memref<200x128xf32, #tpu.memory_space<vmem>>, vector<1x16xf32>,
      %get3A_365 = vector.shape_cast %get3A_364 : vector<1x16xf32> to vector<16xf32>
      %add3A_366 = arith.addf %mul3A_361, %get3A_365 : vector<16xf32>
      %swap3A_367 = arith.index_cast %add3A_288 : i32 to index
      %swap3A_368 = arith.constant 64 : index
      %swap3A_369 = tpu.vector_load %arg9[%swap3A_367, %swap3A_368] {strides = array<i32>} : memref<200x128xf32, #tpu.memory_space<vmem>>, vector<1x16xf32>,
      %swap3A_370 = vector.shape_cast %swap3A_369 : vector<1x16xf32> to vector<16xf32>
      %swap3A_371 = vector.shape_cast %add3A_366 : vector<16xf32> to vector<1x16xf32>
      tpu.vector_store %arg9[%swap3A_367, %swap3A_368], %swap3A_371 {strides = array<i32>} : memref<200x128xf32, #tpu.memory_space<vmem>>, vector<1x16xf32>,
      %get3A_372 = arith.index_cast %add3A_288 : i32 to index
      %get3A_373 = arith.constant 80 : index
      %get3A_374 = tpu.vector_load %arg9[%get3A_372, %get3A_373] {strides = array<i32>} : memref<200x128xf32, #tpu.memory_space<vmem>>, vector<1x16xf32>,
      %get3A_375 = vector.shape_cast %get3A_374 : vector<1x16xf32> to vector<16xf32>
      %mul3A_376 = arith.constant 11.3137083 : f32
      %mul3A_377 = vector.broadcast %mul3A_376 : f32 to vector<16xf32>
      %mul3A_378 = arith.mulf %get3A_375, %mul3A_377 : vector<16xf32>
      %get3A_379 = arith.index_cast %add3A_288 : i32 to index
      %get3A_380 = arith.constant 80 : index
      %get3A_381 = tpu.vector_load %arg6[%get3A_379, %get3A_380] {strides = array<i32>} : memref<200x128xf32, #tpu.memory_space<vmem>>, vector<1x16xf32>,
      %get3A_382 = vector.shape_cast %get3A_381 : vector<1x16xf32> to vector<16xf32>
      %add3A_383 = arith.addf %mul3A_378, %get3A_382 : vector<16xf32>
      %swap3A_384 = arith.index_cast %add3A_288 : i32 to index
      %swap3A_385 = arith.constant 80 : index
      %swap3A_386 = tpu.vector_load %arg9[%swap3A_384, %swap3A_385] {strides = array<i32>} : memref<200x128xf32, #tpu.memory_space<vmem>>, vector<1x16xf32>,
      %swap3A_387 = vector.shape_cast %swap3A_386 : vector<1x16xf32> to vector<16xf32>
      %swap3A_388 = vector.shape_cast %add3A_383 : vector<16xf32> to vector<1x16xf32>
      tpu.vector_store %arg9[%swap3A_384, %swap3A_385], %swap3A_388 {strides = array<i32>} : memref<200x128xf32, #tpu.memory_space<vmem>>, vector<1x16xf32>,
      %get3A_389 = arith.index_cast %add3A_288 : i32 to index
      %get3A_390 = arith.constant 96 : index
      %get3A_391 = tpu.vector_load %arg9[%get3A_389, %get3A_390] {strides = array<i32>} : memref<200x128xf32, #tpu.memory_space<vmem>>, vector<1x16xf32>,
      %get3A_392 = vector.shape_cast %get3A_391 : vector<1x16xf32> to vector<16xf32>
      %mul3A_393 = arith.constant 11.3137083 : f32
      %mul3A_394 = vector.broadcast %mul3A_393 : f32 to vector<16xf32>
      %mul3A_395 = arith.mulf %get3A_392, %mul3A_394 : vector<16xf32>
      %get3A_396 = arith.index_cast %add3A_288 : i32 to index
      %get3A_397 = arith.constant 96 : index
      %get3A_398 = tpu.vector_load %arg6[%get3A_396, %get3A_397] {strides = array<i32>} : memref<200x128xf32, #tpu.memory_space<vmem>>, vector<1x16xf32>,
      %get3A_399 = vector.shape_cast %get3A_398 : vector<1x16xf32> to vector<16xf32>
      %add3A_400 = arith.addf %mul3A_395, %get3A_399 : vector<16xf32>
      %swap3A_401 = arith.index_cast %add3A_288 : i32 to index
      %swap3A_402 = arith.constant 96 : index
      %swap3A_403 = tpu.vector_load %arg9[%swap3A_401, %swap3A_402] {strides = array<i32>} : memref<200x128xf32, #tpu.memory_space<vmem>>, vector<1x16xf32>,
      %swap3A_404 = vector.shape_cast %swap3A_403 : vector<1x16xf32> to vector<16xf32>
      %swap3A_405 = vector.shape_cast %add3A_400 : vector<16xf32> to vector<1x16xf32>
      tpu.vector_store %arg9[%swap3A_401, %swap3A_402], %swap3A_405 {strides = array<i32>} : memref<200x128xf32, #tpu.memory_space<vmem>>, vector<1x16xf32>,
      %get3A_406 = arith.index_cast %add3A_288 : i32 to index
      %get3A_407 = arith.constant 112 : index
      %get3A_408 = tpu.vector_load %arg9[%get3A_406, %get3A_407] {strides = array<i32>} : memref<200x128xf32, #tpu.memory_space<vmem>>, vector<1x16xf32>,
      %get3A_409 = vector.shape_cast %get3A_408 : vector<1x16xf32> to vector<16xf32>
      %mul3A_410 = arith.constant 11.3137083 : f32
      %mul3A_411 = vector.broadcast %mul3A_410 : f32 to vector<16xf32>
      %mul3A_412 = arith.mulf %get3A_409, %mul3A_411 : vector<16xf32>
      %get3A_413 = arith.index_cast %add3A_288 : i32 to index
      %get3A_414 = arith.constant 112 : index
      %get3A_415 = tpu.vector_load %arg6[%get3A_413, %get3A_414] {strides = array<i32>} : memref<200x128xf32, #tpu.memory_space<vmem>>, vector<1x16xf32>,
      %get3A_416 = vector.shape_cast %get3A_415 : vector<1x16xf32> to vector<16xf32>
      %add3A_417 = arith.addf %mul3A_412, %get3A_416 : vector<16xf32>
      %swap3A_418 = arith.index_cast %add3A_288 : i32 to index
      %swap3A_419 = arith.constant 112 : index
      %swap3A_420 = tpu.vector_load %arg9[%swap3A_418, %swap3A_419] {strides = array<i32>} : memref<200x128xf32, #tpu.memory_space<vmem>>, vector<1x16xf32>,
      %swap3A_421 = vector.shape_cast %swap3A_420 : vector<1x16xf32> to vector<16xf32>
      %swap3A_422 = vector.shape_cast %add3A_417 : vector<16xf32> to vector<1x16xf32>
      tpu.vector_store %arg9[%swap3A_418, %swap3A_419], %swap3A_422 {strides = array<i32>} : memref<200x128xf32, #tpu.memory_space<vmem>>, vector<1x16xf32>,
      %mul3A_423 = arith.constant 2 : i32
      %mul3A_424 = arith.muli %scan3A_284, %mul3A_423 : i32
      %add3A_425 = arith.constant 1 : i32
      %add3A_426 = arith.addi %mul3A_424, %add3A_425 : i32
      %get3A_427 = arith.index_cast %add3A_426 : i32 to index
      %get3A_428 = arith.constant 0 : index
      %get3A_429 = tpu.vector_load %arg9[%get3A_427, %get3A_428] {strides = array<i32>} : memref<200x128xf32, #tpu.memory_space<vmem>>, vector<1x16xf32>,
      %get3A_430 = vector.shape_cast %get3A_429 : vector<1x16xf32> to vector<16xf32>
      %mul3A_431 = arith.constant 11.3137083 : f32
      %mul3A_432 = vector.broadcast %mul3A_431 : f32 to vector<16xf32>
      %mul3A_433 = arith.mulf %get3A_430, %mul3A_432 : vector<16xf32>
      %get3A_434 = arith.index_cast %add3A_426 : i32 to index
      %get3A_435 = arith.constant 0 : index
      %get3A_436 = tpu.vector_load %arg6[%get3A_434, %get3A_435] {strides = array<i32>} : memref<200x128xf32, #tpu.memory_space<vmem>>, vector<1x16xf32>,
      %get3A_437 = vector.shape_cast %get3A_436 : vector<1x16xf32> to vector<16xf32>
      %add3A_438 = arith.addf %mul3A_433, %get3A_437 : vector<16xf32>
      %swap3A_439 = arith.index_cast %add3A_426 : i32 to index
      %swap3A_440 = arith.constant 0 : index
      %swap3A_441 = tpu.vector_load %arg9[%swap3A_439, %swap3A_440] {strides = array<i32>} : memref<200x128xf32, #tpu.memory_space<vmem>>, vector<1x16xf32>,
      %swap3A_442 = vector.shape_cast %swap3A_441 : vector<1x16xf32> to vector<16xf32>
      %swap3A_443 = vector.shape_cast %add3A_438 : vector<16xf32> to vector<1x16xf32>
      tpu.vector_store %arg9[%swap3A_439, %swap3A_440], %swap3A_443 {strides = array<i32>} : memref<200x128xf32, #tpu.memory_space<vmem>>, vector<1x16xf32>,
      %get3A_444 = arith.index_cast %add3A_426 : i32 to index
      %get3A_445 = arith.constant 16 : index
      %get3A_446 = tpu.vector_load %arg9[%get3A_444, %get3A_445] {strides = array<i32>} : memref<200x128xf32, #tpu.memory_space<vmem>>, vector<1x16xf32>,
      %get3A_447 = vector.shape_cast %get3A_446 : vector<1x16xf32> to vector<16xf32>
      %mul3A_448 = arith.constant 11.3137083 : f32
      %mul3A_449 = vector.broadcast %mul3A_448 : f32 to vector<16xf32>
      %mul3A_450 = arith.mulf %get3A_447, %mul3A_449 : vector<16xf32>
      %get3A_451 = arith.index_cast %add3A_426 : i32 to index
      %get3A_452 = arith.constant 16 : index
      %get3A_453 = tpu.vector_load %arg6[%get3A_451, %get3A_452] {strides = array<i32>} : memref<200x128xf32, #tpu.memory_space<vmem>>, vector<1x16xf32>,
      %get3A_454 = vector.shape_cast %get3A_453 : vector<1x16xf32> to vector<16xf32>
      %add3A_455 = arith.addf %mul3A_450, %get3A_454 : vector<16xf32>
      %swap3A_456 = arith.index_cast %add3A_426 : i32 to index
      %swap3A_457 = arith.constant 16 : index
      %swap3A_458 = tpu.vector_load %arg9[%swap3A_456, %swap3A_457] {strides = array<i32>} : memref<200x128xf32, #tpu.memory_space<vmem>>, vector<1x16xf32>,
      %swap3A_459 = vector.shape_cast %swap3A_458 : vector<1x16xf32> to vector<16xf32>
      %swap3A_460 = vector.shape_cast %add3A_455 : vector<16xf32> to vector<1x16xf32>
      tpu.vector_store %arg9[%swap3A_456, %swap3A_457], %swap3A_460 {strides = array<i32>} : memref<200x128xf32, #tpu.memory_space<vmem>>, vector<1x16xf32>,
      %get3A_461 = arith.index_cast %add3A_426 : i32 to index
      %get3A_462 = arith.constant 32 : index
      %get3A_463 = tpu.vector_load %arg9[%get3A_461, %get3A_462] {strides = array<i32>} : memref<200x128xf32, #tpu.memory_space<vmem>>, vector<1x16xf32>,
      %get3A_464 = vector.shape_cast %get3A_463 : vector<1x16xf32> to vector<16xf32>
      %mul3A_465 = arith.constant 11.3137083 : f32
      %mul3A_466 = vector.broadcast %mul3A_465 : f32 to vector<16xf32>
      %mul3A_467 = arith.mulf %get3A_464, %mul3A_466 : vector<16xf32>
      %get3A_468 = arith.index_cast %add3A_426 : i32 to index
      %get3A_469 = arith.constant 32 : index
      %get3A_470 = tpu.vector_load %arg6[%get3A_468, %get3A_469] {strides = array<i32>} : memref<200x128xf32, #tpu.memory_space<vmem>>, vector<1x16xf32>,
      %get3A_471 = vector.shape_cast %get3A_470 : vector<1x16xf32> to vector<16xf32>
      %add3A_472 = arith.addf %mul3A_467, %get3A_471 : vector<16xf32>
      %swap3A_473 = arith.index_cast %add3A_426 : i32 to index
      %swap3A_474 = arith.constant 32 : index
      %swap3A_475 = tpu.vector_load %arg9[%swap3A_473, %swap3A_474] {strides = array<i32>} : memref<200x128xf32, #tpu.memory_space<vmem>>, vector<1x16xf32>,
      %swap3A_476 = vector.shape_cast %swap3A_475 : vector<1x16xf32> to vector<16xf32>
      %swap3A_477 = vector.shape_cast %add3A_472 : vector<16xf32> to vector<1x16xf32>
      tpu.vector_store %arg9[%swap3A_473, %swap3A_474], %swap3A_477 {strides = array<i32>} : memref<200x128xf32, #tpu.memory_space<vmem>>, vector<1x16xf32>,
      %get3A_478 = arith.index_cast %add3A_426 : i32 to index
      %get3A_479 = arith.constant 48 : index
      %get3A_480 = tpu.vector_load %arg9[%get3A_478, %get3A_479] {strides = array<i32>} : memref<200x128xf32, #tpu.memory_space<vmem>>, vector<1x16xf32>,
      %get3A_481 = vector.shape_cast %get3A_480 : vector<1x16xf32> to vector<16xf32>
      %mul3A_482 = arith.constant 11.3137083 : f32
      %mul3A_483 = vector.broadcast %mul3A_482 : f32 to vector<16xf32>
      %mul3A_484 = arith.mulf %get3A_481, %mul3A_483 : vector<16xf32>
      %get3A_485 = arith.index_cast %add3A_426 : i32 to index
      %get3A_486 = arith.constant 48 : index
      %get3A_487 = tpu.vector_load %arg6[%get3A_485, %get3A_486] {strides = array<i32>} : memref<200x128xf32, #tpu.memory_space<vmem>>, vector<1x16xf32>,
      %get3A_488 = vector.shape_cast %get3A_487 : vector<1x16xf32> to vector<16xf32>
      %add3A_489 = arith.addf %mul3A_484, %get3A_488 : vector<16xf32>
      %swap3A_490 = arith.index_cast %add3A_426 : i32 to index
      %swap3A_491 = arith.constant 48 : index
      %swap3A_492 = tpu.vector_load %arg9[%swap3A_490, %swap3A_491] {strides = array<i32>} : memref<200x128xf32, #tpu.memory_space<vmem>>, vector<1x16xf32>,
      %swap3A_493 = vector.shape_cast %swap3A_492 : vector<1x16xf32> to vector<16xf32>
      %swap3A_494 = vector.shape_cast %add3A_489 : vector<16xf32> to vector<1x16xf32>
      tpu.vector_store %arg9[%swap3A_490, %swap3A_491], %swap3A_494 {strides = array<i32>} : memref<200x128xf32, #tpu.memory_space<vmem>>, vector<1x16xf32>,
      %get3A_495 = arith.index_cast %add3A_426 : i32 to index
      %get3A_496 = arith.constant 64 : index
      %get3A_497 = tpu.vector_load %arg9[%get3A_495, %get3A_496] {strides = array<i32>} : memref<200x128xf32, #tpu.memory_space<vmem>>, vector<1x16xf32>,
      %get3A_498 = vector.shape_cast %get3A_497 : vector<1x16xf32> to vector<16xf32>
      %mul3A_499 = arith.constant 11.3137083 : f32
      %mul3A_500 = vector.broadcast %mul3A_499 : f32 to vector<16xf32>
      %mul3A_501 = arith.mulf %get3A_498, %mul3A_500 : vector<16xf32>
      %get3A_502 = arith.index_cast %add3A_426 : i32 to index
      %get3A_503 = arith.constant 64 : index
      %get3A_504 = tpu.vector_load %arg6[%get3A_502, %get3A_503] {strides = array<i32>} : memref<200x128xf32, #tpu.memory_space<vmem>>, vector<1x16xf32>,
      %get3A_505 = vector.shape_cast %get3A_504 : vector<1x16xf32> to vector<16xf32>
      %add3A_506 = arith.addf %mul3A_501, %get3A_505 : vector<16xf32>
      %swap3A_507 = arith.index_cast %add3A_426 : i32 to index
      %swap3A_508 = arith.constant 64 : index
      %swap3A_509 = tpu.vector_load %arg9[%swap3A_507, %swap3A_508] {strides = array<i32>} : memref<200x128xf32, #tpu.memory_space<vmem>>, vector<1x16xf32>,
      %swap3A_510 = vector.shape_cast %swap3A_509 : vector<1x16xf32> to vector<16xf32>
      %swap3A_511 = vector.shape_cast %add3A_506 : vector<16xf32> to vector<1x16xf32>
      tpu.vector_store %arg9[%swap3A_507, %swap3A_508], %swap3A_511 {strides = array<i32>} : memref<200x128xf32, #tpu.memory_space<vmem>>, vector<1x16xf32>,
      %get3A_512 = arith.index_cast %add3A_426 : i32 to index
      %get3A_513 = arith.constant 80 : index
      %get3A_514 = tpu.vector_load %arg9[%get3A_512, %get3A_513] {strides = array<i32>} : memref<200x128xf32, #tpu.memory_space<vmem>>, vector<1x16xf32>,
      %get3A_515 = vector.shape_cast %get3A_514 : vector<1x16xf32> to vector<16xf32>
      %mul3A_516 = arith.constant 11.3137083 : f32
      %mul3A_517 = vector.broadcast %mul3A_516 : f32 to vector<16xf32>
      %mul3A_518 = arith.mulf %get3A_515, %mul3A_517 : vector<16xf32>
      %get3A_519 = arith.index_cast %add3A_426 : i32 to index
      %get3A_520 = arith.constant 80 : index
      %get3A_521 = tpu.vector_load %arg6[%get3A_519, %get3A_520] {strides = array<i32>} : memref<200x128xf32, #tpu.memory_space<vmem>>, vector<1x16xf32>,
      %get3A_522 = vector.shape_cast %get3A_521 : vector<1x16xf32> to vector<16xf32>
      %add3A_523 = arith.addf %mul3A_518, %get3A_522 : vector<16xf32>
      %swap3A_524 = arith.index_cast %add3A_426 : i32 to index
      %swap3A_525 = arith.constant 80 : index
      %swap3A_526 = tpu.vector_load %arg9[%swap3A_524, %swap3A_525] {strides = array<i32>} : memref<200x128xf32, #tpu.memory_space<vmem>>, vector<1x16xf32>,
      %swap3A_527 = vector.shape_cast %swap3A_526 : vector<1x16xf32> to vector<16xf32>
      %swap3A_528 = vector.shape_cast %add3A_523 : vector<16xf32> to vector<1x16xf32>
      tpu.vector_store %arg9[%swap3A_524, %swap3A_525], %swap3A_528 {strides = array<i32>} : memref<200x128xf32, #tpu.memory_space<vmem>>, vector<1x16xf32>,
      %get3A_529 = arith.index_cast %add3A_426 : i32 to index
      %get3A_530 = arith.constant 96 : index
      %get3A_531 = tpu.vector_load %arg9[%get3A_529, %get3A_530] {strides = array<i32>} : memref<200x128xf32, #tpu.memory_space<vmem>>, vector<1x16xf32>,
      %get3A_532 = vector.shape_cast %get3A_531 : vector<1x16xf32> to vector<16xf32>
      %mul3A_533 = arith.constant 11.3137083 : f32
      %mul3A_534 = vector.broadcast %mul3A_533 : f32 to vector<16xf32>
      %mul3A_535 = arith.mulf %get3A_532, %mul3A_534 : vector<16xf32>
      %get3A_536 = arith.index_cast %add3A_426 : i32 to index
      %get3A_537 = arith.constant 96 : index
      %get3A_538 = tpu.vector_load %arg6[%get3A_536, %get3A_537] {strides = array<i32>} : memref<200x128xf32, #tpu.memory_space<vmem>>, vector<1x16xf32>,
      %get3A_539 = vector.shape_cast %get3A_538 : vector<1x16xf32> to vector<16xf32>
      %add3A_540 = arith.addf %mul3A_535, %get3A_539 : vector<16xf32>
      %swap3A_541 = arith.index_cast %add3A_426 : i32 to index
      %swap3A_542 = arith.constant 96 : index
      %swap3A_543 = tpu.vector_load %arg9[%swap3A_541, %swap3A_542] {strides = array<i32>} : memref<200x128xf32, #tpu.memory_space<vmem>>, vector<1x16xf32>,
      %swap3A_544 = vector.shape_cast %swap3A_543 : vector<1x16xf32> to vector<16xf32>
      %swap3A_545 = vector.shape_cast %add3A_540 : vector<16xf32> to vector<1x16xf32>
      tpu.vector_store %arg9[%swap3A_541, %swap3A_542], %swap3A_545 {strides = array<i32>} : memref<200x128xf32, #tpu.memory_space<vmem>>, vector<1x16xf32>,
      %get3A_546 = arith.index_cast %add3A_426 : i32 to index
      %get3A_547 = arith.constant 112 : index
      %get3A_548 = tpu.vector_load %arg9[%get3A_546, %get3A_547] {strides = array<i32>} : memref<200x128xf32, #tpu.memory_space<vmem>>, vector<1x16xf32>,
      %get3A_549 = vector.shape_cast %get3A_548 : vector<1x16xf32> to vector<16xf32>
      %mul3A_550 = arith.constant 11.3137083 : f32
      %mul3A_551 = vector.broadcast %mul3A_550 : f32 to vector<16xf32>
      %mul3A_552 = arith.mulf %get3A_549, %mul3A_551 : vector<16xf32>
      %get3A_553 = arith.index_cast %add3A_426 : i32 to index
      %get3A_554 = arith.constant 112 : index
      %get3A_555 = tpu.vector_load %arg6[%get3A_553, %get3A_554] {strides = array<i32>} : memref<200x128xf32, #tpu.memory_space<vmem>>, vector<1x16xf32>,
      %get3A_556 = vector.shape_cast %get3A_555 : vector<1x16xf32> to vector<16xf32>
      %add3A_557 = arith.addf %mul3A_552, %get3A_556 : vector<16xf32>
      %swap3A_558 = arith.index_cast %add3A_426 : i32 to index
      %swap3A_559 = arith.constant 112 : index
      %swap3A_560 = tpu.vector_load %arg9[%swap3A_558, %swap3A_559] {strides = array<i32>} : memref<200x128xf32, #tpu.memory_space<vmem>>, vector<1x16xf32>,
      %swap3A_561 = vector.shape_cast %swap3A_560 : vector<1x16xf32> to vector<16xf32>
      %swap3A_562 = vector.shape_cast %add3A_557 : vector<16xf32> to vector<1x16xf32>
      tpu.vector_store %arg9[%swap3A_558, %swap3A_559], %swap3A_562 {strides = array<i32>} : memref<200x128xf32, #tpu.memory_space<vmem>>, vector<1x16xf32>,
    }
    %scan3A_244 = arith.constant 48 : i32
    %add3A_245 = arith.constant 104 : i32
    %add3A_246 = arith.addi %multiple_of3A_228, %add3A_245 : i32
    %dma_start3A_247 = arith.constant 104 : i32
    %dma_start3A_248 = arith.constant 0 : i32
    %dma_start3A_249 = tpu.memref_slice %arg9[%dma_start3A_247, %dma_start3A_248] : memref<200x128xf32, #tpu.memory_space<vmem>> -> memref<96x128xf32, #tpu.memory_space<vmem>>
    %dma_start3A_250 = arith.constant 0 : i32
    %dma_start3A_251 = tpu.memref_slice %arg5[%add3A_246, %dma_start3A_250] : memref<204800x128xf32, #tpu.memory_space<hbm>> -> memref<96x128xf32, #tpu.memory_space<hbm>>
    %dma_start3A_252 = arith.constant 0 : i32
    %dma_start3A_253 = tpu.memref_slice %arg5[%add3A_246, %dma_start3A_252] : memref<204800x128xf32, #tpu.memory_space<hbm>> -> memref<96x128xf32, #tpu.memory_space<hbm>>
    %dma_start3A_254 = arith.constant 104 : i32
    %dma_start3A_255 = arith.constant 0 : i32
    %dma_start3A_256 = tpu.memref_slice %arg9[%dma_start3A_254, %dma_start3A_255] : memref<200x128xf32, #tpu.memory_space<vmem>> -> memref<96x128xf32, #tpu.memory_space<vmem>>
    tpu.enqueue_dma source(%dma_start3A_256 : memref<96x128xf32, #tpu.memory_space<vmem>>) target(%dma_start3A_253 : memref<96x128xf32, #tpu.memory_space<hbm>>) target_semaphore(%arg15 : memref<!tpu.dma_semaphore, #tpu.memory_space<semaphore_mem>>)
    %add3A_257 = arith.constant 6000 : i32
    %add3A_258 = arith.addi %mul3A_2, %add3A_257 : i32
    %multiple_of3A_259 = tpu.assume_multiple %add3A_258, 8 : i32
    %dma_wait3A_260 = arith.constant 0 : i32
    %dma_wait3A_261 = tpu.memref_slice %arg5[%multiple_of3A_259, %dma_wait3A_260] : memref<204800x128xf32, #tpu.memory_space<hbm>> -> memref<200x128xf32, #tpu.memory_space<hbm>>
    %dma_wait3A_262 = arith.constant 0 : i32
    %dma_wait3A_263 = tpu.memref_slice %arg5[%multiple_of3A_259, %dma_wait3A_262] : memref<204800x128xf32, #tpu.memory_space<hbm>> -> memref<200x128xf32, #tpu.memory_space<hbm>>
    tpu.wait_dma2 semaphore(%arg14 : memref<!tpu.dma_semaphore, #tpu.memory_space<semaphore_mem>>) src(%arg8 : memref<200x128xf32, #tpu.memory_space<vmem>>) dst(%dma_wait3A_263 : memref<200x128xf32, #tpu.memory_space<hbm>>)
    %dma_wait3A_264 = arith.constant 0 : i32
    %dma_wait3A_265 = arith.constant 0 : i32
    %dma_wait3A_266 = tpu.memref_slice %arg9[%dma_wait3A_264, %dma_wait3A_265] : memref<200x128xf32, #tpu.memory_space<vmem>> -> memref<104x128xf32, #tpu.memory_space<vmem>>
    %dma_wait3A_267 = arith.constant 0 : i32
    %dma_wait3A_268 = tpu.memref_slice %arg5[%multiple_of3A_228, %dma_wait3A_267] : memref<204800x128xf32, #tpu.memory_space<hbm>> -> memref<104x128xf32, #tpu.memory_space<hbm>>
    %dma_wait3A_269 = arith.constant 0 : i32
    %dma_wait3A_270 = tpu.memref_slice %arg5[%multiple_of3A_228, %dma_wait3A_269] : memref<204800x128xf32, #tpu.memory_space<hbm>> -> memref<104x128xf32, #tpu.memory_space<hbm>>
    %dma_wait3A_271 = arith.constant 0 : i32
    %dma_wait3A_272 = arith.constant 0 : i32
    %dma_wait3A_273 = tpu.memref_slice %arg9[%dma_wait3A_271, %dma_wait3A_272] : memref<200x128xf32, #tpu.memory_space<vmem>> -> memref<104x128xf32, #tpu.memory_space<vmem>>
    tpu.wait_dma2 semaphore(%arg15 : memref<!tpu.dma_semaphore, #tpu.memory_space<semaphore_mem>>) src(%dma_wait3A_273 : memref<104x128xf32, #tpu.memory_space<vmem>>) dst(%dma_wait3A_270 : memref<104x128xf32, #tpu.memory_space<hbm>>)
    %dma_wait3A_274 = arith.constant 104 : i32
    %dma_wait3A_275 = arith.constant 0 : i32
    %dma_wait3A_276 = tpu.memref_slice %arg9[%dma_wait3A_274, %dma_wait3A_275] : memref<200x128xf32, #tpu.memory_space<vmem>> -> memref<96x128xf32, #tpu.memory_space<vmem>>
    %dma_wait3A_277 = arith.constant 0 : i32
    %dma_wait3A_278 = tpu.memref_slice %arg5[%add3A_246, %dma_wait3A_277] : memref<204800x128xf32, #tpu.memory_space<hbm>> -> memref<96x128xf32, #tpu.memory_space<hbm>>
    %dma_wait3A_279 = arith.constant 0 : i32
    %dma_wait3A_280 = tpu.memref_slice %arg5[%add3A_246, %dma_wait3A_279] : memref<204800x128xf32, #tpu.memory_space<hbm>> -> memref<96x128xf32, #tpu.memory_space<hbm>>
    %dma_wait3A_281 = arith.constant 104 : i32
    %dma_wait3A_282 = arith.constant 0 : i32
    %dma_wait3A_283 = tpu.memref_slice %arg9[%dma_wait3A_281, %dma_wait3A_282] : memref<200x128xf32, #tpu.memory_space<vmem>> -> memref<96x128xf32, #tpu.memory_space<vmem>>
    tpu.wait_dma2 semaphore(%arg15 : memref<!tpu.dma_semaphore, #tpu.memory_space<semaphore_mem>>) src(%dma_wait3A_283 : memref<96x128xf32, #tpu.memory_space<vmem>>) dst(%dma_wait3A_280 : memref<96x128xf32, #tpu.memory_space<hbm>>)
    return
  }
}

</mosaic_0001>

<sc_bundles>
// kernel: _emb.3.cloned.1.call-start
scs
__scs_entry_jumppad:
0x0: {  	(pc) =	sbr.rel $0x88, $3  }
0x1: {  	(tag) =	ssettag $0x0;
	lr =	simm.s32 $0x1  }
0x2: {  	[smem:$0x3F9E] =	sst lr;
	_ =	strace $0xD0000000  }
0x3: {  	_ = 	snop  }
0x4: {  	_ = 	snop  }
0x5: {  	_ = 	snop  }
0x6: {  	_ = 	snop  }
0x7: {  	_ = 	snop  }
__scs_overlays_trampoline_lowered:
0x8: {  	[smem:$0x3FAD] =	sst s0  }
0x9: {  	[smem:$0x3FAE] =	sst s1  }
0xa: {  	[smem:$0x3FAF] =	sst s2  }
0xb: {  	[smem:$0x3FB0] =	sst s3  }
0xc: {  	[smem:$0x3FB1] =	sst s4  }
0xd: {  	[smem:$0x3FB2] =	sst s5  }
0xe: {  	[smem:$0x3FB3] =	sst s6  }
0xf: {  	[smem:$0x3FB4] =	sst s7  }
0x10: {  	[smem:$0x3FB5] =	sst s8  }
0x11: {  	[smem:$0x3FB6] =	sst s9;
	s0 =	simm.s32 @!p0 $0x0  }
0x12: {  	s1 =	sld [smem:$0x3F9C];
	s0 =	simm.s32 @p0 $0x1  }
0x13: {  	[smem:$0x3FB7] =	sst s0;
	s0 =	simm.s32 @!p1 $0x0  }
0x14: {  	s2 =	sld [smem:$0x3F9B];
	s0 =	simm.s32 @p1 $0x1  }
0x15: {  	[smem:$0x3FB8] =	sst s0;
	s0 =	simm.s32 @!p2 $0x0  }
0x16: {  	s3 =	sld [smem:$0x3FDB];
	s0 =	simm.s32 @p2 $0x1  }
0x17: {  	s4 =	simm.s32 $0x1BF5;
	[smem:$0x3FBA] =	sst s0  }
0x18: {  	s0 =	sld [smem:$0x3F9D];
	_ =	swait.ge [sflag:s4], $0x0  }
0x19: {  	s7 =	sld [smem:$0x3F9E]  }
0x1a: {  	s8 =	sadd.s32 $0xFFFFE003, lr  }
0x1b: {  	s9 =	sadd.s32 $0xFFFFFEF7, lr;
	s5 =	simm.s32 $0xFFFFFFFF;
	p2 =	slt.u32 s8, $0xFFFFF086  }
0x1c: {  	p1 =	slt.u32 s9, $0xF7A;
	s5 =	simm.s32 @!p2 $0x0  }
0x1d: {  	s5 =	simm.s32 @p1 $0x1;
	p0 =	seq.s32 s7, s2  }
0x1e: {  	s7 =	smul.u32 @!p0 $0xF7A, s2;
	p2 =	seq.s32 @!p0 s5, $0x0  }
0x1f: {  	s9 =	smul.u32 $0xF7A, s1;
	s8 =	simm.s32 @!p0 $0x1BF5;
	p2 =	por !p2, p0  }
0x20: {  	[sflag:s8] =	ssyncset.s32 @!p0 $0xFFFFF086;
	s6 =	sadd.s32 @!p0 s3, s7;
	s7 =	simm.s32 @!p0 $0x108  }
0x21: {  	s3 =	sadd.s32 s3, s9;
	s6 =	sadd.s32 @!p0 $0x88, s6;
	s7 =	simm.s32 @p2 $0x1082  }
0x22: {  	[simem:s7], [sflag:s8] =	dma.local @!p0 [hbm:s6], $0xF7A  }
0x23: {  	s9 =	sor.u32 $0xD0000000, s2;
	s6 =	simm.s32 $0x108;
	_ =	swait.ge @!p0 [sflag:s8], $0x0  }
0x24: {  	s3 =	sadd.s32 $0x88, s3;
	s6 =	simm.s32 @!p1 $0x1082;
	[sflag:s4] =	ssyncset.s32 $0xFFFFF086  }
0x25: {  	[simem:s6], [sflag:s4] =	dma.local [hbm:s3], $0xF7A  }
0x26: {  	[smem:$0x3F9E] =	sst s1;
	(tag) =	ssettag s2;
	_ =	strace s9  }
0x27: {  	s1 =	sld [smem:$0x3FAE]  }
0x28: {  	s2 =	sld [smem:$0x3FAF]  }
0x29: {  	s4 =	sld [smem:$0x3FB1]  }
0x2a: {  	p0 =	seq.s32 s5, $0x0;
	s5 =	sld [smem:$0x3FB2]  }
0x2b: {  	s6 =	sld [smem:$0x3FB3]  }
0x2c: {  	s7 =	sld [smem:$0x3FB4]  }
0x2d: {  	s3 =	simm.s32 $0x108;
	s8 =	sld [smem:$0x3FB5]  }
0x2e: {  	s3 =	simm.s32 @!p0 $0x1082;
	s9 =	sld [smem:$0x3FB6]  }
0x2f: {  	lr =	sadd.s32 s0, s3;
	s0 =	sld [smem:$0x3FAD]  }
0x30: {  	s3 =	sld [smem:$0x3FB0]  }
0x31: {  	[smem:$0x3FB9] =	sst s10  }
0x32: {  	s10 =	sld [smem:$0x3FB7];
	_ =	sdelay $0x3  }
0x33: {  	p0 =	seq.s32 s10, $0x1;
	s10 =	sld [smem:$0x3FB9];
	_ =	sdelay $0x3  }
0x34: {  	[smem:$0x3FB9] =	sst s10  }
0x35: {  	s10 =	sld [smem:$0x3FB8];
	_ =	sdelay $0x3  }
0x36: {  	p1 =	seq.s32 s10, $0x1;
	s10 =	sld [smem:$0x3FB9];
	_ =	sdelay $0x3  }
0x37: {  	[smem:$0x3FB9] =	sst s10  }
0x38: {  	s10 =	sld [smem:$0x3FBA]  }
0x39: {  	_ = 	snop;
	(pc) =	sbr.ind lr, $3  }
0x3a: {  	_ = 	snop  }
0x3b: {  	_ = 	snop  }
0x3c: {  	p2 =	seq.s32 s10, $0x1;
	s10 =	sld [smem:$0x3FB9]  }
0x3d: {  	_ =	shalt  }
0x3e: {  	_ =	shalt  }
0x3f: {  	_ =	shalt  }
0x40: {  	_ =	shalt  }
0x41: {  	_ =	shalt  }
0x42: {  	_ =	shalt  }
0x43: {  	_ =	shalt  }
0x44: {  	_ =	shalt  }
0x45: {  	_ =	shalt  }
0x46: {  	_ =	shalt  }
0x47: {  	_ =	shalt  }
0x48: {  	_ =	shalt  }
0x49: {  	_ =	shalt  }
0x4a: {  	_ =	shalt  }
0x4b: {  	_ =	shalt  }
0x4c: {  	_ =	shalt  }
0x4d: {  	_ =	shalt  }
0x4e: {  	_ =	shalt  }
0x4f: {  	_ =	shalt  }
0x50: {  	_ =	shalt  }
0x51: {  	_ =	shalt  }
0x52: {  	_ =	shalt  }
0x53: {  	_ =	shalt  }
0x54: {  	_ =	shalt  }
0x55: {  	_ =	shalt  }
0x56: {  	_ =	shalt  }
0x57: {  	_ =	shalt  }
0x58: {  	_ =	shalt  }
0x59: {  	_ =	shalt  }
0x5a: {  	_ =	shalt  }
0x5b: {  	_ =	shalt  }
0x5c: {  	_ =	shalt  }
0x5d: {  	_ =	shalt  }
0x5e: {  	_ =	shalt  }
0x5f: {  	_ =	shalt  }
0x60: {  	_ =	shalt  }
0x61: {  	_ =	shalt  }
0x62: {  	_ =	shalt  }
0x63: {  	_ =	shalt  }
0x64: {  	_ =	shalt  }
0x65: {  	_ =	shalt  }
0x66: {  	_ =	shalt  }
0x67: {  	_ =	shalt  }
0x68: {  	_ =	shalt  }
0x69: {  	_ =	shalt  }
0x6a: {  	_ =	shalt  }
0x6b: {  	_ =	shalt  }
0x6c: {  	_ =	shalt  }
0x6d: {  	_ =	shalt  }
0x6e: {  	_ =	shalt  }
0x6f: {  	_ =	shalt  }
0x70: {  	_ =	shalt  }
0x71: {  	_ =	shalt  }
0x72: {  	_ =	shalt  }
0x73: {  	_ =	shalt  }
0x74: {  	_ =	shalt  }
0x75: {  	_ =	shalt  }
0x76: {  	_ =	shalt  }
0x77: {  	_ =	shalt  }
0x78: {  	_ =	shalt  }
0x79: {  	_ =	shalt  }
0x7a: {  	_ =	shalt  }
0x7b: {  	_ =	shalt  }
0x7c: {  	_ =	shalt  }
0x7d: {  	_ =	shalt  }
0x7e: {  	_ =	shalt  }
0x7f: {  	_ =	shalt  }
0x80: {  	_ =	shalt  }
0x81: {  	_ =	shalt  }
0x82: {  	_ =	shalt  }
0x83: {  	_ =	shalt  }
0x84: {  	_ =	shalt  }
0x85: {  	_ =	shalt  }
0x86: {  	_ =	shalt  }
0x87: {  	_ =	shalt  }
.Lfunc_end0:
.L_simem_size_0:
called_computation_lowered:
.L_overlay_start_0:
0x88: {  	s2 =	sld [smem:$0x3FD9]  }
0x89: {  	s3 =	sld [smem:$0x3FFE];
	_ =	sdelay $0x1  }
0x8a: {  	s1 =	srdreg.scid  }
0x8b: {  	s0 =	sand.u32 $0x1, s1  }
0x8c: {  	s18 =	sshll.u32 s0, $0xA;
	s2 =	sadd.s32 s3, s2  }
0x8d: {  	s2 =	sadd.s32 s2, s18  }
0x8e: {  	[smem:$0x3FC5] =	sst s2  }
0x8f: {  	_ = 	snop  }
0x90: {  	s2 =	sld [smem:$0x3FC9]  }
0x91: {  	s19 =	sld [smem:$0x3FC8]  }
0x92: {  	s4 =	sld [smem:$0x3FC7]  }
0x93: {  	s5 =	sld [smem:$0x3FD0];
	(tm) =	ssettm $0x1  }
0x94: {  	s6 =	sld [smem:$0x3FFB];
	_ =	sdelay $0x3  }
0x95: {  	_ =	strace s6  }
0x96: {  	s6 =	sld [smem:$0x3FFC];
	_ =	sdelay $0x3  }
0x97: {  	_ =	strace s6  }
0x98: {  	s6 =	sld [smem:$0x3FFD];
	_ =	sdelay $0x3  }
0x99: {  	_ =	strace s6  }
0x9a: {  	_ =	strace $0x8FFFFFFF  }
0x9b: {  	s20 =	sld [smem:$0x3FDB];
	_ =	sdelay $0x1  }
0x9c: {  	s7 =	simm.s32 $_scs_section_size  }
0x9d: {  	s8 =	simm.s32 $_size__tile_overlayer_lowered;
	s9 =	simm.s32 $_tile_overlayer_lowered  }
0x9e: {  	s23 =	simm.s32 $0x1BFF;
	s22 =	sshll.u32 s9, $0x1;
	s6 =	sadd.s32 s7, s20  }
0x9f: {  	s10 =	simm.s32 $0x0;
	s21 =	sshll.u32 s8, $0x1;
	s8 =	sadd.s32 s22, s6  }
0xa0: {  	[timem:s10], [sflag:s23] =	dma.local [hbm:s8], s21  }
0xa1: {  	_ =	swait.ge [sflag:s23], s21  }
0xa2: {  	s7 =	ssub.s32 $0x0, s21;
	[sflag:s23] =	ssyncset.done $0x0  }
0xa3: {  	[sflag:s23] =	ssyncadd.s32 s7;
	_ =	sdelay $0x1  }
0xa4: {  	s24 =	simm.s32 $0x1B8B  }
0xa5: {  	_ =	swait.ge [sflag:s24], $0x1  }
0xa6: {  	[sflag:s24] =	ssyncset.done $0x0  }
0xa7: {  	s25 =	simm.s32 $0x1B8E;
	[sflag:s24] =	ssyncadd.s32 $0xFFFFFFFF  }
0xa8: {  	s26 =	simm.s32 $execute0_lowered;
	[smem:$0x3FD2] =	sst s25  }
0xa9: {  	s7 =	sshll.u32 s26, $0x1;
	_ =	strace $0x80000046;
	[dreg:$0x1] =	wrdreg $0xFFFFFFFF  }
0xaa: {  	s28 =	simm.s32 $_size_execute0_lowered;
	s6 =	sadd.s32 s6, s7;
	[dreg:$0x0] =	wrdreg $0x0  }
0xab: {  	s7 =	sshll.u32 s28, $0x1;
	[dreg:$0x2] =	wrdreg s6  }
0xac: {  	[dreg:$0x3] =	wrdreg s7  }
0xad: {  	[dreg:$0x4] =	wrdreg $0xC0  }
0xae: {  	_ =	task [dreg:s10], $0x5FFFF  }
0xaf: {  	[dreg:$0x1] =	wrdreg $0xFFFFFFFF  }
0xb0: {  	[dreg:$0x0] =	wrdreg $0x60  }
0xb1: {  	[dreg:$0x2] =	wrdreg s2  }
0xb2: {  	[dreg:$0x3] =	wrdreg s19  }
0xb3: {  	[dreg:$0x4] =	wrdreg s4  }
0xb4: {  	[dreg:$0x5] =	wrdreg s5  }
0xb5: {  	[dreg:$0x6] =	wrdreg $0x9  }
0xb6: {  	_ =	task.clear_ibuf [dreg:s10], $0x7FFFF;
	_ =	strace $0x90000046  }
0xb7: {  	s29 =	simm.s32 $0x9;
	_ =	strace $0x80000048  }
0xb8: {  	_ =	swait.ge [sflag:s29], $0x1  }
0xb9: {  	[sflag:s29] =	ssyncadd.s32 $0xFFFFFFFF  }
0xba: {  	_ =	strace $0x90000048  }
0xbb: {  	_ =	sfence  }
0xbc: {  	s30 =	sld [smem:$0x0];
	_ =	sdelay $0x2  }
0xbd: {  	s31 =	sshll.u32 s1, $0xD;
	s1 =	sshrl.u32 s1, $0x2  }
0xbe: {  	s3 =	sand.u32 $0x4000, s31;
	s1 =	sadd.s32 s1, s30  }
0xbf: {  	s0 =	sor.u32 s3, s0;
	s1 =	sshll.u32 s1, $0x11  }
0xc0: {  	s0 =	sor.u32 s1, s0  }
0xc1: {  	s0 =	sadd.s32 $0x8F2B, s0  }
0xc2: {  	[sflag:s0] =	ssyncadd.remote.s32 $0x1  }
0xc3: {  	_ =	sfence.sel $0xFFFF  }
0xc4: {  	[dreg:$0x0] =	wrdreg $0xFFFFFFFF;
	(pc) =	sbr.abs _section_cstart, $3  }
0xc5: {  	[dreg:$0x1] =	wrdreg $0xFFFFFFFF  }
0xc6: {  	_ =	task.clear_ibuf [dreg:s10], $0x2FFFF;
	_ =	strace $0x9FFFFFFF  }
0xc7: {  	(tm) =	ssettm $0x7FFFFFFF  }
tec
execute0_lowered:
.L_overlay_start_1:
0x0: {  	(tag) =	ssettag $0x1  }
0x1: {  	s0 =	rddreg [dreg:$0x0]  }
0x2: {  	s1 =	rddreg [dreg:$0x1];
	s2 =	srdreg.scid  }
0x3: {  	s3 =	stileid.u32;
	s4 =	rddreg [dreg:$0x3]  }
0x4: {  	s5 =	simm.s32 $0x0;
	s14 =	simm.s32 $0x28;
	s15 =	simm.s32 $0x7D00  }
0x5: {  	s17 =	simm.s32 $0x9100;
	s19 =	simm.s32 $0xA500;
	s21 =	simm.s32 $0xB900  }
0x6: {  	s23 =	simm.s32 $0xCD00;
	s10 =	simm.s32 $0x6;
	s28 =	simm.s32 $0x10900  }
0x7: {  	s29 =	simm.s32 $0x11D00;
	s30 =	simm.s32 $0x13100;
	s31 =	simm.s32 $0x1  }
0x8: {  	s16 =	simm.s32 $0x18100;
	s2 =	sand.u32 $0x1, s2;
	s3 =	sshll.u32 s3, $0x1  }
0x9: {  	s18 =	simm.s32 $0x19500;
	s20 =	simm.s32 $0x2;
	s3 =	sor.u32 s2, s3  }
0xa: {  	s22 =	simm.s32 $0x4;
	s12 =	simm.s32 $0x3;
	s6 =	smul.u32 $0x1900, s3  }
0xb: {  	[smem:$0x7FF] =	sst s5;
	s2 =	ssub.s32 $0x2, s2;
	s7 =	smul.u32 $0xC8000, s3  }
0xc: {  	_ =	strace $0x80000047;
	s8 =	sshrl.u32 s2, $0x1;
	s3 =	smul.u32 $0x19000, s3  }
0xd: {  	s2 =	ssub.s32 s2, s8;
	s8 =	simm.s32 $0x0;
	s24 =	sshrl.u32 s6, $0x3  }
0xe: {  	s7 =	sshrl.u32 s7, $0x3;
	s3 =	sadd.s32 s3, s4;
	s26 =	smax.u32 s2, $0x1  }
0xf: {  	s2 =	simm.s32 $0x14500;
	s0 =	sadd.s32 s0, s24;
	[dreg:$0x9] =	wrdreg s26  }
0x10: {  	s25 =	sadd.s32 s4, s7;
	s3 =	sadd.s32 $0x18380, s3;
	[dreg:$0x5] =	wrdreg s0  }
0x11: {  	s26 =	simm.s32 $0xF500;
	s7 =	sadd.s32 $0x17700, s25;
	[dreg:$0x7] =	wrdreg s3  }
0x12: {  	s0 =	sadd.s32 $0x18A00, s25;
	s25 =	simm.s32 $0xE100;
	[dreg:$0x6] =	wrdreg s7  }
0x13: {  	s3 =	simm.s32 $0x16D00;
	[dreg:$0x8] =	wrdreg s0;
	s0 =	simm.s32 $0x15900  }
.LBB2_1:
0x14: {  	[dreg:$0xa] =	wrdreg s8  }
0x15: {  	s7 =	rddreg [dreg:$0x5];
	s13 =	simm.s32 $0x6400;
	s24 =	simm.s32 $0x7  }
0x16: {  	[tilespmem:s13], [sflag:$0x7] =	stream.linear.gather [hbm4b:s7+s5], $0x1900, $0x38;
	[tilespmem:$0x1A900] =	vst v63  }
0x17: {  	_ =	swait.ge [sflag:s24], $0x1900  }
0x18: {  	[sflag:s24] =	ssyncset.done $0x0  }
0x19: {  	[sflag:s24] =	ssyncadd.s32 $0xFFFFE700  }
0x1a: {  	s7 =	rddreg [dreg:$0x2]  }
0x1b: {  	[tilespmem:s5], [sflag:$0x6] =	stream.linear.gather [hbm4b:s7+s5], $0x6400, $0x38;
	[tilespmem:$0x1A900] =	vst v63  }
0x1c: {  	_ = 	snop  }
0x1d: {  	[tilespmem:s15], [sflag:$0x1] =	stream.indirect.gather [hbm4b:s1+s14], $0x80, s13, s14, $0xb8;
	[tilespmem:$0x1A900] =	vst v63  }
0x1e: {  	s9 =	simm.s32 $0x6428  }
0x1f: {  	[tilespmem:s17], [sflag:$0x1] =	stream.indirect.gather [hbm4b:s1+s14], $0x80, s9, s14, $0xb8;
	[tilespmem:$0x1A900] =	vst v63  }
0x20: {  	s11 =	simm.s32 $0x6450  }
0x21: {  	[tilespmem:s19], [sflag:$0x1] =	stream.indirect.gather [hbm4b:s1+s14], $0x80, s11, s14, $0xb8;
	[tilespmem:$0x1A900] =	vst v63  }
0x22: {  	s13 =	simm.s32 $0x6478  }
0x23: {  	[tilespmem:s21], [sflag:$0x1] =	stream.indirect.gather [hbm4b:s1+s14], $0x80, s13, s14, $0xb8;
	[tilespmem:$0x1A900] =	vst v63  }
0x24: {  	s24 =	simm.s32 $0x64A0  }
0x25: {  	[tilespmem:s23], [sflag:$0x1] =	stream.indirect.gather [hbm4b:s1+s14], $0x80, s24, s14, $0xb8;
	[tilespmem:$0x1A900] =	vst v63  }
0x26: {  	_ =	swait.ge [sflag:s10], $0x6400  }
0x27: {  	[sflag:s10] =	ssyncset.done $0x0  }
0x28: {  	s9 =	simm.s32 $0x0;
	[sflag:s10] =	ssyncadd.s32 $0xFFFF9C00  }
.LBB2_2:
0x29: {  	p0 =	seq.s32 s9, $0x0  }
0x2a: {  	s7 =	simm.s32 @!p0 $0x5  }
0x2b: {  	s10 =	smul.u32 $0x258, s9;
	_ =	swait.ge @!p0 [sflag:s7], $0x6400  }
0x2c: {  	[sflag:s7] =	ssyncset.done @!p0 $0x0  }
0x2d: {  	s24 =	sadd.s32 $0x64C8, s10;
	[sflag:s7] =	ssyncadd.s32 @!p0 $0xFFFF9C00  }
0x2e: {  	[tilespmem:s25], [sflag:$0x2] =	stream.indirect.gather [hbm4b:s1+s14], $0x80, s24, s14, $0xb8;
	[tilespmem:$0x1A900] =	vst v63  }
0x2f: {  	s8 =	sadd.s32 $0x64F0, s10  }
0x30: {  	[tilespmem:s26], [sflag:$0x2] =	stream.indirect.gather [hbm4b:s1+s14], $0x80, s8, s14, $0xb8;
	[tilespmem:$0x1A900] =	vst v63  }
0x31: {  	s11 =	sadd.s32 $0x6518, s10  }
0x32: {  	[tilespmem:s28], [sflag:$0x2] =	stream.indirect.gather [hbm4b:s1+s14], $0x80, s11, s14, $0xb8;
	[tilespmem:$0x1A900] =	vst v63  }
0x33: {  	s13 =	sadd.s32 $0x6540, s10  }
0x34: {  	[tilespmem:s29], [sflag:$0x2] =	stream.indirect.gather [hbm4b:s1+s14], $0x80, s13, s14, $0xb8;
	[tilespmem:$0x1A900] =	vst v63  }
0x35: {  	s24 =	sadd.s32 $0x6568, s10  }
0x36: {  	[tilespmem:s30], [sflag:$0x2] =	stream.indirect.gather [hbm4b:s1+s14], $0x80, s24, s14, $0xb8;
	[tilespmem:$0x1A900] =	vst v63  }
0x37: {  	_ =	swait.ge [sflag:s31], $0x1400  }
0x38: {  	[sflag:s31] =	ssyncset.done $0x0  }
0x39: {  	[sflag:s31] =	ssyncadd.s32 $0xFFFFEC00  }
0x3a: {  	_ =	swait.ge [sflag:s31], $0x1400  }
0x3b: {  	[sflag:s31] =	ssyncset.done $0x0  }
0x3c: {  	[sflag:s31] =	ssyncadd.s32 $0xFFFFEC00  }
0x3d: {  	_ =	swait.ge [sflag:s31], $0x1400  }
0x3e: {  	[sflag:s31] =	ssyncset.done $0x0  }
0x3f: {  	[sflag:s31] =	ssyncadd.s32 $0xFFFFEC00  }
0x40: {  	_ =	swait.ge [sflag:s31], $0x1400  }
0x41: {  	[sflag:s31] =	ssyncset.done $0x0  }
0x42: {  	[sflag:s31] =	ssyncadd.s32 $0xFFFFEC00  }
0x43: {  	_ =	swait.ge [sflag:s31], $0x1400  }
0x44: {  	[sflag:s31] =	ssyncset.done $0x0  }
0x45: {  	s13 =	simm.s32 $0xF0;
	[sflag:s31] =	ssyncadd.s32 $0xFFFFEC00  }
0x46: {  	v6 =	vld [tilespmem:s13+$0xFFFFFF10]  }
0x47: {  	v7 =	vld [tilespmem:s13+$0xFFFFFF20]  }
0x48: {  	v8 =	vld [tilespmem:s13+$0xFFFFFF30]  }
0x49: {  	v9 =	vld [tilespmem:s13+$0xFFFFFF40]  }
0x4a: {  	v10 =	vld [tilespmem:s13+$0xFFFFFF50]  }
0x4b: {  	v11 =	vld [tilespmem:s13+$0xFFFFFF60]  }
0x4c: {  	v12 =	vld [tilespmem:s13+$0xFFFFFF70]  }
0x4d: {  	v14 =	vld [tilespmem:s13+$0xFFFFFF80]  }
0x4e: {  	v5 =	vld [tilespmem:s13+$0xFFFFFF90]  }
0x4f: {  	v4 =	vld [tilespmem:s13+$0xFFFFFFA0]  }
0x50: {  	v3 =	vld [tilespmem:s13+$0xFFFFFFB0]  }
0x51: {  	v2 =	vld [tilespmem:s13+$0xFFFFFFC0]  }
0x52: {  	v1 =	vld [tilespmem:s13+$0xFFFFFFD0]  }
0x53: {  	v15 =	vld [tilespmem:s13+$0x7C20]  }
0x54: {  	v13 =	vld [tilespmem:s13+$0x7C10]  }
0x55: {  	v16 =	vld [tilespmem:s13+$0x7C30]  }
0x56: {  	v0 =	vld [tilespmem:s13+$0xFFFFFFE0]  }
0x57: {  	v18 =	vld [tilespmem:s13+$0x7C50]  }
0x58: {  	v17 =	vld [tilespmem:s13+$0x7C40];
	v15 =	vmul.f32 $1.131370830e+01, v15  }
0x59: {  	v19 =	vld [tilespmem:s13+$0x7C60];
	v13 =	vmul.f32 $1.131370830e+01, v13  }
0x5a: {  	v20 =	vld [tilespmem:s13+$0x7C70];
	v7 =	vadd.f32 v7, v15;
	v15 =	vmul.f32 $1.131370830e+01, v16  }
0x5b: {  	v6 =	vadd.f32 v6, v13;
	v13 =	vld [tilespmem:s13+$0x7C80]  }
0x5c: {  	v21 =	vld [tilespmem:s13+$0x7C90];
	v8 =	vadd.f32 v8, v15;
	v15 =	vmul.f32 $1.131370830e+01, v18  }
0x5d: {  	v62 =	vld [tilespmem:s13+$0x7CA0];
	v17 =	vmul.f32 $1.131370830e+01, v17;
	[tilespmem:s13+$0x7C10] =	vst v6  }
0x5e: {  	v63 =	vmul.f32 $1.131370830e+01, v19;
	[tilespmem:s13+$0x7C20] =	vst v7;
	v6 =	vld [tilespmem:s13+$0x7CB0];
	v10 =	vadd.f32 v10, v15  }
0x5f: {  	v9 =	vadd.f32 v9, v17;
	v7 =	vld [tilespmem:s13+$0x7CC0];
	[tilespmem:s13+$0x7C30] =	vst v8;
	v15 =	vmul.f32 $1.131370830e+01, v20  }
0x60: {  	v11 =	vadd.f32 v11, v63;
	v8 =	vld [tilespmem:s13+$0x7CD0];
	[tilespmem:s13+$0x7C50] =	vst v10;
	v10 =	vmul.f32 $1.131370830e+01, v13  }
0x61: {  	[tilespmem:s13+$0x7C40] =	vst v9;
	v9 =	vld [tilespmem:s13+$0x7CE0];
	v12 =	vadd.f32 v12, v15;
	v13 =	vmul.f32 $1.131370830e+01, v21  }
0x62: {  	s11 =	sadd.s32 $0xC8, s10;
	s24 =	simm.s32 $0x7C0;
	[tilespmem:s13+$0x7C60] =	vst v11;
	v11 =	vmul.f32 $1.131370830e+01, v62;
	v14 =	vadd.f32 v14, v10;
	v10 =	vld [tilespmem:s13+$0x7CF0]  }
.LBB2_3:
0x63: {  	p1 =	sne.s32 s24, $0x18FC0;
	[tilespmem:s13+$0x7C70] =	vst v12;
	v5 =	vadd.f32 v5, v13;
	v6 =	vmul.f32 $1.131370830e+01, v6;
	v12 =	vld [tilespmem:s13+$0x7D00]  }
0x64: {  	[tilespmem:s13+$0x7C80] =	vst v14;
	v4 =	vadd.f32 v4, v11;
	v7 =	vmul.f32 $1.131370830e+01, v7;
	v11 =	vld [tilespmem:s13+$0xFFFFFFF0]  }
0x65: {  	s7 =	sshra.s32 s24, $0x2;
	[tilespmem:s13+$0x7C90] =	vst v5;
	v3 =	vadd.f32 v3, v6;
	v5 =	vmul.f32 $1.131370830e+01, v8;
	v6 =	vld [tilespmem:s13+$0x0]  }
0x66: {  	v8 =	vld [tilespmem:s7+$0xFFFFFF10];
	[tilespmem:s13+$0x7CA0] =	vst v4;
	v2 =	vadd.f32 v2, v7;
	v4 =	vmul.f32 $1.131370830e+01, v9  }
0x67: {  	v7 =	vld [tilespmem:s7+$0xFFFFFF20];
	[tilespmem:s13+$0x7CB0] =	vst v3;
	v1 =	vadd.f32 v1, v5;
	v3 =	vmul.f32 $1.131370830e+01, v10  }
0x68: {  	v9 =	vld [tilespmem:s7+$0xFFFFFF30];
	[tilespmem:s13+$0x7CC0] =	vst v2;
	v0 =	vadd.f32 v0, v4;
	v2 =	vmul.f32 $1.131370830e+01, v12  }
0x69: {  	v10 =	vld [tilespmem:s7+$0xFFFFFF40];
	[tilespmem:s13+$0x7CD0] =	vst v1;
	v1 =	vadd.f32 v11, v3  }
0x6a: {  	v11 =	vld [tilespmem:s7+$0xFFFFFF50];
	[tilespmem:s13+$0x7CE0] =	vst v0;
	v0 =	vadd.f32 v6, v2  }
0x6b: {  	v12 =	vld [tilespmem:s7+$0xFFFFFF60];
	[tilespmem:s13+$0x7CF0] =	vst v1  }
0x6c: {  	v13 =	vld [tilespmem:s7+$0xFFFFFF70];
	[tilespmem:s13+$0x7D00] =	vst v0;
	s13 =	smov.u32 s7  }
0x6d: {  	v14 =	vld [tilespmem:s13+$0xFFFFFF80]  }
0x6e: {  	v5 =	vld [tilespmem:s13+$0xFFFFFF90]  }
0x6f: {  	v4 =	vld [tilespmem:s13+$0xFFFFFFA0]  }
0x70: {  	v3 =	vld [tilespmem:s13+$0xFFFFFFB0]  }
0x71: {  	v2 =	vld [tilespmem:s13+$0xFFFFFFC0]  }
0x72: {  	v1 =	vld [tilespmem:s13+$0xFFFFFFD0]  }
0x73: {  	v0 =	vld [tilespmem:s13+$0xFFFFFFE0]  }
0x74: {  	v6 =	vld [tilespmem:s13+$0x7C10]  }
0x75: {  	v15 =	vld [tilespmem:s13+$0x7C20]  }
0x76: {  	v16 =	vld [tilespmem:s13+$0x7C30]  }
0x77: {  	v17 =	vld [tilespmem:s13+$0x7C40]  }
0x78: {  	v18 =	vld [tilespmem:s13+$0x7C50]  }
0x79: {  	v6 =	vmul.f32 $1.131370830e+01, v6;
	v19 =	vld [tilespmem:s13+$0x7C60]  }
0x7a: {  	v15 =	vmul.f32 $1.131370830e+01, v15;
	v20 =	vld [tilespmem:s13+$0x7C70]  }
0x7b: {  	v6 =	vadd.f32 v8, v6;
	v8 =	vmul.f32 $1.131370830e+01, v16;
	v16 =	vld [tilespmem:s13+$0x7C80]  }
0x7c: {  	v7 =	vadd.f32 v7, v15;
	v15 =	vmul.f32 $1.131370830e+01, v17;
	v17 =	vld [tilespmem:s13+$0x7C90]  }
0x7d: {  	[tilespmem:s13+$0x7C10] =	vst v6;
	v8 =	vadd.f32 v9, v8;
	v9 =	vmul.f32 $1.131370830e+01, v18;
	v18 =	vld [tilespmem:s13+$0x7CA0]  }
.Ltmp0:
0x7e: {  	[tilespmem:s13+$0x7C20] =	vst v7;
	v10 =	vadd.f32 v10, v15;
	v15 =	vmul.f32 $1.131370830e+01, v19;
	v6 =	vld [tilespmem:s13+$0x7CB0];
	(pc) =	sbr.rel @p1 .LBB2_3-.Ltmp0, $4  }
0x7f: {  	[tilespmem:s13+$0x7C30] =	vst v8;
	v9 =	vadd.f32 v11, v9;
	v11 =	vmul.f32 $1.131370830e+01, v20;
	v7 =	vld [tilespmem:s13+$0x7CC0]  }
0x80: {  	[tilespmem:s13+$0x7C40] =	vst v10;
	v10 =	vadd.f32 v12, v15;
	v15 =	vmul.f32 $1.131370830e+01, v16;
	v8 =	vld [tilespmem:s13+$0x7CD0]  }
0x81: {  	[tilespmem:s13+$0x7C50] =	vst v9;
	v12 =	vadd.f32 v13, v11;
	v13 =	vmul.f32 $1.131370830e+01, v17;
	v9 =	vld [tilespmem:s13+$0x7CE0]  }
0x82: {  	s24 =	sadd.s32 $0x400, s24;
	[tilespmem:s13+$0x7C60] =	vst v10;
	v14 =	vadd.f32 v14, v15;
	v11 =	vmul.f32 $1.131370830e+01, v18;
	v10 =	vld [tilespmem:s13+$0x7CF0]  }
0x83: {  	[tilespmem:s13+$0x7C70] =	vst v12;
	v12 =	vld [tilespmem:s13+$0x7D00];
	v5 =	vadd.f32 v5, v13;
	v6 =	vmul.f32 $1.131370830e+01, v6  }
0x84: {  	v13 =	vld [tilespmem:s13+$0xFFFFFFF0];
	[tilespmem:s13+$0x7C80] =	vst v14;
	v4 =	vadd.f32 v4, v11;
	v7 =	vmul.f32 $1.131370830e+01, v7  }
0x85: {  	[tilespmem:s13+$0x7C90] =	vst v5;
	v3 =	vadd.f32 v3, v6;
	v5 =	vmul.f32 $1.131370830e+01, v8;
	v6 =	vld [tilespmem:s13+$0x0]  }
0x86: {  	[tilespmem:s13+$0x7CA0] =	vst v4;
	v2 =	vadd.f32 v2, v7;
	v4 =	vmul.f32 $1.131370830e+01, v9  }
0x87: {  	[tilespmem:s13+$0x7CB0] =	vst v3;
	v1 =	vadd.f32 v1, v5;
	v3 =	vmul.f32 $1.131370830e+01, v10  }
0x88: {  	[tilespmem:s13+$0x7CC0] =	vst v2;
	v0 =	vadd.f32 v0, v4;
	v2 =	vmul.f32 $1.131370830e+01, v12  }
0x89: {  	[tilespmem:s13+$0x7CD0] =	vst v1;
	v1 =	vadd.f32 v13, v3  }
0x8a: {  	s7 =	sadd.s32 s6, s10;
	[tilespmem:s13+$0x7CE0] =	vst v0;
	v0 =	vadd.f32 v6, v2  }
0x8b: {  	s7 =	sshll.u32 s7, $0x4;
	[tilespmem:s13+$0x7CF0] =	vst v1  }
0x8c: {  	s7 =	sadd.s32 s4, s7;
	[tilespmem:s13+$0x7D00] =	vst v0  }
0x8d: {  	[hbm4b:s7+s5] =	stream.linear.scatter [tilespmem:s15], [sflag:$0x4], $0x6400, $0x38;
	[tilespmem:$0x1A900] =	vst v63  }
0x8e: {  	s7 =	simm.s32 @!p0 $0x6  }
0x8f: {  	_ =	swait.ge @!p0 [sflag:s7], $0x6400  }
0x90: {  	[sflag:s7] =	ssyncset.done @!p0 $0x0  }
0x91: {  	s13 =	sadd.s32 $0x6590, s10;
	[sflag:s7] =	ssyncadd.s32 @!p0 $0xFFFF9C00  }
0x92: {  	[tilespmem:s2], [sflag:$0x3] =	stream.indirect.gather [hbm4b:s1+s14], $0x80, s13, s14, $0xb8;
	[tilespmem:$0x1A900] =	vst v63  }
0x93: {  	s24 =	sadd.s32 $0x65B8, s10  }
0x94: {  	[tilespmem:s0], [sflag:$0x3] =	stream.indirect.gather [hbm4b:s1+s14], $0x80, s24, s14, $0xb8;
	[tilespmem:$0x1A900] =	vst v63  }
0x95: {  	s8 =	sadd.s32 $0x65E0, s10  }
0x96: {  	[tilespmem:s3], [sflag:$0x3] =	stream.indirect.gather [hbm4b:s1+s14], $0x80, s8, s14, $0xb8;
	[tilespmem:$0x1A900] =	vst v63  }
0x97: {  	s13 =	sadd.s32 $0x6608, s10  }
0x98: {  	[tilespmem:s16], [sflag:$0x3] =	stream.indirect.gather [hbm4b:s1+s14], $0x80, s13, s14, $0xb8;
	[tilespmem:$0x1A900] =	vst v63  }
0x99: {  	s24 =	sadd.s32 $0x6630, s10  }
0x9a: {  	[tilespmem:s18], [sflag:$0x3] =	stream.indirect.gather [hbm4b:s1+s14], $0x80, s24, s14, $0xb8;
	[tilespmem:$0x1A900] =	vst v63  }
0x9b: {  	_ =	swait.ge [sflag:s20], $0x1400  }
0x9c: {  	[sflag:s20] =	ssyncset.done $0x0  }
0x9d: {  	[sflag:s20] =	ssyncadd.s32 $0xFFFFEC00  }
0x9e: {  	_ =	swait.ge [sflag:s20], $0x1400  }
0x9f: {  	[sflag:s20] =	ssyncset.done $0x0  }
0xa0: {  	[sflag:s20] =	ssyncadd.s32 $0xFFFFEC00  }
0xa1: {  	_ =	swait.ge [sflag:s20], $0x1400  }
0xa2: {  	[sflag:s20] =	ssyncset.done $0x0  }
0xa3: {  	[sflag:s20] =	ssyncadd.s32 $0xFFFFEC00  }
0xa4: {  	_ =	swait.ge [sflag:s20], $0x1400  }
0xa5: {  	[sflag:s20] =	ssyncset.done $0x0  }
0xa6: {  	[sflag:s20] =	ssyncadd.s32 $0xFFFFEC00  }
0xa7: {  	_ =	swait.ge [sflag:s20], $0x1400  }
0xa8: {  	[sflag:s20] =	ssyncset.done $0x0  }
0xa9: {  	s24 =	simm.s32 $0xF0;
	[sflag:s20] =	ssyncadd.s32 $0xFFFFEC00  }
0xaa: {  	v6 =	vld [tilespmem:s24+$0xFFFFFF10]  }
0xab: {  	v7 =	vld [tilespmem:s24+$0xFFFFFF20]  }
0xac: {  	v8 =	vld [tilespmem:s24+$0xFFFFFF30]  }
0xad: {  	v9 =	vld [tilespmem:s24+$0xFFFFFF40]  }
0xae: {  	v10 =	vld [tilespmem:s24+$0xFFFFFF50]  }
0xaf: {  	v11 =	vld [tilespmem:s24+$0xFFFFFF60]  }
0xb0: {  	v12 =	vld [tilespmem:s24+$0xFFFFFF70]  }
0xb1: {  	v14 =	vld [tilespmem:s24+$0xFFFFFF80]  }
0xb2: {  	v5 =	vld [tilespmem:s24+$0xFFFFFF90]  }
0xb3: {  	v4 =	vld [tilespmem:s24+$0xFFFFFFA0]  }
0xb4: {  	v3 =	vld [tilespmem:s24+$0xFFFFFFB0]  }
0xb5: {  	v2 =	vld [tilespmem:s24+$0xFFFFFFC0]  }
0xb6: {  	v1 =	vld [tilespmem:s24+$0xFFFFFFD0]  }
0xb7: {  	v15 =	vld [tilespmem:s24+$0xE020]  }
0xb8: {  	v13 =	vld [tilespmem:s24+$0xE010]  }
0xb9: {  	v16 =	vld [tilespmem:s24+$0xE030]  }
0xba: {  	v0 =	vld [tilespmem:s24+$0xFFFFFFE0]  }
0xbb: {  	v18 =	vld [tilespmem:s24+$0xE050]  }
0xbc: {  	v17 =	vld [tilespmem:s24+$0xE040];
	v15 =	vmul.f32 $1.131370830e+01, v15  }
0xbd: {  	v19 =	vld [tilespmem:s24+$0xE060];
	v13 =	vmul.f32 $1.131370830e+01, v13  }
0xbe: {  	v20 =	vld [tilespmem:s24+$0xE070];
	v7 =	vadd.f32 v7, v15;
	v15 =	vmul.f32 $1.131370830e+01, v16  }
0xbf: {  	v6 =	vadd.f32 v6, v13;
	v13 =	vld [tilespmem:s24+$0xE080]  }
0xc0: {  	v21 =	vld [tilespmem:s24+$0xE090];
	v8 =	vadd.f32 v8, v15;
	v15 =	vmul.f32 $1.131370830e+01, v18  }
0xc1: {  	v62 =	vld [tilespmem:s24+$0xE0A0];
	v17 =	vmul.f32 $1.131370830e+01, v17;
	[tilespmem:s24+$0xE010] =	vst v6  }
0xc2: {  	v63 =	vmul.f32 $1.131370830e+01, v19;
	[tilespmem:s24+$0xE020] =	vst v7;
	v6 =	vld [tilespmem:s24+$0xE0B0];
	v10 =	vadd.f32 v10, v15  }
0xc3: {  	v9 =	vadd.f32 v9, v17;
	v7 =	vld [tilespmem:s24+$0xE0C0];
	[tilespmem:s24+$0xE030] =	vst v8;
	v15 =	vmul.f32 $1.131370830e+01, v20  }
0xc4: {  	v11 =	vadd.f32 v11, v63;
	v8 =	vld [tilespmem:s24+$0xE0D0];
	[tilespmem:s24+$0xE050] =	vst v10;
	v10 =	vmul.f32 $1.131370830e+01, v13  }
0xc5: {  	[tilespmem:s24+$0xE040] =	vst v9;
	v9 =	vld [tilespmem:s24+$0xE0E0];
	v12 =	vadd.f32 v12, v15;
	v13 =	vmul.f32 $1.131370830e+01, v21  }
0xc6: {  	s7 =	simm.s32 $0x7C0;
	s13 =	sadd.s32 $0x190, s10;
	[tilespmem:s24+$0xE060] =	vst v11;
	v11 =	vmul.f32 $1.131370830e+01, v62;
	v14 =	vadd.f32 v14, v10;
	v10 =	vld [tilespmem:s24+$0xE0F0]  }
.LBB2_5:
0xc7: {  	p0 =	sne.s32 s7, $0x18FC0;
	[tilespmem:s24+$0xE070] =	vst v12;
	v5 =	vadd.f32 v5, v13;
	v6 =	vmul.f32 $1.131370830e+01, v6;
	v12 =	vld [tilespmem:s24+$0xE100]  }
0xc8: {  	[tilespmem:s24+$0xE080] =	vst v14;
	v4 =	vadd.f32 v4, v11;
	v7 =	vmul.f32 $1.131370830e+01, v7;
	v11 =	vld [tilespmem:s24+$0xFFFFFFF0]  }
0xc9: {  	s8 =	sshra.s32 s7, $0x2;
	[tilespmem:s24+$0xE090] =	vst v5;
	v3 =	vadd.f32 v3, v6;
	v5 =	vmul.f32 $1.131370830e+01, v8;
	v6 =	vld [tilespmem:s24+$0x0]  }
0xca: {  	v8 =	vld [tilespmem:s8+$0xFFFFFF10];
	[tilespmem:s24+$0xE0A0] =	vst v4;
	v2 =	vadd.f32 v2, v7;
	v4 =	vmul.f32 $1.131370830e+01, v9  }
0xcb: {  	v7 =	vld [tilespmem:s8+$0xFFFFFF20];
	[tilespmem:s24+$0xE0B0] =	vst v3;
	v1 =	vadd.f32 v1, v5;
	v3 =	vmul.f32 $1.131370830e+01, v10  }
0xcc: {  	v9 =	vld [tilespmem:s8+$0xFFFFFF30];
	[tilespmem:s24+$0xE0C0] =	vst v2;
	v0 =	vadd.f32 v0, v4;
	v2 =	vmul.f32 $1.131370830e+01, v12  }
0xcd: {  	v10 =	vld [tilespmem:s8+$0xFFFFFF40];
	[tilespmem:s24+$0xE0D0] =	vst v1;
	v1 =	vadd.f32 v11, v3  }
0xce: {  	v11 =	vld [tilespmem:s8+$0xFFFFFF50];
	[tilespmem:s24+$0xE0E0] =	vst v0;
	v0 =	vadd.f32 v6, v2  }
0xcf: {  	v12 =	vld [tilespmem:s8+$0xFFFFFF60];
	[tilespmem:s24+$0xE0F0] =	vst v1  }
0xd0: {  	v13 =	vld [tilespmem:s8+$0xFFFFFF70];
	[tilespmem:s24+$0xE100] =	vst v0;
	s24 =	smov.u32 s8  }
0xd1: {  	v14 =	vld [tilespmem:s24+$0xFFFFFF80]  }
0xd2: {  	v5 =	vld [tilespmem:s24+$0xFFFFFF90]  }
0xd3: {  	v4 =	vld [tilespmem:s24+$0xFFFFFFA0]  }
0xd4: {  	v3 =	vld [tilespmem:s24+$0xFFFFFFB0]  }
0xd5: {  	v2 =	vld [tilespmem:s24+$0xFFFFFFC0]  }
0xd6: {  	v1 =	vld [tilespmem:s24+$0xFFFFFFD0]  }
0xd7: {  	v0 =	vld [tilespmem:s24+$0xFFFFFFE0]  }
0xd8: {  	v6 =	vld [tilespmem:s24+$0xE010]  }
0xd9: {  	v15 =	vld [tilespmem:s24+$0xE020]  }
0xda: {  	v16 =	vld [tilespmem:s24+$0xE030]  }
0xdb: {  	v17 =	vld [tilespmem:s24+$0xE040]  }
0xdc: {  	v18 =	vld [tilespmem:s24+$0xE050]  }
0xdd: {  	v6 =	vmul.f32 $1.131370830e+01, v6;
	v19 =	vld [tilespmem:s24+$0xE060]  }
0xde: {  	v15 =	vmul.f32 $1.131370830e+01, v15;
	v20 =	vld [tilespmem:s24+$0xE070]  }
0xdf: {  	v6 =	vadd.f32 v8, v6;
	v8 =	vmul.f32 $1.131370830e+01, v16;
	v16 =	vld [tilespmem:s24+$0xE080]  }
0xe0: {  	v7 =	vadd.f32 v7, v15;
	v15 =	vmul.f32 $1.131370830e+01, v17;
	v17 =	vld [tilespmem:s24+$0xE090]  }
0xe1: {  	[tilespmem:s24+$0xE010] =	vst v6;
	v8 =	vadd.f32 v9, v8;
	v9 =	vmul.f32 $1.131370830e+01, v18;
	v18 =	vld [tilespmem:s24+$0xE0A0]  }
.Ltmp1:
0xe2: {  	[tilespmem:s24+$0xE020] =	vst v7;
	v10 =	vadd.f32 v10, v15;
	v15 =	vmul.f32 $1.131370830e+01, v19;
	v6 =	vld [tilespmem:s24+$0xE0B0];
	(pc) =	sbr.rel @p0 .LBB2_5-.Ltmp1, $4  }
0xe3: {  	[tilespmem:s24+$0xE030] =	vst v8;
	v9 =	vadd.f32 v11, v9;
	v11 =	vmul.f32 $1.131370830e+01, v20;
	v7 =	vld [tilespmem:s24+$0xE0C0]  }
0xe4: {  	[tilespmem:s24+$0xE040] =	vst v10;
	v10 =	vadd.f32 v12, v15;
	v15 =	vmul.f32 $1.131370830e+01, v16;
	v8 =	vld [tilespmem:s24+$0xE0D0]  }
0xe5: {  	[tilespmem:s24+$0xE050] =	vst v9;
	v12 =	vadd.f32 v13, v11;
	v13 =	vmul.f32 $1.131370830e+01, v17;
	v9 =	vld [tilespmem:s24+$0xE0E0]  }
0xe6: {  	s7 =	sadd.s32 $0x400, s7;
	[tilespmem:s24+$0xE060] =	vst v10;
	v14 =	vadd.f32 v14, v15;
	v11 =	vmul.f32 $1.131370830e+01, v18;
	v10 =	vld [tilespmem:s24+$0xE0F0]  }
0xe7: {  	[tilespmem:s24+$0xE070] =	vst v12;
	v12 =	vld [tilespmem:s24+$0xE100];
	v5 =	vadd.f32 v5, v13;
	v6 =	vmul.f32 $1.131370830e+01, v6  }
0xe8: {  	v13 =	vld [tilespmem:s24+$0xFFFFFFF0];
	[tilespmem:s24+$0xE080] =	vst v14;
	v4 =	vadd.f32 v4, v11;
	v7 =	vmul.f32 $1.131370830e+01, v7  }
0xe9: {  	[tilespmem:s24+$0xE090] =	vst v5;
	v3 =	vadd.f32 v3, v6;
	v5 =	vmul.f32 $1.131370830e+01, v8;
	v6 =	vld [tilespmem:s24+$0x0]  }
0xea: {  	[tilespmem:s24+$0xE0A0] =	vst v4;
	v2 =	vadd.f32 v2, v7;
	v4 =	vmul.f32 $1.131370830e+01, v9  }
0xeb: {  	[tilespmem:s24+$0xE0B0] =	vst v3;
	v1 =	vadd.f32 v1, v5;
	v3 =	vmul.f32 $1.131370830e+01, v10  }
0xec: {  	[tilespmem:s24+$0xE0C0] =	vst v2;
	v0 =	vadd.f32 v0, v4;
	v2 =	vmul.f32 $1.131370830e+01, v12  }
0xed: {  	[tilespmem:s24+$0xE0D0] =	vst v1;
	v1 =	vadd.f32 v13, v3  }
0xee: {  	s7 =	sadd.s32 s6, s11;
	[tilespmem:s24+$0xE0E0] =	vst v0;
	v0 =	vadd.f32 v6, v2  }
0xef: {  	s7 =	sshll.u32 s7, $0x4;
	[tilespmem:s24+$0xE0F0] =	vst v1  }
0xf0: {  	s7 =	sadd.s32 s4, s7;
	[tilespmem:s24+$0xE100] =	vst v0  }
0xf1: {  	[hbm4b:s7+s5] =	stream.linear.scatter [tilespmem:s25], [sflag:$0x5], $0x6400, $0x38;
	[tilespmem:$0x1A900] =	vst v63  }
0xf2: {  	_ =	swait.ge [sflag:s22], $0x6400  }
0xf3: {  	[sflag:s22] =	ssyncset.done $0x0  }
0xf4: {  	s11 =	sadd.s32 $0x6658, s10;
	[sflag:s22] =	ssyncadd.s32 $0xFFFF9C00  }
0xf5: {  	[tilespmem:s15], [sflag:$0x1] =	stream.indirect.gather [hbm4b:s1+s14], $0x80, s11, s14, $0xb8;
	[tilespmem:$0x1A900] =	vst v63  }
0xf6: {  	s24 =	sadd.s32 $0x6680, s10  }
0xf7: {  	[tilespmem:s17], [sflag:$0x1] =	stream.indirect.gather [hbm4b:s1+s14], $0x80, s24, s14, $0xb8;
	[tilespmem:$0x1A900] =	vst v63  }
0xf8: {  	s8 =	sadd.s32 $0x66A8, s10  }
0xf9: {  	[tilespmem:s19], [sflag:$0x1] =	stream.indirect.gather [hbm4b:s1+s14], $0x80, s8, s14, $0xb8;
	[tilespmem:$0x1A900] =	vst v63  }
0xfa: {  	s11 =	sadd.s32 $0x66D0, s10  }
0xfb: {  	[tilespmem:s21], [sflag:$0x1] =	stream.indirect.gather [hbm4b:s1+s14], $0x80, s11, s14, $0xb8;
	[tilespmem:$0x1A900] =	vst v63  }
0xfc: {  	s24 =	sadd.s32 $0x66F8, s10  }
0xfd: {  	[tilespmem:s23], [sflag:$0x1] =	stream.indirect.gather [hbm4b:s1+s14], $0x80, s24, s14, $0xb8;
	[tilespmem:$0x1A900] =	vst v63  }
0xfe: {  	_ =	swait.ge [sflag:s12], $0x1400  }
0xff: {  	[sflag:s12] =	ssyncset.done $0x0  }
0x100: {  	[sflag:s12] =	ssyncadd.s32 $0xFFFFEC00  }
0x101: {  	_ =	swait.ge [sflag:s12], $0x1400  }
0x102: {  	[sflag:s12] =	ssyncset.done $0x0  }
0x103: {  	[sflag:s12] =	ssyncadd.s32 $0xFFFFEC00  }
0x104: {  	_ =	swait.ge [sflag:s12], $0x1400  }
0x105: {  	[sflag:s12] =	ssyncset.done $0x0  }
0x106: {  	[sflag:s12] =	ssyncadd.s32 $0xFFFFEC00  }
0x107: {  	_ =	swait.ge [sflag:s12], $0x1400  }
0x108: {  	[sflag:s12] =	ssyncset.done $0x0  }
0x109: {  	[sflag:s12] =	ssyncadd.s32 $0xFFFFEC00  }
0x10a: {  	_ =	swait.ge [sflag:s12], $0x1400  }
0x10b: {  	[sflag:s12] =	ssyncset.done $0x0  }
0x10c: {  	s10 =	simm.s32 $0xF0;
	[sflag:s12] =	ssyncadd.s32 $0xFFFFEC00  }
0x10d: {  	v6 =	vld [tilespmem:s10+$0xFFFFFF10]  }
0x10e: {  	v7 =	vld [tilespmem:s10+$0xFFFFFF20]  }
0x10f: {  	v8 =	vld [tilespmem:s10+$0xFFFFFF30]  }
0x110: {  	v9 =	vld [tilespmem:s10+$0xFFFFFF40]  }
0x111: {  	v10 =	vld [tilespmem:s10+$0xFFFFFF50]  }
0x112: {  	v11 =	vld [tilespmem:s10+$0xFFFFFF60]  }
0x113: {  	v12 =	vld [tilespmem:s10+$0xFFFFFF70]  }
0x114: {  	v14 =	vld [tilespmem:s10+$0xFFFFFF80]  }
0x115: {  	v5 =	vld [tilespmem:s10+$0xFFFFFF90]  }
0x116: {  	v4 =	vld [tilespmem:s10+$0xFFFFFFA0]  }
0x117: {  	v3 =	vld [tilespmem:s10+$0xFFFFFFB0]  }
0x118: {  	v2 =	vld [tilespmem:s10+$0xFFFFFFC0]  }
0x119: {  	v1 =	vld [tilespmem:s10+$0xFFFFFFD0]  }
0x11a: {  	v15 =	vld [tilespmem:s10+$0x14420]  }
0x11b: {  	v13 =	vld [tilespmem:s10+$0x14410]  }
0x11c: {  	v16 =	vld [tilespmem:s10+$0x14430]  }
0x11d: {  	v0 =	vld [tilespmem:s10+$0xFFFFFFE0]  }
0x11e: {  	v18 =	vld [tilespmem:s10+$0x14450]  }
0x11f: {  	v17 =	vld [tilespmem:s10+$0x14440];
	v15 =	vmul.f32 $1.131370830e+01, v15  }
0x120: {  	v19 =	vld [tilespmem:s10+$0x14460];
	v13 =	vmul.f32 $1.131370830e+01, v13  }
0x121: {  	v20 =	vld [tilespmem:s10+$0x14470];
	v7 =	vadd.f32 v7, v15;
	v15 =	vmul.f32 $1.131370830e+01, v16  }
0x122: {  	v6 =	vadd.f32 v6, v13;
	v13 =	vld [tilespmem:s10+$0x14480]  }
0x123: {  	v21 =	vld [tilespmem:s10+$0x14490];
	v8 =	vadd.f32 v8, v15;
	v15 =	vmul.f32 $1.131370830e+01, v18  }
0x124: {  	v62 =	vld [tilespmem:s10+$0x144A0];
	v17 =	vmul.f32 $1.131370830e+01, v17;
	[tilespmem:s10+$0x14410] =	vst v6  }
0x125: {  	v63 =	vmul.f32 $1.131370830e+01, v19;
	[tilespmem:s10+$0x14420] =	vst v7;
	v6 =	vld [tilespmem:s10+$0x144B0];
	v10 =	vadd.f32 v10, v15  }
0x126: {  	v9 =	vadd.f32 v9, v17;
	v7 =	vld [tilespmem:s10+$0x144C0];
	[tilespmem:s10+$0x14430] =	vst v8;
	v15 =	vmul.f32 $1.131370830e+01, v20  }
0x127: {  	v11 =	vadd.f32 v11, v63;
	v8 =	vld [tilespmem:s10+$0x144D0];
	[tilespmem:s10+$0x14450] =	vst v10;
	v10 =	vmul.f32 $1.131370830e+01, v13  }
0x128: {  	[tilespmem:s10+$0x14440] =	vst v9;
	v9 =	vld [tilespmem:s10+$0x144E0];
	v12 =	vadd.f32 v12, v15;
	v13 =	vmul.f32 $1.131370830e+01, v21  }
0x129: {  	s7 =	simm.s32 $0x7C0;
	[tilespmem:s10+$0x14460] =	vst v11;
	v11 =	vmul.f32 $1.131370830e+01, v62;
	v14 =	vadd.f32 v14, v10;
	v10 =	vld [tilespmem:s10+$0x144F0]  }
.LBB2_7:
0x12a: {  	p0 =	sne.s32 s7, $0x18FC0;
	[tilespmem:s10+$0x14470] =	vst v12;
	v5 =	vadd.f32 v5, v13;
	v6 =	vmul.f32 $1.131370830e+01, v6;
	v12 =	vld [tilespmem:s10+$0x14500]  }
0x12b: {  	[tilespmem:s10+$0x14480] =	vst v14;
	v4 =	vadd.f32 v4, v11;
	v7 =	vmul.f32 $1.131370830e+01, v7;
	v11 =	vld [tilespmem:s10+$0xFFFFFFF0]  }
0x12c: {  	s8 =	sshra.s32 s7, $0x2;
	[tilespmem:s10+$0x14490] =	vst v5;
	v3 =	vadd.f32 v3, v6;
	v5 =	vmul.f32 $1.131370830e+01, v8;
	v6 =	vld [tilespmem:s10+$0x0]  }
0x12d: {  	v8 =	vld [tilespmem:s8+$0xFFFFFF10];
	[tilespmem:s10+$0x144A0] =	vst v4;
	v2 =	vadd.f32 v2, v7;
	v4 =	vmul.f32 $1.131370830e+01, v9  }
0x12e: {  	v7 =	vld [tilespmem:s8+$0xFFFFFF20];
	[tilespmem:s10+$0x144B0] =	vst v3;
	v1 =	vadd.f32 v1, v5;
	v3 =	vmul.f32 $1.131370830e+01, v10  }
0x12f: {  	v9 =	vld [tilespmem:s8+$0xFFFFFF30];
	[tilespmem:s10+$0x144C0] =	vst v2;
	v0 =	vadd.f32 v0, v4;
	v2 =	vmul.f32 $1.131370830e+01, v12  }
0x130: {  	v10 =	vld [tilespmem:s8+$0xFFFFFF40];
	[tilespmem:s10+$0x144D0] =	vst v1;
	v1 =	vadd.f32 v11, v3  }
0x131: {  	v11 =	vld [tilespmem:s8+$0xFFFFFF50];
	[tilespmem:s10+$0x144E0] =	vst v0;
	v0 =	vadd.f32 v6, v2  }
0x132: {  	v12 =	vld [tilespmem:s8+$0xFFFFFF60];
	[tilespmem:s10+$0x144F0] =	vst v1  }
0x133: {  	v13 =	vld [tilespmem:s8+$0xFFFFFF70];
	[tilespmem:s10+$0x14500] =	vst v0;
	s10 =	smov.u32 s8  }
0x134: {  	v14 =	vld [tilespmem:s10+$0xFFFFFF80]  }
0x135: {  	v5 =	vld [tilespmem:s10+$0xFFFFFF90]  }
0x136: {  	v4 =	vld [tilespmem:s10+$0xFFFFFFA0]  }
0x137: {  	v3 =	vld [tilespmem:s10+$0xFFFFFFB0]  }
0x138: {  	v2 =	vld [tilespmem:s10+$0xFFFFFFC0]  }
0x139: {  	v1 =	vld [tilespmem:s10+$0xFFFFFFD0]  }
0x13a: {  	v0 =	vld [tilespmem:s10+$0xFFFFFFE0]  }
0x13b: {  	v6 =	vld [tilespmem:s10+$0x14410]  }
0x13c: {  	v15 =	vld [tilespmem:s10+$0x14420]  }
0x13d: {  	v16 =	vld [tilespmem:s10+$0x14430]  }
0x13e: {  	v17 =	vld [tilespmem:s10+$0x14440]  }
0x13f: {  	v18 =	vld [tilespmem:s10+$0x14450]  }
0x140: {  	v6 =	vmul.f32 $1.131370830e+01, v6;
	v19 =	vld [tilespmem:s10+$0x14460]  }
0x141: {  	v15 =	vmul.f32 $1.131370830e+01, v15;
	v20 =	vld [tilespmem:s10+$0x14470]  }
0x142: {  	v6 =	vadd.f32 v8, v6;
	v8 =	vmul.f32 $1.131370830e+01, v16;
	v16 =	vld [tilespmem:s10+$0x14480]  }
0x143: {  	v7 =	vadd.f32 v7, v15;
	v15 =	vmul.f32 $1.131370830e+01, v17;
	v17 =	vld [tilespmem:s10+$0x14490]  }
0x144: {  	[tilespmem:s10+$0x14410] =	vst v6;
	v8 =	vadd.f32 v9, v8;
	v9 =	vmul.f32 $1.131370830e+01, v18;
	v18 =	vld [tilespmem:s10+$0x144A0]  }
.Ltmp2:
0x145: {  	[tilespmem:s10+$0x14420] =	vst v7;
	v10 =	vadd.f32 v10, v15;
	v15 =	vmul.f32 $1.131370830e+01, v19;
	v6 =	vld [tilespmem:s10+$0x144B0];
	(pc) =	sbr.rel @p0 .LBB2_7-.Ltmp2, $4  }
0x146: {  	[tilespmem:s10+$0x14430] =	vst v8;
	v9 =	vadd.f32 v11, v9;
	v11 =	vmul.f32 $1.131370830e+01, v20;
	v7 =	vld [tilespmem:s10+$0x144C0]  }
0x147: {  	[tilespmem:s10+$0x14440] =	vst v10;
	v10 =	vadd.f32 v12, v15;
	v15 =	vmul.f32 $1.131370830e+01, v16;
	v8 =	vld [tilespmem:s10+$0x144D0]  }
0x148: {  	[tilespmem:s10+$0x14450] =	vst v9;
	v12 =	vadd.f32 v13, v11;
	v13 =	vmul.f32 $1.131370830e+01, v17;
	v9 =	vld [tilespmem:s10+$0x144E0]  }
0x149: {  	s7 =	sadd.s32 $0x400, s7;
	[tilespmem:s10+$0x14460] =	vst v10;
	v14 =	vadd.f32 v14, v15;
	v11 =	vmul.f32 $1.131370830e+01, v18;
	v10 =	vld [tilespmem:s10+$0x144F0]  }
0x14a: {  	[tilespmem:s10+$0x14470] =	vst v12;
	v55 =	vld [tilespmem:s10+$0x14500];
	v5 =	vadd.f32 v5, v13;
	v6 =	vmul.f32 $1.131370830e+01, v6  }
0x14b: {  	v56 =	vld [tilespmem:s10+$0xFFFFFFF0];
	[tilespmem:s10+$0x14480] =	vst v14;
	v4 =	vadd.f32 v4, v11;
	v7 =	vmul.f32 $1.131370830e+01, v7  }
0x14c: {  	v58 =	vld [tilespmem:s10+$0x0];
	[tilespmem:s10+$0x14490] =	vst v5;
	v3 =	vadd.f32 v3, v6;
	v57 =	vmul.f32 $1.131370830e+01, v8  }
0x14d: {  	[tilespmem:s10+$0x144A0] =	vst v4;
	v2 =	vadd.f32 v2, v7;
	v59 =	vmul.f32 $1.131370830e+01, v9  }
0x14e: {  	s9 =	sadd.s32 $0x1, s9;
	[tilespmem:s10+$0x144B0] =	vst v3;
	v1 =	vadd.f32 v1, v57;
	v60 =	vmul.f32 $1.131370830e+01, v10  }
0x14f: {  	p0 =	sne.s32 s9, $0xA;
	[tilespmem:s10+$0x144C0] =	vst v2;
	v0 =	vadd.f32 v0, v59;
	v61 =	vmul.f32 $1.131370830e+01, v55  }
.Ltmp3:
0x150: {  	[tilespmem:s10+$0x144D0] =	vst v1;
	v62 =	vadd.f32 v56, v60;
	(pc) =	sbr.rel @p0 .LBB2_2-.Ltmp3, $4  }
0x151: {  	s7 =	sadd.s32 s6, s13;
	[tilespmem:s10+$0x144E0] =	vst v0;
	v63 =	vadd.f32 v58, v61  }
0x152: {  	s7 =	sshll.u32 s7, $0x4;
	[tilespmem:s10+$0x144F0] =	vst v62  }
0x153: {  	s7 =	sadd.s32 s4, s7;
	[tilespmem:s10+$0x14500] =	vst v63  }
0x154: {  	[hbm4b:s7+s5] =	stream.linear.scatter [tilespmem:s2], [sflag:$0x6], $0x6400, $0x38;
	[tilespmem:$0x1A900] =	vst v63  }
0x155: {  	s11 =	simm.s32 $0x5  }
0x156: {  	_ =	swait.ge [sflag:s11], $0x6400  }
0x157: {  	[sflag:s11] =	ssyncset.done $0x0  }
0x158: {  	s7 =	simm.s32 $0x7C38;
	[sflag:s11] =	ssyncadd.s32 $0xFFFF9C00  }
0x159: {  	[tilespmem:s25], [sflag:$0x2] =	stream.indirect.gather [hbm4b:s1+s14], $0x80, s7, s14, $0xb8;
	[tilespmem:$0x1A900] =	vst v63  }
0x15a: {  	s9 =	simm.s32 $0x7C60  }
0x15b: {  	[tilespmem:s26], [sflag:$0x2] =	stream.indirect.gather [hbm4b:s1+s14], $0x80, s9, s14, $0xb8;
	[tilespmem:$0x1A900] =	vst v63  }
0x15c: {  	s10 =	simm.s32 $0x7C88  }
0x15d: {  	[tilespmem:s28], [sflag:$0x2] =	stream.indirect.gather [hbm4b:s1+s14], $0x80, s10, s14, $0xb8;
	[tilespmem:$0x1A900] =	vst v63  }
0x15e: {  	s13 =	simm.s32 $0x7CB0  }
0x15f: {  	[tilespmem:s29], [sflag:$0x2] =	stream.indirect.gather [hbm4b:s1+s14], $0x80, s13, s14, $0xb8;
	[tilespmem:$0x1A900] =	vst v63  }
0x160: {  	s24 =	simm.s32 $0x7CD8  }
0x161: {  	[tilespmem:s30], [sflag:$0x2] =	stream.indirect.gather [hbm4b:s1+s14], $0x80, s24, s14, $0xb8;
	[tilespmem:$0x1A900] =	vst v63  }
0x162: {  	_ =	swait.ge [sflag:s31], $0x1400  }
0x163: {  	[sflag:s31] =	ssyncset.done $0x0  }
0x164: {  	[sflag:s31] =	ssyncadd.s32 $0xFFFFEC00  }
0x165: {  	_ =	swait.ge [sflag:s31], $0x1400  }
0x166: {  	[sflag:s31] =	ssyncset.done $0x0  }
0x167: {  	[sflag:s31] =	ssyncadd.s32 $0xFFFFEC00  }
0x168: {  	_ =	swait.ge [sflag:s31], $0x1400  }
0x169: {  	[sflag:s31] =	ssyncset.done $0x0  }
0x16a: {  	[sflag:s31] =	ssyncadd.s32 $0xFFFFEC00  }
0x16b: {  	_ =	swait.ge [sflag:s31], $0x1400  }
0x16c: {  	[sflag:s31] =	ssyncset.done $0x0  }
0x16d: {  	[sflag:s31] =	ssyncadd.s32 $0xFFFFEC00  }
0x16e: {  	_ =	swait.ge [sflag:s31], $0x1400  }
0x16f: {  	[sflag:s31] =	ssyncset.done $0x0  }
0x170: {  	s9 =	simm.s32 $0xF0;
	[sflag:s31] =	ssyncadd.s32 $0xFFFFEC00  }
0x171: {  	v6 =	vld [tilespmem:s9+$0xFFFFFF10]  }
0x172: {  	v7 =	vld [tilespmem:s9+$0xFFFFFF20]  }
0x173: {  	v8 =	vld [tilespmem:s9+$0xFFFFFF30]  }
0x174: {  	v9 =	vld [tilespmem:s9+$0xFFFFFF40]  }
0x175: {  	v10 =	vld [tilespmem:s9+$0xFFFFFF50]  }
0x176: {  	v11 =	vld [tilespmem:s9+$0xFFFFFF60]  }
0x177: {  	v12 =	vld [tilespmem:s9+$0xFFFFFF70]  }
0x178: {  	v14 =	vld [tilespmem:s9+$0xFFFFFF80]  }
0x179: {  	v5 =	vld [tilespmem:s9+$0xFFFFFF90]  }
0x17a: {  	v4 =	vld [tilespmem:s9+$0xFFFFFFA0]  }
0x17b: {  	v3 =	vld [tilespmem:s9+$0xFFFFFFB0]  }
0x17c: {  	v2 =	vld [tilespmem:s9+$0xFFFFFFC0]  }
0x17d: {  	v1 =	vld [tilespmem:s9+$0xFFFFFFD0]  }
0x17e: {  	v15 =	vld [tilespmem:s9+$0x7C20]  }
0x17f: {  	v13 =	vld [tilespmem:s9+$0x7C10]  }
0x180: {  	v16 =	vld [tilespmem:s9+$0x7C30]  }
0x181: {  	v0 =	vld [tilespmem:s9+$0xFFFFFFE0]  }
0x182: {  	v18 =	vld [tilespmem:s9+$0x7C50]  }
0x183: {  	v17 =	vld [tilespmem:s9+$0x7C40];
	v15 =	vmul.f32 $1.131370830e+01, v15  }
0x184: {  	v19 =	vld [tilespmem:s9+$0x7C60];
	v13 =	vmul.f32 $1.131370830e+01, v13  }
0x185: {  	v20 =	vld [tilespmem:s9+$0x7C70];
	v7 =	vadd.f32 v7, v15;
	v15 =	vmul.f32 $1.131370830e+01, v16  }
0x186: {  	v6 =	vadd.f32 v6, v13;
	v13 =	vld [tilespmem:s9+$0x7C80]  }
0x187: {  	v21 =	vld [tilespmem:s9+$0x7C90];
	v8 =	vadd.f32 v8, v15;
	v15 =	vmul.f32 $1.131370830e+01, v18  }
0x188: {  	v62 =	vld [tilespmem:s9+$0x7CA0];
	v17 =	vmul.f32 $1.131370830e+01, v17;
	[tilespmem:s9+$0x7C10] =	vst v6  }
0x189: {  	v63 =	vmul.f32 $1.131370830e+01, v19;
	[tilespmem:s9+$0x7C20] =	vst v7;
	v6 =	vld [tilespmem:s9+$0x7CB0];
	v10 =	vadd.f32 v10, v15  }
0x18a: {  	v9 =	vadd.f32 v9, v17;
	v7 =	vld [tilespmem:s9+$0x7CC0];
	[tilespmem:s9+$0x7C30] =	vst v8;
	v15 =	vmul.f32 $1.131370830e+01, v20  }
0x18b: {  	v11 =	vadd.f32 v11, v63;
	v8 =	vld [tilespmem:s9+$0x7CD0];
	[tilespmem:s9+$0x7C50] =	vst v10;
	v10 =	vmul.f32 $1.131370830e+01, v13  }
0x18c: {  	[tilespmem:s9+$0x7C40] =	vst v9;
	v9 =	vld [tilespmem:s9+$0x7CE0];
	v12 =	vadd.f32 v12, v15;
	v13 =	vmul.f32 $1.131370830e+01, v21  }
0x18d: {  	s7 =	simm.s32 $0x7C0;
	[tilespmem:s9+$0x7C60] =	vst v11;
	v11 =	vmul.f32 $1.131370830e+01, v62;
	v14 =	vadd.f32 v14, v10;
	v10 =	vld [tilespmem:s9+$0x7CF0]  }
.LBB2_10:
0x18e: {  	p0 =	sne.s32 s7, $0x18FC0;
	[tilespmem:s9+$0x7C70] =	vst v12;
	v5 =	vadd.f32 v5, v13;
	v6 =	vmul.f32 $1.131370830e+01, v6;
	v12 =	vld [tilespmem:s9+$0x7D00]  }
0x18f: {  	[tilespmem:s9+$0x7C80] =	vst v14;
	v4 =	vadd.f32 v4, v11;
	v7 =	vmul.f32 $1.131370830e+01, v7;
	v11 =	vld [tilespmem:s9+$0xFFFFFFF0]  }
0x190: {  	s8 =	sshra.s32 s7, $0x2;
	[tilespmem:s9+$0x7C90] =	vst v5;
	v3 =	vadd.f32 v3, v6;
	v5 =	vmul.f32 $1.131370830e+01, v8;
	v6 =	vld [tilespmem:s9+$0x0]  }
0x191: {  	v8 =	vld [tilespmem:s8+$0xFFFFFF10];
	[tilespmem:s9+$0x7CA0] =	vst v4;
	v2 =	vadd.f32 v2, v7;
	v4 =	vmul.f32 $1.131370830e+01, v9  }
0x192: {  	v7 =	vld [tilespmem:s8+$0xFFFFFF20];
	[tilespmem:s9+$0x7CB0] =	vst v3;
	v1 =	vadd.f32 v1, v5;
	v3 =	vmul.f32 $1.131370830e+01, v10  }
0x193: {  	v9 =	vld [tilespmem:s8+$0xFFFFFF30];
	[tilespmem:s9+$0x7CC0] =	vst v2;
	v0 =	vadd.f32 v0, v4;
	v2 =	vmul.f32 $1.131370830e+01, v12  }
0x194: {  	v10 =	vld [tilespmem:s8+$0xFFFFFF40];
	[tilespmem:s9+$0x7CD0] =	vst v1;
	v1 =	vadd.f32 v11, v3  }
0x195: {  	v11 =	vld [tilespmem:s8+$0xFFFFFF50];
	[tilespmem:s9+$0x7CE0] =	vst v0;
	v0 =	vadd.f32 v6, v2  }
0x196: {  	v12 =	vld [tilespmem:s8+$0xFFFFFF60];
	[tilespmem:s9+$0x7CF0] =	vst v1  }
0x197: {  	v13 =	vld [tilespmem:s8+$0xFFFFFF70];
	[tilespmem:s9+$0x7D00] =	vst v0;
	s9 =	smov.u32 s8  }
0x198: {  	v14 =	vld [tilespmem:s9+$0xFFFFFF80]  }
0x199: {  	v5 =	vld [tilespmem:s9+$0xFFFFFF90]  }
0x19a: {  	v4 =	vld [tilespmem:s9+$0xFFFFFFA0]  }
0x19b: {  	v3 =	vld [tilespmem:s9+$0xFFFFFFB0]  }
0x19c: {  	v2 =	vld [tilespmem:s9+$0xFFFFFFC0]  }
0x19d: {  	v1 =	vld [tilespmem:s9+$0xFFFFFFD0]  }
0x19e: {  	v0 =	vld [tilespmem:s9+$0xFFFFFFE0]  }
0x19f: {  	v6 =	vld [tilespmem:s9+$0x7C10]  }
0x1a0: {  	v15 =	vld [tilespmem:s9+$0x7C20]  }
0x1a1: {  	v16 =	vld [tilespmem:s9+$0x7C30]  }
0x1a2: {  	v17 =	vld [tilespmem:s9+$0x7C40]  }
0x1a3: {  	v18 =	vld [tilespmem:s9+$0x7C50]  }
0x1a4: {  	v6 =	vmul.f32 $1.131370830e+01, v6;
	v19 =	vld [tilespmem:s9+$0x7C60]  }
0x1a5: {  	v15 =	vmul.f32 $1.131370830e+01, v15;
	v20 =	vld [tilespmem:s9+$0x7C70]  }
0x1a6: {  	v6 =	vadd.f32 v8, v6;
	v8 =	vmul.f32 $1.131370830e+01, v16;
	v16 =	vld [tilespmem:s9+$0x7C80]  }
0x1a7: {  	v7 =	vadd.f32 v7, v15;
	v15 =	vmul.f32 $1.131370830e+01, v17;
	v17 =	vld [tilespmem:s9+$0x7C90]  }
0x1a8: {  	[tilespmem:s9+$0x7C10] =	vst v6;
	v8 =	vadd.f32 v9, v8;
	v9 =	vmul.f32 $1.131370830e+01, v18;
	v18 =	vld [tilespmem:s9+$0x7CA0]  }
.Ltmp4:
0x1a9: {  	[tilespmem:s9+$0x7C20] =	vst v7;
	v10 =	vadd.f32 v10, v15;
	v15 =	vmul.f32 $1.131370830e+01, v19;
	v6 =	vld [tilespmem:s9+$0x7CB0];
	(pc) =	sbr.rel @p0 .LBB2_10-.Ltmp4, $4  }
0x1aa: {  	[tilespmem:s9+$0x7C30] =	vst v8;
	v9 =	vadd.f32 v11, v9;
	v11 =	vmul.f32 $1.131370830e+01, v20;
	v7 =	vld [tilespmem:s9+$0x7CC0]  }
0x1ab: {  	[tilespmem:s9+$0x7C40] =	vst v10;
	v10 =	vadd.f32 v12, v15;
	v15 =	vmul.f32 $1.131370830e+01, v16;
	v8 =	vld [tilespmem:s9+$0x7CD0]  }
0x1ac: {  	[tilespmem:s9+$0x7C50] =	vst v9;
	v12 =	vadd.f32 v13, v11;
	v13 =	vmul.f32 $1.131370830e+01, v17;
	v9 =	vld [tilespmem:s9+$0x7CE0]  }
0x1ad: {  	s7 =	sadd.s32 $0x400, s7;
	[tilespmem:s9+$0x7C60] =	vst v10;
	v14 =	vadd.f32 v14, v15;
	v11 =	vmul.f32 $1.131370830e+01, v18;
	v10 =	vld [tilespmem:s9+$0x7CF0]  }
0x1ae: {  	[tilespmem:s9+$0x7C70] =	vst v12;
	v12 =	vld [tilespmem:s9+$0x7D00];
	v5 =	vadd.f32 v5, v13;
	v6 =	vmul.f32 $1.131370830e+01, v6  }
0x1af: {  	v13 =	vld [tilespmem:s9+$0xFFFFFFF0];
	[tilespmem:s9+$0x7C80] =	vst v14;
	v4 =	vadd.f32 v4, v11;
	v7 =	vmul.f32 $1.131370830e+01, v7  }
0x1b0: {  	[tilespmem:s9+$0x7C90] =	vst v5;
	v3 =	vadd.f32 v3, v6;
	v5 =	vmul.f32 $1.131370830e+01, v8;
	v6 =	vld [tilespmem:s9+$0x0]  }
0x1b1: {  	[tilespmem:s9+$0x7CA0] =	vst v4;
	v2 =	vadd.f32 v2, v7;
	v4 =	vmul.f32 $1.131370830e+01, v9  }
0x1b2: {  	[tilespmem:s9+$0x7CB0] =	vst v3;
	v1 =	vadd.f32 v1, v5;
	v3 =	vmul.f32 $1.131370830e+01, v10  }
0x1b3: {  	[tilespmem:s9+$0x7CC0] =	vst v2;
	v0 =	vadd.f32 v0, v4;
	v2 =	vmul.f32 $1.131370830e+01, v12  }
0x1b4: {  	[tilespmem:s9+$0x7CD0] =	vst v1;
	v1 =	vadd.f32 v13, v3  }
0x1b5: {  	[tilespmem:s9+$0x7CE0] =	vst v0;
	v0 =	vadd.f32 v6, v2  }
0x1b6: {  	[tilespmem:s9+$0x7CF0] =	vst v1  }
0x1b7: {  	s7 =	rddreg [dreg:$0x6];
	s10 =	simm.s32 $0x6;
	[tilespmem:s9+$0x7D00] =	vst v0  }
0x1b8: {  	[hbm4b:s7+s5] =	stream.linear.scatter [tilespmem:s15], [sflag:$0x4], $0x6400, $0x38;
	[tilespmem:$0x1A900] =	vst v63  }
0x1b9: {  	_ =	swait.ge [sflag:s10], $0x6400  }
0x1ba: {  	[sflag:s10] =	ssyncset.done $0x0  }
0x1bb: {  	[sflag:s10] =	ssyncadd.s32 $0xFFFF9C00  }
0x1bc: {  	_ =	swait.ge [sflag:s20], $0x1400  }
0x1bd: {  	[sflag:s20] =	ssyncset.done $0x0  }
0x1be: {  	[sflag:s20] =	ssyncadd.s32 $0xFFFFEC00  }
0x1bf: {  	_ =	swait.ge [sflag:s20], $0x1400  }
0x1c0: {  	[sflag:s20] =	ssyncset.done $0x0  }
0x1c1: {  	[sflag:s20] =	ssyncadd.s32 $0xFFFFEC00  }
0x1c2: {  	_ =	swait.ge [sflag:s20], $0x1400  }
0x1c3: {  	[sflag:s20] =	ssyncset.done $0x0  }
0x1c4: {  	[sflag:s20] =	ssyncadd.s32 $0xFFFFEC00  }
0x1c5: {  	_ =	swait.ge [sflag:s20], $0x1400  }
0x1c6: {  	[sflag:s20] =	ssyncset.done $0x0  }
0x1c7: {  	[sflag:s20] =	ssyncadd.s32 $0xFFFFEC00  }
0x1c8: {  	_ =	swait.ge [sflag:s20], $0x1400  }
0x1c9: {  	[sflag:s20] =	ssyncset.done $0x0  }
0x1ca: {  	s9 =	simm.s32 $0xF0;
	[sflag:s20] =	ssyncadd.s32 $0xFFFFEC00  }
0x1cb: {  	v6 =	vld [tilespmem:s9+$0xFFFFFF10]  }
0x1cc: {  	v7 =	vld [tilespmem:s9+$0xFFFFFF20]  }
0x1cd: {  	v8 =	vld [tilespmem:s9+$0xFFFFFF30]  }
0x1ce: {  	v9 =	vld [tilespmem:s9+$0xFFFFFF40]  }
0x1cf: {  	v10 =	vld [tilespmem:s9+$0xFFFFFF50]  }
0x1d0: {  	v11 =	vld [tilespmem:s9+$0xFFFFFF60]  }
0x1d1: {  	v12 =	vld [tilespmem:s9+$0xFFFFFF70]  }
0x1d2: {  	v14 =	vld [tilespmem:s9+$0xFFFFFF80]  }
0x1d3: {  	v5 =	vld [tilespmem:s9+$0xFFFFFF90]  }
0x1d4: {  	v4 =	vld [tilespmem:s9+$0xFFFFFFA0]  }
0x1d5: {  	v3 =	vld [tilespmem:s9+$0xFFFFFFB0]  }
0x1d6: {  	v2 =	vld [tilespmem:s9+$0xFFFFFFC0]  }
0x1d7: {  	v1 =	vld [tilespmem:s9+$0xFFFFFFD0]  }
0x1d8: {  	v15 =	vld [tilespmem:s9+$0xE020]  }
0x1d9: {  	v13 =	vld [tilespmem:s9+$0xE010]  }
0x1da: {  	v16 =	vld [tilespmem:s9+$0xE030]  }
0x1db: {  	v0 =	vld [tilespmem:s9+$0xFFFFFFE0]  }
0x1dc: {  	v18 =	vld [tilespmem:s9+$0xE050]  }
0x1dd: {  	v17 =	vld [tilespmem:s9+$0xE040];
	v15 =	vmul.f32 $1.131370830e+01, v15  }
0x1de: {  	v19 =	vld [tilespmem:s9+$0xE060];
	v13 =	vmul.f32 $1.131370830e+01, v13  }
0x1df: {  	v20 =	vld [tilespmem:s9+$0xE070];
	v7 =	vadd.f32 v7, v15;
	v15 =	vmul.f32 $1.131370830e+01, v16  }
0x1e0: {  	v6 =	vadd.f32 v6, v13;
	v13 =	vld [tilespmem:s9+$0xE080]  }
0x1e1: {  	v21 =	vld [tilespmem:s9+$0xE090];
	v8 =	vadd.f32 v8, v15;
	v15 =	vmul.f32 $1.131370830e+01, v18  }
0x1e2: {  	v62 =	vld [tilespmem:s9+$0xE0A0];
	v17 =	vmul.f32 $1.131370830e+01, v17;
	[tilespmem:s9+$0xE010] =	vst v6  }
0x1e3: {  	v63 =	vmul.f32 $1.131370830e+01, v19;
	[tilespmem:s9+$0xE020] =	vst v7;
	v6 =	vld [tilespmem:s9+$0xE0B0];
	v10 =	vadd.f32 v10, v15  }
0x1e4: {  	v9 =	vadd.f32 v9, v17;
	v7 =	vld [tilespmem:s9+$0xE0C0];
	[tilespmem:s9+$0xE030] =	vst v8;
	v15 =	vmul.f32 $1.131370830e+01, v20  }
0x1e5: {  	v11 =	vadd.f32 v11, v63;
	v8 =	vld [tilespmem:s9+$0xE0D0];
	[tilespmem:s9+$0xE050] =	vst v10;
	v10 =	vmul.f32 $1.131370830e+01, v13  }
0x1e6: {  	[tilespmem:s9+$0xE040] =	vst v9;
	v9 =	vld [tilespmem:s9+$0xE0E0];
	v12 =	vadd.f32 v12, v15;
	v13 =	vmul.f32 $1.131370830e+01, v21  }
0x1e7: {  	s7 =	simm.s32 $0x7C0;
	[tilespmem:s9+$0xE060] =	vst v11;
	v11 =	vmul.f32 $1.131370830e+01, v62;
	v14 =	vadd.f32 v14, v10;
	v10 =	vld [tilespmem:s9+$0xE0F0]  }
.LBB2_12:
0x1e8: {  	p0 =	sne.s32 s7, $0xCFC0;
	[tilespmem:s9+$0xE070] =	vst v12;
	v5 =	vadd.f32 v5, v13;
	v6 =	vmul.f32 $1.131370830e+01, v6;
	v12 =	vld [tilespmem:s9+$0xE100]  }
0x1e9: {  	[tilespmem:s9+$0xE080] =	vst v14;
	v4 =	vadd.f32 v4, v11;
	v7 =	vmul.f32 $1.131370830e+01, v7;
	v11 =	vld [tilespmem:s9+$0xFFFFFFF0]  }
0x1ea: {  	s8 =	sshra.s32 s7, $0x2;
	[tilespmem:s9+$0xE090] =	vst v5;
	v3 =	vadd.f32 v3, v6;
	v5 =	vmul.f32 $1.131370830e+01, v8;
	v6 =	vld [tilespmem:s9+$0x0]  }
0x1eb: {  	v8 =	vld [tilespmem:s8+$0xFFFFFF10];
	[tilespmem:s9+$0xE0A0] =	vst v4;
	v2 =	vadd.f32 v2, v7;
	v4 =	vmul.f32 $1.131370830e+01, v9  }
0x1ec: {  	v7 =	vld [tilespmem:s8+$0xFFFFFF20];
	[tilespmem:s9+$0xE0B0] =	vst v3;
	v1 =	vadd.f32 v1, v5;
	v3 =	vmul.f32 $1.131370830e+01, v10  }
0x1ed: {  	v9 =	vld [tilespmem:s8+$0xFFFFFF30];
	[tilespmem:s9+$0xE0C0] =	vst v2;
	v0 =	vadd.f32 v0, v4;
	v2 =	vmul.f32 $1.131370830e+01, v12  }
0x1ee: {  	v10 =	vld [tilespmem:s8+$0xFFFFFF40];
	[tilespmem:s9+$0xE0D0] =	vst v1;
	v1 =	vadd.f32 v11, v3  }
0x1ef: {  	v11 =	vld [tilespmem:s8+$0xFFFFFF50];
	[tilespmem:s9+$0xE0E0] =	vst v0;
	v0 =	vadd.f32 v6, v2  }
0x1f0: {  	v12 =	vld [tilespmem:s8+$0xFFFFFF60];
	[tilespmem:s9+$0xE0F0] =	vst v1  }
0x1f1: {  	v13 =	vld [tilespmem:s8+$0xFFFFFF70];
	[tilespmem:s9+$0xE100] =	vst v0;
	s9 =	smov.u32 s8  }
0x1f2: {  	v14 =	vld [tilespmem:s9+$0xFFFFFF80]  }
0x1f3: {  	v5 =	vld [tilespmem:s9+$0xFFFFFF90]  }
0x1f4: {  	v4 =	vld [tilespmem:s9+$0xFFFFFFA0]  }
0x1f5: {  	v3 =	vld [tilespmem:s9+$0xFFFFFFB0]  }
0x1f6: {  	v2 =	vld [tilespmem:s9+$0xFFFFFFC0]  }
0x1f7: {  	v1 =	vld [tilespmem:s9+$0xFFFFFFD0]  }
0x1f8: {  	v0 =	vld [tilespmem:s9+$0xFFFFFFE0]  }
0x1f9: {  	v6 =	vld [tilespmem:s9+$0xE010]  }
0x1fa: {  	v15 =	vld [tilespmem:s9+$0xE020]  }
0x1fb: {  	v16 =	vld [tilespmem:s9+$0xE030]  }
0x1fc: {  	v17 =	vld [tilespmem:s9+$0xE040]  }
0x1fd: {  	v18 =	vld [tilespmem:s9+$0xE050]  }
0x1fe: {  	v6 =	vmul.f32 $1.131370830e+01, v6;
	v19 =	vld [tilespmem:s9+$0xE060]  }
0x1ff: {  	v15 =	vmul.f32 $1.131370830e+01, v15;
	v20 =	vld [tilespmem:s9+$0xE070]  }
0x200: {  	v6 =	vadd.f32 v8, v6;
	v8 =	vmul.f32 $1.131370830e+01, v16;
	v16 =	vld [tilespmem:s9+$0xE080]  }
0x201: {  	v7 =	vadd.f32 v7, v15;
	v15 =	vmul.f32 $1.131370830e+01, v17;
	v17 =	vld [tilespmem:s9+$0xE090]  }
0x202: {  	[tilespmem:s9+$0xE010] =	vst v6;
	v8 =	vadd.f32 v9, v8;
	v9 =	vmul.f32 $1.131370830e+01, v18;
	v18 =	vld [tilespmem:s9+$0xE0A0]  }
.Ltmp5:
0x203: {  	[tilespmem:s9+$0xE020] =	vst v7;
	v10 =	vadd.f32 v10, v15;
	v15 =	vmul.f32 $1.131370830e+01, v19;
	v6 =	vld [tilespmem:s9+$0xE0B0];
	(pc) =	sbr.rel @p0 .LBB2_12-.Ltmp5, $4  }
0x204: {  	[tilespmem:s9+$0xE030] =	vst v8;
	v9 =	vadd.f32 v11, v9;
	v11 =	vmul.f32 $1.131370830e+01, v20;
	v7 =	vld [tilespmem:s9+$0xE0C0]  }
0x205: {  	[tilespmem:s9+$0xE040] =	vst v10;
	v10 =	vadd.f32 v12, v15;
	v15 =	vmul.f32 $1.131370830e+01, v16;
	v8 =	vld [tilespmem:s9+$0xE0D0]  }
0x206: {  	[tilespmem:s9+$0xE050] =	vst v9;
	v12 =	vadd.f32 v13, v11;
	v13 =	vmul.f32 $1.131370830e+01, v17;
	v9 =	vld [tilespmem:s9+$0xE0E0]  }
0x207: {  	s7 =	sadd.s32 $0x400, s7;
	[tilespmem:s9+$0xE060] =	vst v10;
	v14 =	vadd.f32 v14, v15;
	v11 =	vmul.f32 $1.131370830e+01, v18;
	v10 =	vld [tilespmem:s9+$0xE0F0]  }
0x208: {  	[tilespmem:s9+$0xE070] =	vst v12;
	v12 =	vld [tilespmem:s9+$0xE100];
	v5 =	vadd.f32 v5, v13;
	v6 =	vmul.f32 $1.131370830e+01, v6  }
0x209: {  	v13 =	vld [tilespmem:s9+$0xFFFFFFF0];
	[tilespmem:s9+$0xE080] =	vst v14;
	v4 =	vadd.f32 v4, v11;
	v7 =	vmul.f32 $1.131370830e+01, v7  }
0x20a: {  	[tilespmem:s9+$0xE090] =	vst v5;
	v3 =	vadd.f32 v3, v6;
	v5 =	vmul.f32 $1.131370830e+01, v8;
	v6 =	vld [tilespmem:s9+$0x0]  }
0x20b: {  	[tilespmem:s9+$0xE0A0] =	vst v4;
	v2 =	vadd.f32 v2, v7;
	v4 =	vmul.f32 $1.131370830e+01, v9  }
0x20c: {  	[tilespmem:s9+$0xE0B0] =	vst v3;
	v1 =	vadd.f32 v1, v5;
	v3 =	vmul.f32 $1.131370830e+01, v10  }
0x20d: {  	[tilespmem:s9+$0xE0C0] =	vst v2;
	v0 =	vadd.f32 v0, v4;
	v2 =	vmul.f32 $1.131370830e+01, v12  }
0x20e: {  	[tilespmem:s9+$0xE0D0] =	vst v1;
	v1 =	vadd.f32 v13, v3  }
0x20f: {  	[tilespmem:s9+$0xE0E0] =	vst v0;
	v0 =	vadd.f32 v6, v2  }
0x210: {  	[tilespmem:s9+$0xE0F0] =	vst v1  }
0x211: {  	s7 =	simm.s32 $0x0;
	s8 =	rddreg [dreg:$0x7];
	[tilespmem:s9+$0xE100] =	vst v0;
	s9 =	simm.s32 $0x0  }
0x212: {  	[hbm4b:s8+s7] =	stream.linear.scatter [tilespmem:s25], [sflag:$0x5], $0x3400, $0x38;
	[tilespmem:$0x1A900] =	vst v63  }
0x213: {  	v6 =	vld [tilespmem:s9+$0x3400]  }
0x214: {  	v7 =	vld [tilespmem:s9+$0x3410]  }
0x215: {  	v8 =	vld [tilespmem:s9+$0x3420]  }
0x216: {  	v9 =	vld [tilespmem:s9+$0x3430]  }
0x217: {  	v10 =	vld [tilespmem:s9+$0x3440]  }
0x218: {  	v11 =	vld [tilespmem:s9+$0x3450]  }
0x219: {  	v12 =	vld [tilespmem:s9+$0x3460]  }
0x21a: {  	v14 =	vld [tilespmem:s9+$0x3470]  }
0x21b: {  	v5 =	vld [tilespmem:s9+$0x3480]  }
0x21c: {  	v4 =	vld [tilespmem:s9+$0x3490]  }
0x21d: {  	v3 =	vld [tilespmem:s9+$0x34A0]  }
0x21e: {  	v2 =	vld [tilespmem:s9+$0x34B0]  }
0x21f: {  	v1 =	vld [tilespmem:s9+$0x34C0]  }
0x220: {  	v15 =	vld [tilespmem:s9+$0x11510]  }
0x221: {  	v13 =	vld [tilespmem:s9+$0x11500]  }
0x222: {  	v16 =	vld [tilespmem:s9+$0x11520]  }
0x223: {  	v0 =	vld [tilespmem:s9+$0x34D0]  }
0x224: {  	v18 =	vld [tilespmem:s9+$0x11540]  }
0x225: {  	v17 =	vld [tilespmem:s9+$0x11530];
	v15 =	vmul.f32 $1.131370830e+01, v15  }
0x226: {  	v19 =	vld [tilespmem:s9+$0x11550];
	v13 =	vmul.f32 $1.131370830e+01, v13  }
0x227: {  	v20 =	vld [tilespmem:s9+$0x11560];
	v7 =	vadd.f32 v7, v15;
	v15 =	vmul.f32 $1.131370830e+01, v16  }
0x228: {  	v6 =	vadd.f32 v6, v13;
	v13 =	vld [tilespmem:s9+$0x11570]  }
0x229: {  	v21 =	vld [tilespmem:s9+$0x11580];
	v8 =	vadd.f32 v8, v15;
	v15 =	vmul.f32 $1.131370830e+01, v18  }
0x22a: {  	v62 =	vld [tilespmem:s9+$0x11590];
	v17 =	vmul.f32 $1.131370830e+01, v17;
	[tilespmem:s9+$0x11500] =	vst v6  }
0x22b: {  	v63 =	vmul.f32 $1.131370830e+01, v19;
	[tilespmem:s9+$0x11510] =	vst v7;
	v6 =	vld [tilespmem:s9+$0x115A0];
	v10 =	vadd.f32 v10, v15  }
0x22c: {  	v9 =	vadd.f32 v9, v17;
	v7 =	vld [tilespmem:s9+$0x115B0];
	[tilespmem:s9+$0x11520] =	vst v8;
	v15 =	vmul.f32 $1.131370830e+01, v20  }
0x22d: {  	v11 =	vadd.f32 v11, v63;
	v8 =	vld [tilespmem:s9+$0x115C0];
	[tilespmem:s9+$0x11540] =	vst v10;
	v10 =	vmul.f32 $1.131370830e+01, v13  }
0x22e: {  	[tilespmem:s9+$0x11530] =	vst v9;
	v9 =	vld [tilespmem:s9+$0x115D0];
	v12 =	vadd.f32 v12, v15;
	v13 =	vmul.f32 $1.131370830e+01, v21  }
0x22f: {  	s7 =	simm.s32 $0x400;
	[tilespmem:s9+$0x11550] =	vst v11;
	v11 =	vmul.f32 $1.131370830e+01, v62;
	v14 =	vadd.f32 v14, v10;
	v10 =	vld [tilespmem:s9+$0x115E0]  }
.LBB2_14:
0x230: {  	p0 =	sne.s32 s7, $0xBC00;
	[tilespmem:s9+$0x11560] =	vst v12;
	v5 =	vadd.f32 v5, v13;
	v6 =	vmul.f32 $1.131370830e+01, v6;
	v12 =	vld [tilespmem:s9+$0x115F0]  }
0x231: {  	[tilespmem:s9+$0x11570] =	vst v14;
	v4 =	vadd.f32 v4, v11;
	v7 =	vmul.f32 $1.131370830e+01, v7;
	v11 =	vld [tilespmem:s9+$0x34E0]  }
0x232: {  	s8 =	sshra.s32 s7, $0x2;
	[tilespmem:s9+$0x11580] =	vst v5;
	v3 =	vadd.f32 v3, v6;
	v5 =	vmul.f32 $1.131370830e+01, v8;
	v6 =	vld [tilespmem:s9+$0x34F0]  }
0x233: {  	v8 =	vld [tilespmem:s8+$0x3400];
	[tilespmem:s9+$0x11590] =	vst v4;
	v2 =	vadd.f32 v2, v7;
	v4 =	vmul.f32 $1.131370830e+01, v9  }
0x234: {  	v7 =	vld [tilespmem:s8+$0x3410];
	[tilespmem:s9+$0x115A0] =	vst v3;
	v1 =	vadd.f32 v1, v5;
	v3 =	vmul.f32 $1.131370830e+01, v10  }
0x235: {  	v9 =	vld [tilespmem:s8+$0x3420];
	[tilespmem:s9+$0x115B0] =	vst v2;
	v0 =	vadd.f32 v0, v4;
	v2 =	vmul.f32 $1.131370830e+01, v12  }
0x236: {  	v10 =	vld [tilespmem:s8+$0x3430];
	[tilespmem:s9+$0x115C0] =	vst v1;
	v1 =	vadd.f32 v11, v3  }
0x237: {  	v11 =	vld [tilespmem:s8+$0x3440];
	[tilespmem:s9+$0x115D0] =	vst v0;
	v0 =	vadd.f32 v6, v2  }
0x238: {  	v12 =	vld [tilespmem:s8+$0x3450];
	[tilespmem:s9+$0x115E0] =	vst v1  }
0x239: {  	v13 =	vld [tilespmem:s8+$0x3460];
	[tilespmem:s9+$0x115F0] =	vst v0;
	s9 =	smov.u32 s8  }
0x23a: {  	v14 =	vld [tilespmem:s9+$0x3470]  }
0x23b: {  	v5 =	vld [tilespmem:s9+$0x3480]  }
0x23c: {  	v4 =	vld [tilespmem:s9+$0x3490]  }
0x23d: {  	v3 =	vld [tilespmem:s9+$0x34A0]  }
0x23e: {  	v2 =	vld [tilespmem:s9+$0x34B0]  }
0x23f: {  	v1 =	vld [tilespmem:s9+$0x34C0]  }
0x240: {  	v0 =	vld [tilespmem:s9+$0x34D0]  }
0x241: {  	v6 =	vld [tilespmem:s9+$0x11500]  }
0x242: {  	v15 =	vld [tilespmem:s9+$0x11510]  }
0x243: {  	v16 =	vld [tilespmem:s9+$0x11520]  }
0x244: {  	v17 =	vld [tilespmem:s9+$0x11530]  }
0x245: {  	v18 =	vld [tilespmem:s9+$0x11540]  }
0x246: {  	v6 =	vmul.f32 $1.131370830e+01, v6;
	v19 =	vld [tilespmem:s9+$0x11550]  }
0x247: {  	v15 =	vmul.f32 $1.131370830e+01, v15;
	v20 =	vld [tilespmem:s9+$0x11560]  }
0x248: {  	v6 =	vadd.f32 v8, v6;
	v8 =	vmul.f32 $1.131370830e+01, v16;
	v16 =	vld [tilespmem:s9+$0x11570]  }
0x249: {  	v7 =	vadd.f32 v7, v15;
	v15 =	vmul.f32 $1.131370830e+01, v17;
	v17 =	vld [tilespmem:s9+$0x11580]  }
0x24a: {  	[tilespmem:s9+$0x11500] =	vst v6;
	v8 =	vadd.f32 v9, v8;
	v9 =	vmul.f32 $1.131370830e+01, v18;
	v18 =	vld [tilespmem:s9+$0x11590]  }
.Ltmp6:
0x24b: {  	[tilespmem:s9+$0x11510] =	vst v7;
	v10 =	vadd.f32 v10, v15;
	v15 =	vmul.f32 $1.131370830e+01, v19;
	v6 =	vld [tilespmem:s9+$0x115A0];
	(pc) =	sbr.rel @p0 .LBB2_14-.Ltmp6, $4  }
0x24c: {  	[tilespmem:s9+$0x11520] =	vst v8;
	v9 =	vadd.f32 v11, v9;
	v11 =	vmul.f32 $1.131370830e+01, v20;
	v7 =	vld [tilespmem:s9+$0x115B0]  }
0x24d: {  	[tilespmem:s9+$0x11530] =	vst v10;
	v10 =	vadd.f32 v12, v15;
	v15 =	vmul.f32 $1.131370830e+01, v16;
	v8 =	vld [tilespmem:s9+$0x115C0]  }
0x24e: {  	[tilespmem:s9+$0x11540] =	vst v9;
	v12 =	vadd.f32 v13, v11;
	v13 =	vmul.f32 $1.131370830e+01, v17;
	v9 =	vld [tilespmem:s9+$0x115D0]  }
0x24f: {  	s7 =	sadd.s32 $0x400, s7;
	[tilespmem:s9+$0x11550] =	vst v10;
	v14 =	vadd.f32 v14, v15;
	v11 =	vmul.f32 $1.131370830e+01, v18;
	v10 =	vld [tilespmem:s9+$0x115E0]  }
0x250: {  	[tilespmem:s9+$0x11560] =	vst v12;
	v55 =	vld [tilespmem:s9+$0x115F0];
	v5 =	vadd.f32 v5, v13;
	v6 =	vmul.f32 $1.131370830e+01, v6  }
0x251: {  	v56 =	vld [tilespmem:s9+$0x34E0];
	[tilespmem:s9+$0x11570] =	vst v14;
	v4 =	vadd.f32 v4, v11;
	v7 =	vmul.f32 $1.131370830e+01, v7  }
0x252: {  	v58 =	vld [tilespmem:s9+$0x34F0];
	[tilespmem:s9+$0x11580] =	vst v5;
	v3 =	vadd.f32 v3, v6;
	v57 =	vmul.f32 $1.131370830e+01, v8  }
0x253: {  	[tilespmem:s9+$0x11590] =	vst v4;
	v2 =	vadd.f32 v2, v7;
	v59 =	vmul.f32 $1.131370830e+01, v9  }
0x254: {  	[tilespmem:s9+$0x115A0] =	vst v3;
	v1 =	vadd.f32 v1, v57;
	v60 =	vmul.f32 $1.131370830e+01, v10  }
0x255: {  	[tilespmem:s9+$0x115B0] =	vst v2;
	v0 =	vadd.f32 v0, v59;
	v61 =	vmul.f32 $1.131370830e+01, v55  }
0x256: {  	[tilespmem:s9+$0x115C0] =	vst v1;
	v62 =	vadd.f32 v56, v60  }
0x257: {  	[tilespmem:s9+$0x115D0] =	vst v0;
	v63 =	vadd.f32 v58, v61  }
0x258: {  	[tilespmem:s9+$0x115E0] =	vst v62  }
0x259: {  	s7 =	rddreg [dreg:$0x8];
	s8 =	simm.s32 $0x11500;
	[tilespmem:s9+$0x115F0] =	vst v63  }
0x25a: {  	[hbm4b:s7+s5] =	stream.linear.scatter [tilespmem:s8], [sflag:$0x5], $0x3000, $0x38;
	[tilespmem:$0x1A900] =	vst v63  }
0x25b: {  	_ =	swait.ge [sflag:s22], $0x6400  }
0x25c: {  	[sflag:s22] =	ssyncset.done $0x0  }
0x25d: {  	[sflag:s22] =	ssyncadd.s32 $0xFFFF9C00  }
0x25e: {  	_ =	swait.ge [sflag:s11], $0x3400  }
0x25f: {  	[sflag:s11] =	ssyncset.done $0x0  }
0x260: {  	[sflag:s11] =	ssyncadd.s32 $0xFFFFCC00  }
0x261: {  	_ =	swait.ge [sflag:s11], $0x3000  }
0x262: {  	s13 =	rddreg [dreg:$0xa]  }
0x263: {  	s24 =	rddreg [dreg:$0x9];
	s8 =	sadd.s32 $0x1, s13  }
0x264: {  	p0 =	sne.s32 s8, s24  }
.Ltmp7:
0x265: {  	_ = 	snop;
	(pc) =	sbr.rel @p0 .LBB2_1-.Ltmp7, $3  }
0x266: {  	_ =	sdelay $0x1  }
0x267: {  	[sflag:s11] =	ssyncset.done $0x0  }
0x268: {  	[sflag:s11] =	ssyncadd.s32 $0xFFFFD000  }
0x269: {  	_ =	sfence.sel $0x180000  }
0x26a: {  	[bflag:$0x0] =	sbarrier.arrive $0xFFFF  }
0x26b: {  	_ =	strace $0x90000047  }
0x26c: {  	s0 =	stileid.u32;
	[bflag:$0x2] =	sbarrier.arrive $0xFFFF  }
0x26d: {  	p0 =	sne.s32 s0, $0x0;
	s0 =	rddreg [dreg:$0x4]  }
0x26e: {  	s0 =	sadd.s32 @!p0 $0x100000, s0  }
0x26f: {  	[sflag:s0] =	ssyncadd.tile.s32 @!p0 $0x1;
	_ =	shalt  }
.Lfunc_end2:
_tile_overlayer_lowered:
.L_overlay_start_2:
0x270: {  	(tag) =	ssettag $0x2  }
0x271: {  	s0 =	rddreg [dreg:$0x0];
	s2 =	stileid.u32  }
0x272: {  	s1 =	rddreg [dreg:$0x1];
	p0 =	sne.s32 s2, $0x0  }
0x273: {  	s3 =	rddreg [dreg:$0x2];
	[bflag:$0x3] =	sbarrier.arrive $0xFFFF;
	s2 =	simm.s32 @!p0 $0x1C07  }
0x274: {  	[timem:s3], [sflag:s2] =	dma.local @!p0 [hbm:s0], s1  }
0x275: {  	s0 =	simm.s32 @!p0 $0x7  }
0x276: {  	_ =	swait.ge @!p0 [sflag:s0], s1  }
0x277: {  	s1 =	ssub.s32 @!p0 $0x0, s1;
	[sflag:s0] =	ssyncset.done @!p0 $0x0  }
0x278: {  	[sflag:s0] =	ssyncadd.s32 @!p0 s1  }
0x279: {  	[bflag:$0x3] =	sbarrier.arrive $0xFFFF  }
0x27a: {  	_ =	shalt  }

</sc_bundles>
